<compile_context>
chip_gen: v7x
topology: tpu7x:2x2x1
jax: 0.10.2.dev20260603
libtpu: 0.0.44.dev20260713+nightly
codegen_flags: <defaults>
</compile_context>

<pallas_src>
import jax
import jax.numpy as jnp
from jax import lax
from jax.experimental import pallas as pl
from jax.experimental.pallas import tpu as pltpu
from jax.experimental.pallas import tpu_sc as plsc

B, S, D = 16384, 200, 32
N = B * S
NC, NS = 2, 16
NW = NC * NS
PER_W = N // NW
K = 640
NBLK = PER_W // K
G = K // 16
GB = 128
NGB = K // GB
NH, ND, NM = 24, 7, 12
NCOMB = NH * ND * NM


def _body(hours_ref, days_ref, months_ref, ht_ref, dt_ref, mt_ref, out_ref,
          ht_v, dt_v, mt_v, comb_v, comb_sh,
          h_idx0, d_idx0, m_idx0, obuf0, cidx0,
          h_idx1, d_idx1, m_idx1, obuf1, cidx1,
          sem_in0, sem_in1, sem_out0, sem_out1, sem_g0, sem_g1):
    wid = lax.axis_index("s") * NC + lax.axis_index("c")
    w_base = wid * PER_W

    @pl.when(lax.axis_index("s") == 0)
    def _():
        pltpu.sync_copy(ht_ref, ht_v)
        pltpu.sync_copy(dt_ref, dt_v)
        pltpu.sync_copy(mt_ref, mt_v)

        def h_loop(h, carry):
            h0 = ht_v[pl.ds(h * D, 16)]
            h1 = ht_v[pl.ds(h * D + 16, 16)]
            for d in range(ND):
                hd0 = h0 + dt_v[pl.ds(d * D, 16)]
                hd1 = h1 + dt_v[pl.ds(d * D + 16, 16)]
                for m in range(NM):
                    r = (h * ND + d) * NM + m
                    comb_v[r, pl.ds(0, 16)] = hd0 + mt_v[pl.ds(m * D, 16)]
                    comb_v[r, pl.ds(16, 16)] = hd1 + mt_v[pl.ds(m * D + 16, 16)]
            return carry

        lax.fori_loop(0, NH, h_loop, 0)
        pltpu.sync_copy(comb_v, comb_sh)

    plsc.subcore_barrier()

    slots = ((h_idx0, d_idx0, m_idx0, obuf0, cidx0, sem_in0, sem_out0, sem_g0),
             (h_idx1, d_idx1, m_idx1, obuf1, cidx1, sem_in1, sem_out1, sem_g1))

    def issue_in(b, slot):
        h_i, d_i, m_i = slot[0], slot[1], slot[2]
        s_in = slot[5]
        base = w_base + b * K
        pltpu.async_copy(hours_ref.at[pl.ds(base, K)], h_i, s_in)
        pltpu.async_copy(days_ref.at[pl.ds(base, K)], d_i, s_in)
        pltpu.async_copy(months_ref.at[pl.ds(base, K)], m_i, s_in)

    def wait_in(b, slot):
        h_i, d_i, m_i = slot[0], slot[1], slot[2]
        s_in = slot[5]
        base = w_base + b * K
        pltpu.make_async_copy(hours_ref.at[pl.ds(base, K)], h_i, s_in).wait()
        pltpu.make_async_copy(days_ref.at[pl.ds(base, K)], d_i, s_in).wait()
        pltpu.make_async_copy(months_ref.at[pl.ds(base, K)], m_i, s_in).wait()

    def issue_out(b, slot):
        ob, s_out = slot[3], slot[6]
        base = w_base + b * K
        pltpu.async_copy(ob, out_ref.at[pl.ds(base, K)], s_out)

    def wait_out(b, slot):
        ob, s_out = slot[3], slot[6]
        base = w_base + b * K
        pltpu.make_async_copy(ob, out_ref.at[pl.ds(base, K)], s_out).wait()

    def compute_cidx(slot):
        h_i, d_i, m_i, ci = slot[0], slot[1], slot[2], slot[4]

        @plsc.parallel_loop(0, G, step=1, unroll=4)
        def group(g):
            h = h_i[pl.ds(g * 16, 16)]
            d = d_i[pl.ds(g * 16, 16)]
            m = m_i[pl.ds(g * 16, 16)]
            ci[pl.ds(g * 16, 16)] = (h * (ND * NM) + d * NM) + m

    def fire_gathers(slot):
        ob, ci, s_g = slot[3], slot[4], slot[7]
        for q in range(NGB):
            pltpu.async_copy(comb_sh.at[ci.at[pl.ds(q * GB, GB)]],
                             ob.at[pl.ds(q * GB, GB)], s_g)

    def drain_gathers(slot):
        ob, ci, s_g = slot[3], slot[4], slot[7]
        for q in range(NGB):
            pltpu.make_async_copy(comb_sh.at[ci.at[pl.ds(q * GB, GB)]],
                                  ob.at[pl.ds(q * GB, GB)], s_g).wait()

    issue_in(0, slots[0])

    def block2(i, carry):
        for half, slot in ((0, slots[0]), (1, slots[1])):
            b = 2 * i + half
            nxt = slots[1 - half]

            @pl.when(b + 1 < NBLK)
            def _():
                issue_in(b + 1, nxt)

            wait_in(b, slot)
            compute_cidx(slot)

            @pl.when(b >= 2)
            def _():
                wait_out(b - 2, slot)

            fire_gathers(slot)
            drain_gathers(slot)
            issue_out(b, slot)
        return carry

    lax.fori_loop(0, NBLK // 2, block2, 0)
    wait_out(NBLK - 2, slots[0])
    wait_out(NBLK - 1, slots[1])


@jax.jit
def _run(hours2, days2, months2, ht_f, dt_f, mt_f):
    mesh = plsc.VectorSubcoreMesh(core_axis_name="c", subcore_axis_name="s")
    kern = pl.kernel(
        _body,
        out_type=jax.ShapeDtypeStruct((N, D), jnp.float32),
        mesh=mesh,
        scratch_types=[
            pltpu.VMEM((NH * D,), jnp.float32),
            pltpu.VMEM((ND * D,), jnp.float32),
            pltpu.VMEM((NM * D,), jnp.float32),
            pltpu.VMEM((NCOMB, D), jnp.float32),
            pltpu.VMEM_SHARED((NCOMB, D), jnp.float32),
            pltpu.VMEM((K,), jnp.int32),
            pltpu.VMEM((K,), jnp.int32),
            pltpu.VMEM((K,), jnp.int32),
            pltpu.VMEM((K, D), jnp.float32),
            pltpu.VMEM((K,), jnp.int32),
            pltpu.VMEM((K,), jnp.int32),
            pltpu.VMEM((K,), jnp.int32),
            pltpu.VMEM((K,), jnp.int32),
            pltpu.VMEM((K, D), jnp.float32),
            pltpu.VMEM((K,), jnp.int32),
            pltpu.SemaphoreType.DMA,
            pltpu.SemaphoreType.DMA,
            pltpu.SemaphoreType.DMA,
            pltpu.SemaphoreType.DMA,
            pltpu.SemaphoreType.DMA,
            pltpu.SemaphoreType.DMA,
        ],
        compiler_params=pltpu.CompilerParams(
            use_tc_tiling_on_sc=False, needs_layout_passes=False,
            disable_bounds_checks=True),
    )
    return kern(hours2, days2, months2, ht_f, dt_f, mt_f)


def kernel(hours, days, months, hour_table, day_table, month_table):
    hours2 = hours.astype(jnp.int32).reshape(N)
    days2 = days.astype(jnp.int32).reshape(N)
    months2 = months.astype(jnp.int32).reshape(N)
    out = _run(hours2, days2, months2, hour_table.reshape(NH * D),
               day_table.reshape(ND * D), month_table.reshape(NM * D))
    return out.reshape(B, S, D)

# --- scband reference (transcript-rebuilt; emitter-appended) ---
"""Pipeline reference for scband-temporal-embedding-17154099380468 (READ-ONLY COPY).

The authoritative reference and input builder live on the scoring server;
editing this copy changes nothing except your own understanding.
"""

import jax, jax.numpy as jnp
import numpy as np

B, S, D = 16384, 200, 32

def setup_inputs(seed: int = 0) -> dict:
    key = jax.random.key(seed)
    k1, k2, k3, k4, k5, k6 = jax.random.split(key, 6)
    hours = jax.random.randint(k1, (B, S), 0, 24, dtype=jnp.int64) if jax.config.jax_enable_x64 else jax.random.randint(k1, (B, S), 0, 24)
    days = jax.random.randint(k2, (B, S), 0, 7)
    months = jax.random.randint(k3, (B, S), 0, 12)
    hour_table = jax.random.normal(k4, (24, D), dtype=jnp.float32)
    day_table = jax.random.normal(k5, (7, D), dtype=jnp.float32)
    month_table = jax.random.normal(k6, (12, D), dtype=jnp.float32)
    return {"hours": hours, "days": days, "months": months,
            "hour_table": hour_table, "day_table": day_table, "month_table": month_table}

def reference(hours, days, months, hour_table, day_table, month_table):
    # nn.Embedding lookup == row gather from the table
    hour_emb = jnp.take(hour_table, hours, axis=0)    # [B, S, D]
    day_emb = jnp.take(day_table, days, axis=0)       # [B, S, D]
    month_emb = jnp.take(month_table, months, axis=0) # [B, S, D]
    temporal_emb = hour_emb + day_emb + month_emb
    return temporal_emb

if __name__ == "__main__":
    import jax
    _d = setup_inputs()
    print(jax.jit(kernel)(*tuple(_d.values())))

</pallas_src>

<mosaic_0001>
#map = affine_map<(d0, d1) -> (0)>
#map1 = affine_map<(d0, d1) -> (0, 0)>
module attributes {stable_mosaic.version = 14 : i64} {
  func.func @_body(%arg0: i32, %arg1: i32, %arg2: memref<3276800xi32, #tpu.memory_space<hbm>>, %arg3: memref<3276800xi32, #tpu.memory_space<hbm>>, %arg4: memref<3276800xi32, #tpu.memory_space<hbm>>, %arg5: memref<768xf32, #tpu.memory_space<hbm>>, %arg6: memref<224xf32, #tpu.memory_space<hbm>>, %arg7: memref<384xf32, #tpu.memory_space<hbm>>, %arg8: memref<3276800x32xf32, #tpu.memory_space<hbm>>, %arg9: memref<768xf32, #tpu.memory_space<vmem>>, %arg10: memref<224xf32, #tpu.memory_space<vmem>>, %arg11: memref<384xf32, #tpu.memory_space<vmem>>, %arg12: memref<2016x32xf32, #tpu.memory_space<vmem>>, %arg13: memref<2016x32xf32, #tpu.memory_space<vmem_shared>>, %arg14: memref<640xi32, #tpu.memory_space<vmem>>, %arg15: memref<640xi32, #tpu.memory_space<vmem>>, %arg16: memref<640xi32, #tpu.memory_space<vmem>>, %arg17: memref<640x32xf32, #tpu.memory_space<vmem>>, %arg18: memref<640xi32, #tpu.memory_space<vmem>>, %arg19: memref<640xi32, #tpu.memory_space<vmem>>, %arg20: memref<640xi32, #tpu.memory_space<vmem>>, %arg21: memref<640xi32, #tpu.memory_space<vmem>>, %arg22: memref<640x32xf32, #tpu.memory_space<vmem>>, %arg23: memref<640xi32, #tpu.memory_space<vmem>>, %arg24: memref<!tpu.dma_semaphore, #tpu.memory_space<semaphore_mem>>, %arg25: memref<!tpu.dma_semaphore, #tpu.memory_space<semaphore_mem>>, %arg26: memref<!tpu.dma_semaphore, #tpu.memory_space<semaphore_mem>>, %arg27: memref<!tpu.dma_semaphore, #tpu.memory_space<semaphore_mem>>, %arg28: memref<!tpu.dma_semaphore, #tpu.memory_space<semaphore_mem>>, %arg29: memref<!tpu.dma_semaphore, #tpu.memory_space<semaphore_mem>>) attributes {dimension_semantics = [#tpu.dimension_semantics<core_parallel>, #tpu.dimension_semantics<subcore_parallel>], iteration_bounds = array<i64: 2, 16>, scalar_prefetch = 0 : i64, scratch_operands = 21 : i64, tpu.core_type = #tpu.core_type<sc_vector_subcore>, window_params = [{transform_indices = #map}, {transform_indices = #map}, {transform_indices = #map}, {transform_indices = #map}, {transform_indices = #map}, {transform_indices = #map}, {transform_indices = #map1}]} {
    %mul3A = arith.constant 2 : i32
    %mul3A_0 = arith.muli %arg1, %mul3A : i32
    %add3A = arith.addi %mul3A_0, %arg0 : i32
    %mul3A_1 = arith.constant 102400 : i32
    %mul3A_2 = arith.muli %add3A, %mul3A_1 : i32
    %eq3A = arith.constant 0 : i32
    %eq3A_3 = arith.cmpi eq, %arg1, %eq3A : i32
    %convert_element_type3A = arith.extui %eq3A_3 : i1 to i32
    %cond3A = arith.constant 0 : i32
    %cond3A_4 = arith.cmpi ne, %convert_element_type3A, %cond3A : i32
    scf.if %cond3A_4 {
      "tpu.region"() ({
        %run_scoped3A = tpu.sem_alloc : memref<!tpu.dma_semaphore, #tpu.memory_space<semaphore_mem>>
        tpu.enqueue_dma source(%arg5 : memref<768xf32, #tpu.memory_space<hbm>>) target(%arg9 : memref<768xf32, #tpu.memory_space<vmem>>) target_semaphore(%run_scoped3A : memref<!tpu.dma_semaphore, #tpu.memory_space<semaphore_mem>>)
        tpu.wait_dma2 semaphore(%run_scoped3A : memref<!tpu.dma_semaphore, #tpu.memory_space<semaphore_mem>>) src(%arg5 : memref<768xf32, #tpu.memory_space<hbm>>) dst(%arg9 : memref<768xf32, #tpu.memory_space<vmem>>)
        tpu.yield
      }) : () -> ()
      "tpu.region"() ({
        %run_scoped3A = tpu.sem_alloc : memref<!tpu.dma_semaphore, #tpu.memory_space<semaphore_mem>>
        tpu.enqueue_dma source(%arg6 : memref<224xf32, #tpu.memory_space<hbm>>) target(%arg10 : memref<224xf32, #tpu.memory_space<vmem>>) target_semaphore(%run_scoped3A : memref<!tpu.dma_semaphore, #tpu.memory_space<semaphore_mem>>)
        tpu.wait_dma2 semaphore(%run_scoped3A : memref<!tpu.dma_semaphore, #tpu.memory_space<semaphore_mem>>) src(%arg6 : memref<224xf32, #tpu.memory_space<hbm>>) dst(%arg10 : memref<224xf32, #tpu.memory_space<vmem>>)
        tpu.yield
      }) : () -> ()
      "tpu.region"() ({
        %run_scoped3A = tpu.sem_alloc : memref<!tpu.dma_semaphore, #tpu.memory_space<semaphore_mem>>
        tpu.enqueue_dma source(%arg7 : memref<384xf32, #tpu.memory_space<hbm>>) target(%arg11 : memref<384xf32, #tpu.memory_space<vmem>>) target_semaphore(%run_scoped3A : memref<!tpu.dma_semaphore, #tpu.memory_space<semaphore_mem>>)
        tpu.wait_dma2 semaphore(%run_scoped3A : memref<!tpu.dma_semaphore, #tpu.memory_space<semaphore_mem>>) src(%arg7 : memref<384xf32, #tpu.memory_space<hbm>>) dst(%arg11 : memref<384xf32, #tpu.memory_space<vmem>>)
        tpu.yield
      }) : () -> ()
      %scan3A_28 = arith.constant 0 : i32
      %scan3A_29 = arith.constant 0 : i32
      %scan3A_30 = arith.constant 24 : i32
      %scan3A_31 = arith.addi %scan3A_29, %scan3A_30 : i32
      %scan3A_32 = arith.constant 1 : i32
      scf.for %scan3A_34 = %scan3A_29 to %scan3A_31 step %scan3A_32  : i32 {
        %mul3A_35 = arith.constant 32 : i32
        %mul3A_36 = arith.muli %scan3A_34, %mul3A_35 : i32
        %get3A = arith.index_cast %mul3A_36 : i32 to index
        %get3A_37 = tpu.vector_load %arg9[%get3A] {strides = array<i32>} : memref<768xf32, #tpu.memory_space<vmem>>, vector<16xf32>,
        %mul3A_38 = arith.constant 32 : i32
        %mul3A_39 = arith.muli %scan3A_34, %mul3A_38 : i32
        %add3A_40 = arith.constant 16 : i32
        %add3A_41 = arith.addi %mul3A_39, %add3A_40 : i32
        %get3A_42 = arith.index_cast %add3A_41 : i32 to index
        %get3A_43 = tpu.vector_load %arg9[%get3A_42] {strides = array<i32>} : memref<768xf32, #tpu.memory_space<vmem>>, vector<16xf32>,
        %get3A_44 = arith.constant 0 : index
        %get3A_45 = tpu.vector_load %arg10[%get3A_44] {strides = array<i32>} : memref<224xf32, #tpu.memory_space<vmem>>, vector<16xf32>,
        %add3A_46 = arith.addf %get3A_37, %get3A_45 : vector<16xf32>
        %get3A_47 = arith.constant 16 : index
        %get3A_48 = tpu.vector_load %arg10[%get3A_47] {strides = array<i32>} : memref<224xf32, #tpu.memory_space<vmem>>, vector<16xf32>,
        %add3A_49 = arith.addf %get3A_43, %get3A_48 : vector<16xf32>
        %mul3A_50 = arith.constant 7 : i32
        %mul3A_51 = arith.muli %scan3A_34, %mul3A_50 : i32
        %add3A_52 = arith.constant 0 : i32
        %add3A_53 = arith.addi %mul3A_51, %add3A_52 : i32
        %mul3A_54 = arith.constant 12 : i32
        %mul3A_55 = arith.muli %add3A_53, %mul3A_54 : i32
        %add3A_56 = arith.constant 0 : i32
        %add3A_57 = arith.addi %mul3A_55, %add3A_56 : i32
        %get3A_58 = arith.constant 0 : index
        %get3A_59 = tpu.vector_load %arg11[%get3A_58] {strides = array<i32>} : memref<384xf32, #tpu.memory_space<vmem>>, vector<16xf32>,
        %add3A_60 = arith.addf %add3A_46, %get3A_59 : vector<16xf32>
        %swap3A = arith.index_cast %add3A_57 : i32 to index
        %swap3A_61 = arith.constant 0 : index
        %swap3A_62 = tpu.vector_load %arg12[%swap3A, %swap3A_61] {strides = array<i32>} : memref<2016x32xf32, #tpu.memory_space<vmem>>, vector<16xf32>,
        tpu.vector_store %arg12[%swap3A, %swap3A_61], %add3A_60 {strides = array<i32>} : memref<2016x32xf32, #tpu.memory_space<vmem>>, vector<16xf32>,
        %get3A_63 = arith.constant 16 : index
        %get3A_64 = tpu.vector_load %arg11[%get3A_63] {strides = array<i32>} : memref<384xf32, #tpu.memory_space<vmem>>, vector<16xf32>,
        %add3A_65 = arith.addf %add3A_49, %get3A_64 : vector<16xf32>
        %swap3A_66 = arith.index_cast %add3A_57 : i32 to index
        %swap3A_67 = arith.constant 16 : index
        %swap3A_68 = tpu.vector_load %arg12[%swap3A_66, %swap3A_67] {strides = array<i32>} : memref<2016x32xf32, #tpu.memory_space<vmem>>, vector<16xf32>,
        tpu.vector_store %arg12[%swap3A_66, %swap3A_67], %add3A_65 {strides = array<i32>} : memref<2016x32xf32, #tpu.memory_space<vmem>>, vector<16xf32>,
        %mul3A_69 = arith.constant 7 : i32
        %mul3A_70 = arith.muli %scan3A_34, %mul3A_69 : i32
        %add3A_71 = arith.constant 0 : i32
        %add3A_72 = arith.addi %mul3A_70, %add3A_71 : i32
        %mul3A_73 = arith.constant 12 : i32
        %mul3A_74 = arith.muli %add3A_72, %mul3A_73 : i32
        %add3A_75 = arith.constant 1 : i32
        %add3A_76 = arith.addi %mul3A_74, %add3A_75 : i32
        %get3A_77 = arith.constant 32 : index
        %get3A_78 = tpu.vector_load %arg11[%get3A_77] {strides = array<i32>} : memref<384xf32, #tpu.memory_space<vmem>>, vector<16xf32>,
        %add3A_79 = arith.addf %add3A_46, %get3A_78 : vector<16xf32>
        %swap3A_80 = arith.index_cast %add3A_76 : i32 to index
        %swap3A_81 = arith.constant 0 : index
        %swap3A_82 = tpu.vector_load %arg12[%swap3A_80, %swap3A_81] {strides = array<i32>} : memref<2016x32xf32, #tpu.memory_space<vmem>>, vector<16xf32>,
        tpu.vector_store %arg12[%swap3A_80, %swap3A_81], %add3A_79 {strides = array<i32>} : memref<2016x32xf32, #tpu.memory_space<vmem>>, vector<16xf32>,
        %get3A_83 = arith.constant 48 : index
        %get3A_84 = tpu.vector_load %arg11[%get3A_83] {strides = array<i32>} : memref<384xf32, #tpu.memory_space<vmem>>, vector<16xf32>,
        %add3A_85 = arith.addf %add3A_49, %get3A_84 : vector<16xf32>
        %swap3A_86 = arith.index_cast %add3A_76 : i32 to index
        %swap3A_87 = arith.constant 16 : index
        %swap3A_88 = tpu.vector_load %arg12[%swap3A_86, %swap3A_87] {strides = array<i32>} : memref<2016x32xf32, #tpu.memory_space<vmem>>, vector<16xf32>,
        tpu.vector_store %arg12[%swap3A_86, %swap3A_87], %add3A_85 {strides = array<i32>} : memref<2016x32xf32, #tpu.memory_space<vmem>>, vector<16xf32>,
        %mul3A_89 = arith.constant 7 : i32
        %mul3A_90 = arith.muli %scan3A_34, %mul3A_89 : i32
        %add3A_91 = arith.constant 0 : i32
        %add3A_92 = arith.addi %mul3A_90, %add3A_91 : i32
        %mul3A_93 = arith.constant 12 : i32
        %mul3A_94 = arith.muli %add3A_92, %mul3A_93 : i32
        %add3A_95 = arith.constant 2 : i32
        %add3A_96 = arith.addi %mul3A_94, %add3A_95 : i32
        %get3A_97 = arith.constant 64 : index
        %get3A_98 = tpu.vector_load %arg11[%get3A_97] {strides = array<i32>} : memref<384xf32, #tpu.memory_space<vmem>>, vector<16xf32>,
        %add3A_99 = arith.addf %add3A_46, %get3A_98 : vector<16xf32>
        %swap3A_100 = arith.index_cast %add3A_96 : i32 to index
        %swap3A_101 = arith.constant 0 : index
        %swap3A_102 = tpu.vector_load %arg12[%swap3A_100, %swap3A_101] {strides = array<i32>} : memref<2016x32xf32, #tpu.memory_space<vmem>>, vector<16xf32>,
        tpu.vector_store %arg12[%swap3A_100, %swap3A_101], %add3A_99 {strides = array<i32>} : memref<2016x32xf32, #tpu.memory_space<vmem>>, vector<16xf32>,
        %get3A_103 = arith.constant 80 : index
        %get3A_104 = tpu.vector_load %arg11[%get3A_103] {strides = array<i32>} : memref<384xf32, #tpu.memory_space<vmem>>, vector<16xf32>,
        %add3A_105 = arith.addf %add3A_49, %get3A_104 : vector<16xf32>
        %swap3A_106 = arith.index_cast %add3A_96 : i32 to index
        %swap3A_107 = arith.constant 16 : index
        %swap3A_108 = tpu.vector_load %arg12[%swap3A_106, %swap3A_107] {strides = array<i32>} : memref<2016x32xf32, #tpu.memory_space<vmem>>, vector<16xf32>,
        tpu.vector_store %arg12[%swap3A_106, %swap3A_107], %add3A_105 {strides = array<i32>} : memref<2016x32xf32, #tpu.memory_space<vmem>>, vector<16xf32>,
        %mul3A_109 = arith.constant 7 : i32
        %mul3A_110 = arith.muli %scan3A_34, %mul3A_109 : i32
        %add3A_111 = arith.constant 0 : i32
        %add3A_112 = arith.addi %mul3A_110, %add3A_111 : i32
        %mul3A_113 = arith.constant 12 : i32
        %mul3A_114 = arith.muli %add3A_112, %mul3A_113 : i32
        %add3A_115 = arith.constant 3 : i32
        %add3A_116 = arith.addi %mul3A_114, %add3A_115 : i32
        %get3A_117 = arith.constant 96 : index
        %get3A_118 = tpu.vector_load %arg11[%get3A_117] {strides = array<i32>} : memref<384xf32, #tpu.memory_space<vmem>>, vector<16xf32>,
        %add3A_119 = arith.addf %add3A_46, %get3A_118 : vector<16xf32>
        %swap3A_120 = arith.index_cast %add3A_116 : i32 to index
        %swap3A_121 = arith.constant 0 : index
        %swap3A_122 = tpu.vector_load %arg12[%swap3A_120, %swap3A_121] {strides = array<i32>} : memref<2016x32xf32, #tpu.memory_space<vmem>>, vector<16xf32>,
        tpu.vector_store %arg12[%swap3A_120, %swap3A_121], %add3A_119 {strides = array<i32>} : memref<2016x32xf32, #tpu.memory_space<vmem>>, vector<16xf32>,
        %get3A_123 = arith.constant 112 : index
        %get3A_124 = tpu.vector_load %arg11[%get3A_123] {strides = array<i32>} : memref<384xf32, #tpu.memory_space<vmem>>, vector<16xf32>,
        %add3A_125 = arith.addf %add3A_49, %get3A_124 : vector<16xf32>
        %swap3A_126 = arith.index_cast %add3A_116 : i32 to index
        %swap3A_127 = arith.constant 16 : index
        %swap3A_128 = tpu.vector_load %arg12[%swap3A_126, %swap3A_127] {strides = array<i32>} : memref<2016x32xf32, #tpu.memory_space<vmem>>, vector<16xf32>,
        tpu.vector_store %arg12[%swap3A_126, %swap3A_127], %add3A_125 {strides = array<i32>} : memref<2016x32xf32, #tpu.memory_space<vmem>>, vector<16xf32>,
        %mul3A_129 = arith.constant 7 : i32
        %mul3A_130 = arith.muli %scan3A_34, %mul3A_129 : i32
        %add3A_131 = arith.constant 0 : i32
        %add3A_132 = arith.addi %mul3A_130, %add3A_131 : i32
        %mul3A_133 = arith.constant 12 : i32
        %mul3A_134 = arith.muli %add3A_132, %mul3A_133 : i32
        %add3A_135 = arith.constant 4 : i32
        %add3A_136 = arith.addi %mul3A_134, %add3A_135 : i32
        %get3A_137 = arith.constant 128 : index
        %get3A_138 = tpu.vector_load %arg11[%get3A_137] {strides = array<i32>} : memref<384xf32, #tpu.memory_space<vmem>>, vector<16xf32>,
        %add3A_139 = arith.addf %add3A_46, %get3A_138 : vector<16xf32>
        %swap3A_140 = arith.index_cast %add3A_136 : i32 to index
        %swap3A_141 = arith.constant 0 : index
        %swap3A_142 = tpu.vector_load %arg12[%swap3A_140, %swap3A_141] {strides = array<i32>} : memref<2016x32xf32, #tpu.memory_space<vmem>>, vector<16xf32>,
        tpu.vector_store %arg12[%swap3A_140, %swap3A_141], %add3A_139 {strides = array<i32>} : memref<2016x32xf32, #tpu.memory_space<vmem>>, vector<16xf32>,
        %get3A_143 = arith.constant 144 : index
        %get3A_144 = tpu.vector_load %arg11[%get3A_143] {strides = array<i32>} : memref<384xf32, #tpu.memory_space<vmem>>, vector<16xf32>,
        %add3A_145 = arith.addf %add3A_49, %get3A_144 : vector<16xf32>
        %swap3A_146 = arith.index_cast %add3A_136 : i32 to index
        %swap3A_147 = arith.constant 16 : index
        %swap3A_148 = tpu.vector_load %arg12[%swap3A_146, %swap3A_147] {strides = array<i32>} : memref<2016x32xf32, #tpu.memory_space<vmem>>, vector<16xf32>,
        tpu.vector_store %arg12[%swap3A_146, %swap3A_147], %add3A_145 {strides = array<i32>} : memref<2016x32xf32, #tpu.memory_space<vmem>>, vector<16xf32>,
        %mul3A_149 = arith.constant 7 : i32
        %mul3A_150 = arith.muli %scan3A_34, %mul3A_149 : i32
        %add3A_151 = arith.constant 0 : i32
        %add3A_152 = arith.addi %mul3A_150, %add3A_151 : i32
        %mul3A_153 = arith.constant 12 : i32
        %mul3A_154 = arith.muli %add3A_152, %mul3A_153 : i32
        %add3A_155 = arith.constant 5 : i32
        %add3A_156 = arith.addi %mul3A_154, %add3A_155 : i32
        %get3A_157 = arith.constant 160 : index
        %get3A_158 = tpu.vector_load %arg11[%get3A_157] {strides = array<i32>} : memref<384xf32, #tpu.memory_space<vmem>>, vector<16xf32>,
        %add3A_159 = arith.addf %add3A_46, %get3A_158 : vector<16xf32>
        %swap3A_160 = arith.index_cast %add3A_156 : i32 to index
        %swap3A_161 = arith.constant 0 : index
        %swap3A_162 = tpu.vector_load %arg12[%swap3A_160, %swap3A_161] {strides = array<i32>} : memref<2016x32xf32, #tpu.memory_space<vmem>>, vector<16xf32>,
        tpu.vector_store %arg12[%swap3A_160, %swap3A_161], %add3A_159 {strides = array<i32>} : memref<2016x32xf32, #tpu.memory_space<vmem>>, vector<16xf32>,
        %get3A_163 = arith.constant 176 : index
        %get3A_164 = tpu.vector_load %arg11[%get3A_163] {strides = array<i32>} : memref<384xf32, #tpu.memory_space<vmem>>, vector<16xf32>,
        %add3A_165 = arith.addf %add3A_49, %get3A_164 : vector<16xf32>
        %swap3A_166 = arith.index_cast %add3A_156 : i32 to index
        %swap3A_167 = arith.constant 16 : index
        %swap3A_168 = tpu.vector_load %arg12[%swap3A_166, %swap3A_167] {strides = array<i32>} : memref<2016x32xf32, #tpu.memory_space<vmem>>, vector<16xf32>,
        tpu.vector_store %arg12[%swap3A_166, %swap3A_167], %add3A_165 {strides = array<i32>} : memref<2016x32xf32, #tpu.memory_space<vmem>>, vector<16xf32>,
        %mul3A_169 = arith.constant 7 : i32
        %mul3A_170 = arith.muli %scan3A_34, %mul3A_169 : i32
        %add3A_171 = arith.constant 0 : i32
        %add3A_172 = arith.addi %mul3A_170, %add3A_171 : i32
        %mul3A_173 = arith.constant 12 : i32
        %mul3A_174 = arith.muli %add3A_172, %mul3A_173 : i32
        %add3A_175 = arith.constant 6 : i32
        %add3A_176 = arith.addi %mul3A_174, %add3A_175 : i32
        %get3A_177 = arith.constant 192 : index
        %get3A_178 = tpu.vector_load %arg11[%get3A_177] {strides = array<i32>} : memref<384xf32, #tpu.memory_space<vmem>>, vector<16xf32>,
        %add3A_179 = arith.addf %add3A_46, %get3A_178 : vector<16xf32>
        %swap3A_180 = arith.index_cast %add3A_176 : i32 to index
        %swap3A_181 = arith.constant 0 : index
        %swap3A_182 = tpu.vector_load %arg12[%swap3A_180, %swap3A_181] {strides = array<i32>} : memref<2016x32xf32, #tpu.memory_space<vmem>>, vector<16xf32>,
        tpu.vector_store %arg12[%swap3A_180, %swap3A_181], %add3A_179 {strides = array<i32>} : memref<2016x32xf32, #tpu.memory_space<vmem>>, vector<16xf32>,
        %get3A_183 = arith.constant 208 : index
        %get3A_184 = tpu.vector_load %arg11[%get3A_183] {strides = array<i32>} : memref<384xf32, #tpu.memory_space<vmem>>, vector<16xf32>,
        %add3A_185 = arith.addf %add3A_49, %get3A_184 : vector<16xf32>
        %swap3A_186 = arith.index_cast %add3A_176 : i32 to index
        %swap3A_187 = arith.constant 16 : index
        %swap3A_188 = tpu.vector_load %arg12[%swap3A_186, %swap3A_187] {strides = array<i32>} : memref<2016x32xf32, #tpu.memory_space<vmem>>, vector<16xf32>,
        tpu.vector_store %arg12[%swap3A_186, %swap3A_187], %add3A_185 {strides = array<i32>} : memref<2016x32xf32, #tpu.memory_space<vmem>>, vector<16xf32>,
        %mul3A_189 = arith.constant 7 : i32
        %mul3A_190 = arith.muli %scan3A_34, %mul3A_189 : i32
        %add3A_191 = arith.constant 0 : i32
        %add3A_192 = arith.addi %mul3A_190, %add3A_191 : i32
        %mul3A_193 = arith.constant 12 : i32
        %mul3A_194 = arith.muli %add3A_192, %mul3A_193 : i32
        %add3A_195 = arith.constant 7 : i32
        %add3A_196 = arith.addi %mul3A_194, %add3A_195 : i32
        %get3A_197 = arith.constant 224 : index
        %get3A_198 = tpu.vector_load %arg11[%get3A_197] {strides = array<i32>} : memref<384xf32, #tpu.memory_space<vmem>>, vector<16xf32>,
        %add3A_199 = arith.addf %add3A_46, %get3A_198 : vector<16xf32>
        %swap3A_200 = arith.index_cast %add3A_196 : i32 to index
        %swap3A_201 = arith.constant 0 : index
        %swap3A_202 = tpu.vector_load %arg12[%swap3A_200, %swap3A_201] {strides = array<i32>} : memref<2016x32xf32, #tpu.memory_space<vmem>>, vector<16xf32>,
        tpu.vector_store %arg12[%swap3A_200, %swap3A_201], %add3A_199 {strides = array<i32>} : memref<2016x32xf32, #tpu.memory_space<vmem>>, vector<16xf32>,
        %get3A_203 = arith.constant 240 : index
        %get3A_204 = tpu.vector_load %arg11[%get3A_203] {strides = array<i32>} : memref<384xf32, #tpu.memory_space<vmem>>, vector<16xf32>,
        %add3A_205 = arith.addf %add3A_49, %get3A_204 : vector<16xf32>
        %swap3A_206 = arith.index_cast %add3A_196 : i32 to index
        %swap3A_207 = arith.constant 16 : index
        %swap3A_208 = tpu.vector_load %arg12[%swap3A_206, %swap3A_207] {strides = array<i32>} : memref<2016x32xf32, #tpu.memory_space<vmem>>, vector<16xf32>,
        tpu.vector_store %arg12[%swap3A_206, %swap3A_207], %add3A_205 {strides = array<i32>} : memref<2016x32xf32, #tpu.memory_space<vmem>>, vector<16xf32>,
        %mul3A_209 = arith.constant 7 : i32
        %mul3A_210 = arith.muli %scan3A_34, %mul3A_209 : i32
        %add3A_211 = arith.constant 0 : i32
        %add3A_212 = arith.addi %mul3A_210, %add3A_211 : i32
        %mul3A_213 = arith.constant 12 : i32
        %mul3A_214 = arith.muli %add3A_212, %mul3A_213 : i32
        %add3A_215 = arith.constant 8 : i32
        %add3A_216 = arith.addi %mul3A_214, %add3A_215 : i32
        %get3A_217 = arith.constant 256 : index
        %get3A_218 = tpu.vector_load %arg11[%get3A_217] {strides = array<i32>} : memref<384xf32, #tpu.memory_space<vmem>>, vector<16xf32>,
        %add3A_219 = arith.addf %add3A_46, %get3A_218 : vector<16xf32>
        %swap3A_220 = arith.index_cast %add3A_216 : i32 to index
        %swap3A_221 = arith.constant 0 : index
        %swap3A_222 = tpu.vector_load %arg12[%swap3A_220, %swap3A_221] {strides = array<i32>} : memref<2016x32xf32, #tpu.memory_space<vmem>>, vector<16xf32>,
        tpu.vector_store %arg12[%swap3A_220, %swap3A_221], %add3A_219 {strides = array<i32>} : memref<2016x32xf32, #tpu.memory_space<vmem>>, vector<16xf32>,
        %get3A_223 = arith.constant 272 : index
        %get3A_224 = tpu.vector_load %arg11[%get3A_223] {strides = array<i32>} : memref<384xf32, #tpu.memory_space<vmem>>, vector<16xf32>,
        %add3A_225 = arith.addf %add3A_49, %get3A_224 : vector<16xf32>
        %swap3A_226 = arith.index_cast %add3A_216 : i32 to index
        %swap3A_227 = arith.constant 16 : index
        %swap3A_228 = tpu.vector_load %arg12[%swap3A_226, %swap3A_227] {strides = array<i32>} : memref<2016x32xf32, #tpu.memory_space<vmem>>, vector<16xf32>,
        tpu.vector_store %arg12[%swap3A_226, %swap3A_227], %add3A_225 {strides = array<i32>} : memref<2016x32xf32, #tpu.memory_space<vmem>>, vector<16xf32>,
        %mul3A_229 = arith.constant 7 : i32
        %mul3A_230 = arith.muli %scan3A_34, %mul3A_229 : i32
        %add3A_231 = arith.constant 0 : i32
        %add3A_232 = arith.addi %mul3A_230, %add3A_231 : i32
        %mul3A_233 = arith.constant 12 : i32
        %mul3A_234 = arith.muli %add3A_232, %mul3A_233 : i32
        %add3A_235 = arith.constant 9 : i32
        %add3A_236 = arith.addi %mul3A_234, %add3A_235 : i32
        %get3A_237 = arith.constant 288 : index
        %get3A_238 = tpu.vector_load %arg11[%get3A_237] {strides = array<i32>} : memref<384xf32, #tpu.memory_space<vmem>>, vector<16xf32>,
        %add3A_239 = arith.addf %add3A_46, %get3A_238 : vector<16xf32>
        %swap3A_240 = arith.index_cast %add3A_236 : i32 to index
        %swap3A_241 = arith.constant 0 : index
        %swap3A_242 = tpu.vector_load %arg12[%swap3A_240, %swap3A_241] {strides = array<i32>} : memref<2016x32xf32, #tpu.memory_space<vmem>>, vector<16xf32>,
        tpu.vector_store %arg12[%swap3A_240, %swap3A_241], %add3A_239 {strides = array<i32>} : memref<2016x32xf32, #tpu.memory_space<vmem>>, vector<16xf32>,
        %get3A_243 = arith.constant 304 : index
        %get3A_244 = tpu.vector_load %arg11[%get3A_243] {strides = array<i32>} : memref<384xf32, #tpu.memory_space<vmem>>, vector<16xf32>,
        %add3A_245 = arith.addf %add3A_49, %get3A_244 : vector<16xf32>
        %swap3A_246 = arith.index_cast %add3A_236 : i32 to index
        %swap3A_247 = arith.constant 16 : index
        %swap3A_248 = tpu.vector_load %arg12[%swap3A_246, %swap3A_247] {strides = array<i32>} : memref<2016x32xf32, #tpu.memory_space<vmem>>, vector<16xf32>,
        tpu.vector_store %arg12[%swap3A_246, %swap3A_247], %add3A_245 {strides = array<i32>} : memref<2016x32xf32, #tpu.memory_space<vmem>>, vector<16xf32>,
        %mul3A_249 = arith.constant 7 : i32
        %mul3A_250 = arith.muli %scan3A_34, %mul3A_249 : i32
        %add3A_251 = arith.constant 0 : i32
        %add3A_252 = arith.addi %mul3A_250, %add3A_251 : i32
        %mul3A_253 = arith.constant 12 : i32
        %mul3A_254 = arith.muli %add3A_252, %mul3A_253 : i32
        %add3A_255 = arith.constant 10 : i32
        %add3A_256 = arith.addi %mul3A_254, %add3A_255 : i32
        %get3A_257 = arith.constant 320 : index
        %get3A_258 = tpu.vector_load %arg11[%get3A_257] {strides = array<i32>} : memref<384xf32, #tpu.memory_space<vmem>>, vector<16xf32>,
        %add3A_259 = arith.addf %add3A_46, %get3A_258 : vector<16xf32>
        %swap3A_260 = arith.index_cast %add3A_256 : i32 to index
        %swap3A_261 = arith.constant 0 : index
        %swap3A_262 = tpu.vector_load %arg12[%swap3A_260, %swap3A_261] {strides = array<i32>} : memref<2016x32xf32, #tpu.memory_space<vmem>>, vector<16xf32>,
        tpu.vector_store %arg12[%swap3A_260, %swap3A_261], %add3A_259 {strides = array<i32>} : memref<2016x32xf32, #tpu.memory_space<vmem>>, vector<16xf32>,
        %get3A_263 = arith.constant 336 : index
        %get3A_264 = tpu.vector_load %arg11[%get3A_263] {strides = array<i32>} : memref<384xf32, #tpu.memory_space<vmem>>, vector<16xf32>,
        %add3A_265 = arith.addf %add3A_49, %get3A_264 : vector<16xf32>
        %swap3A_266 = arith.index_cast %add3A_256 : i32 to index
        %swap3A_267 = arith.constant 16 : index
        %swap3A_268 = tpu.vector_load %arg12[%swap3A_266, %swap3A_267] {strides = array<i32>} : memref<2016x32xf32, #tpu.memory_space<vmem>>, vector<16xf32>,
        tpu.vector_store %arg12[%swap3A_266, %swap3A_267], %add3A_265 {strides = array<i32>} : memref<2016x32xf32, #tpu.memory_space<vmem>>, vector<16xf32>,
        %mul3A_269 = arith.constant 7 : i32
        %mul3A_270 = arith.muli %scan3A_34, %mul3A_269 : i32
        %add3A_271 = arith.constant 0 : i32
        %add3A_272 = arith.addi %mul3A_270, %add3A_271 : i32
        %mul3A_273 = arith.constant 12 : i32
        %mul3A_274 = arith.muli %add3A_272, %mul3A_273 : i32
        %add3A_275 = arith.constant 11 : i32
        %add3A_276 = arith.addi %mul3A_274, %add3A_275 : i32
        %get3A_277 = arith.constant 352 : index
        %get3A_278 = tpu.vector_load %arg11[%get3A_277] {strides = array<i32>} : memref<384xf32, #tpu.memory_space<vmem>>, vector<16xf32>,
        %add3A_279 = arith.addf %add3A_46, %get3A_278 : vector<16xf32>
        %swap3A_280 = arith.index_cast %add3A_276 : i32 to index
        %swap3A_281 = arith.constant 0 : index
        %swap3A_282 = tpu.vector_load %arg12[%swap3A_280, %swap3A_281] {strides = array<i32>} : memref<2016x32xf32, #tpu.memory_space<vmem>>, vector<16xf32>,
        tpu.vector_store %arg12[%swap3A_280, %swap3A_281], %add3A_279 {strides = array<i32>} : memref<2016x32xf32, #tpu.memory_space<vmem>>, vector<16xf32>,
        %get3A_283 = arith.constant 368 : index
        %get3A_284 = tpu.vector_load %arg11[%get3A_283] {strides = array<i32>} : memref<384xf32, #tpu.memory_space<vmem>>, vector<16xf32>,
        %add3A_285 = arith.addf %add3A_49, %get3A_284 : vector<16xf32>
        %swap3A_286 = arith.index_cast %add3A_276 : i32 to index
        %swap3A_287 = arith.constant 16 : index
        %swap3A_288 = tpu.vector_load %arg12[%swap3A_286, %swap3A_287] {strides = array<i32>} : memref<2016x32xf32, #tpu.memory_space<vmem>>, vector<16xf32>,
        tpu.vector_store %arg12[%swap3A_286, %swap3A_287], %add3A_285 {strides = array<i32>} : memref<2016x32xf32, #tpu.memory_space<vmem>>, vector<16xf32>,
        %get3A_289 = arith.constant 32 : index
        %get3A_290 = tpu.vector_load %arg10[%get3A_289] {strides = array<i32>} : memref<224xf32, #tpu.memory_space<vmem>>, vector<16xf32>,
        %add3A_291 = arith.addf %get3A_37, %get3A_290 : vector<16xf32>
        %get3A_292 = arith.constant 48 : index
        %get3A_293 = tpu.vector_load %arg10[%get3A_292] {strides = array<i32>} : memref<224xf32, #tpu.memory_space<vmem>>, vector<16xf32>,
        %add3A_294 = arith.addf %get3A_43, %get3A_293 : vector<16xf32>
        %mul3A_295 = arith.constant 7 : i32
        %mul3A_296 = arith.muli %scan3A_34, %mul3A_295 : i32
        %add3A_297 = arith.constant 1 : i32
        %add3A_298 = arith.addi %mul3A_296, %add3A_297 : i32
        %mul3A_299 = arith.constant 12 : i32
        %mul3A_300 = arith.muli %add3A_298, %mul3A_299 : i32
        %add3A_301 = arith.constant 0 : i32
        %add3A_302 = arith.addi %mul3A_300, %add3A_301 : i32
        %get3A_303 = arith.constant 0 : index
        %get3A_304 = tpu.vector_load %arg11[%get3A_303] {strides = array<i32>} : memref<384xf32, #tpu.memory_space<vmem>>, vector<16xf32>,
        %add3A_305 = arith.addf %add3A_291, %get3A_304 : vector<16xf32>
        %swap3A_306 = arith.index_cast %add3A_302 : i32 to index
        %swap3A_307 = arith.constant 0 : index
        %swap3A_308 = tpu.vector_load %arg12[%swap3A_306, %swap3A_307] {strides = array<i32>} : memref<2016x32xf32, #tpu.memory_space<vmem>>, vector<16xf32>,
        tpu.vector_store %arg12[%swap3A_306, %swap3A_307], %add3A_305 {strides = array<i32>} : memref<2016x32xf32, #tpu.memory_space<vmem>>, vector<16xf32>,
        %get3A_309 = arith.constant 16 : index
        %get3A_310 = tpu.vector_load %arg11[%get3A_309] {strides = array<i32>} : memref<384xf32, #tpu.memory_space<vmem>>, vector<16xf32>,
        %add3A_311 = arith.addf %add3A_294, %get3A_310 : vector<16xf32>
        %swap3A_312 = arith.index_cast %add3A_302 : i32 to index
        %swap3A_313 = arith.constant 16 : index
        %swap3A_314 = tpu.vector_load %arg12[%swap3A_312, %swap3A_313] {strides = array<i32>} : memref<2016x32xf32, #tpu.memory_space<vmem>>, vector<16xf32>,
        tpu.vector_store %arg12[%swap3A_312, %swap3A_313], %add3A_311 {strides = array<i32>} : memref<2016x32xf32, #tpu.memory_space<vmem>>, vector<16xf32>,
        %mul3A_315 = arith.constant 7 : i32
        %mul3A_316 = arith.muli %scan3A_34, %mul3A_315 : i32
        %add3A_317 = arith.constant 1 : i32
        %add3A_318 = arith.addi %mul3A_316, %add3A_317 : i32
        %mul3A_319 = arith.constant 12 : i32
        %mul3A_320 = arith.muli %add3A_318, %mul3A_319 : i32
        %add3A_321 = arith.constant 1 : i32
        %add3A_322 = arith.addi %mul3A_320, %add3A_321 : i32
        %get3A_323 = arith.constant 32 : index
        %get3A_324 = tpu.vector_load %arg11[%get3A_323] {strides = array<i32>} : memref<384xf32, #tpu.memory_space<vmem>>, vector<16xf32>,
        %add3A_325 = arith.addf %add3A_291, %get3A_324 : vector<16xf32>
        %swap3A_326 = arith.index_cast %add3A_322 : i32 to index
        %swap3A_327 = arith.constant 0 : index
        %swap3A_328 = tpu.vector_load %arg12[%swap3A_326, %swap3A_327] {strides = array<i32>} : memref<2016x32xf32, #tpu.memory_space<vmem>>, vector<16xf32>,
        tpu.vector_store %arg12[%swap3A_326, %swap3A_327], %add3A_325 {strides = array<i32>} : memref<2016x32xf32, #tpu.memory_space<vmem>>, vector<16xf32>,
        %get3A_329 = arith.constant 48 : index
        %get3A_330 = tpu.vector_load %arg11[%get3A_329] {strides = array<i32>} : memref<384xf32, #tpu.memory_space<vmem>>, vector<16xf32>,
        %add3A_331 = arith.addf %add3A_294, %get3A_330 : vector<16xf32>
        %swap3A_332 = arith.index_cast %add3A_322 : i32 to index
        %swap3A_333 = arith.constant 16 : index
        %swap3A_334 = tpu.vector_load %arg12[%swap3A_332, %swap3A_333] {strides = array<i32>} : memref<2016x32xf32, #tpu.memory_space<vmem>>, vector<16xf32>,
        tpu.vector_store %arg12[%swap3A_332, %swap3A_333], %add3A_331 {strides = array<i32>} : memref<2016x32xf32, #tpu.memory_space<vmem>>, vector<16xf32>,
        %mul3A_335 = arith.constant 7 : i32
        %mul3A_336 = arith.muli %scan3A_34, %mul3A_335 : i32
        %add3A_337 = arith.constant 1 : i32
        %add3A_338 = arith.addi %mul3A_336, %add3A_337 : i32
        %mul3A_339 = arith.constant 12 : i32
        %mul3A_340 = arith.muli %add3A_338, %mul3A_339 : i32
        %add3A_341 = arith.constant 2 : i32
        %add3A_342 = arith.addi %mul3A_340, %add3A_341 : i32
        %get3A_343 = arith.constant 64 : index
        %get3A_344 = tpu.vector_load %arg11[%get3A_343] {strides = array<i32>} : memref<384xf32, #tpu.memory_space<vmem>>, vector<16xf32>,
        %add3A_345 = arith.addf %add3A_291, %get3A_344 : vector<16xf32>
        %swap3A_346 = arith.index_cast %add3A_342 : i32 to index
        %swap3A_347 = arith.constant 0 : index
        %swap3A_348 = tpu.vector_load %arg12[%swap3A_346, %swap3A_347] {strides = array<i32>} : memref<2016x32xf32, #tpu.memory_space<vmem>>, vector<16xf32>,
        tpu.vector_store %arg12[%swap3A_346, %swap3A_347], %add3A_345 {strides = array<i32>} : memref<2016x32xf32, #tpu.memory_space<vmem>>, vector<16xf32>,
        %get3A_349 = arith.constant 80 : index
        %get3A_350 = tpu.vector_load %arg11[%get3A_349] {strides = array<i32>} : memref<384xf32, #tpu.memory_space<vmem>>, vector<16xf32>,
        %add3A_351 = arith.addf %add3A_294, %get3A_350 : vector<16xf32>
        %swap3A_352 = arith.index_cast %add3A_342 : i32 to index
        %swap3A_353 = arith.constant 16 : index
        %swap3A_354 = tpu.vector_load %arg12[%swap3A_352, %swap3A_353] {strides = array<i32>} : memref<2016x32xf32, #tpu.memory_space<vmem>>, vector<16xf32>,
        tpu.vector_store %arg12[%swap3A_352, %swap3A_353], %add3A_351 {strides = array<i32>} : memref<2016x32xf32, #tpu.memory_space<vmem>>, vector<16xf32>,
        %mul3A_355 = arith.constant 7 : i32
        %mul3A_356 = arith.muli %scan3A_34, %mul3A_355 : i32
        %add3A_357 = arith.constant 1 : i32
        %add3A_358 = arith.addi %mul3A_356, %add3A_357 : i32
        %mul3A_359 = arith.constant 12 : i32
        %mul3A_360 = arith.muli %add3A_358, %mul3A_359 : i32
        %add3A_361 = arith.constant 3 : i32
        %add3A_362 = arith.addi %mul3A_360, %add3A_361 : i32
        %get3A_363 = arith.constant 96 : index
        %get3A_364 = tpu.vector_load %arg11[%get3A_363] {strides = array<i32>} : memref<384xf32, #tpu.memory_space<vmem>>, vector<16xf32>,
        %add3A_365 = arith.addf %add3A_291, %get3A_364 : vector<16xf32>
        %swap3A_366 = arith.index_cast %add3A_362 : i32 to index
        %swap3A_367 = arith.constant 0 : index
        %swap3A_368 = tpu.vector_load %arg12[%swap3A_366, %swap3A_367] {strides = array<i32>} : memref<2016x32xf32, #tpu.memory_space<vmem>>, vector<16xf32>,
        tpu.vector_store %arg12[%swap3A_366, %swap3A_367], %add3A_365 {strides = array<i32>} : memref<2016x32xf32, #tpu.memory_space<vmem>>, vector<16xf32>,
        %get3A_369 = arith.constant 112 : index
        %get3A_370 = tpu.vector_load %arg11[%get3A_369] {strides = array<i32>} : memref<384xf32, #tpu.memory_space<vmem>>, vector<16xf32>,
        %add3A_371 = arith.addf %add3A_294, %get3A_370 : vector<16xf32>
        %swap3A_372 = arith.index_cast %add3A_362 : i32 to index
        %swap3A_373 = arith.constant 16 : index
        %swap3A_374 = tpu.vector_load %arg12[%swap3A_372, %swap3A_373] {strides = array<i32>} : memref<2016x32xf32, #tpu.memory_space<vmem>>, vector<16xf32>,
        tpu.vector_store %arg12[%swap3A_372, %swap3A_373], %add3A_371 {strides = array<i32>} : memref<2016x32xf32, #tpu.memory_space<vmem>>, vector<16xf32>,
        %mul3A_375 = arith.constant 7 : i32
        %mul3A_376 = arith.muli %scan3A_34, %mul3A_375 : i32
        %add3A_377 = arith.constant 1 : i32
        %add3A_378 = arith.addi %mul3A_376, %add3A_377 : i32
        %mul3A_379 = arith.constant 12 : i32
        %mul3A_380 = arith.muli %add3A_378, %mul3A_379 : i32
        %add3A_381 = arith.constant 4 : i32
        %add3A_382 = arith.addi %mul3A_380, %add3A_381 : i32
        %get3A_383 = arith.constant 128 : index
        %get3A_384 = tpu.vector_load %arg11[%get3A_383] {strides = array<i32>} : memref<384xf32, #tpu.memory_space<vmem>>, vector<16xf32>,
        %add3A_385 = arith.addf %add3A_291, %get3A_384 : vector<16xf32>
        %swap3A_386 = arith.index_cast %add3A_382 : i32 to index
        %swap3A_387 = arith.constant 0 : index
        %swap3A_388 = tpu.vector_load %arg12[%swap3A_386, %swap3A_387] {strides = array<i32>} : memref<2016x32xf32, #tpu.memory_space<vmem>>, vector<16xf32>,
        tpu.vector_store %arg12[%swap3A_386, %swap3A_387], %add3A_385 {strides = array<i32>} : memref<2016x32xf32, #tpu.memory_space<vmem>>, vector<16xf32>,
        %get3A_389 = arith.constant 144 : index
        %get3A_390 = tpu.vector_load %arg11[%get3A_389] {strides = array<i32>} : memref<384xf32, #tpu.memory_space<vmem>>, vector<16xf32>,
        %add3A_391 = arith.addf %add3A_294, %get3A_390 : vector<16xf32>
        %swap3A_392 = arith.index_cast %add3A_382 : i32 to index
        %swap3A_393 = arith.constant 16 : index
        %swap3A_394 = tpu.vector_load %arg12[%swap3A_392, %swap3A_393] {strides = array<i32>} : memref<2016x32xf32, #tpu.memory_space<vmem>>, vector<16xf32>,
        tpu.vector_store %arg12[%swap3A_392, %swap3A_393], %add3A_391 {strides = array<i32>} : memref<2016x32xf32, #tpu.memory_space<vmem>>, vector<16xf32>,
        %mul3A_395 = arith.constant 7 : i32
        %mul3A_396 = arith.muli %scan3A_34, %mul3A_395 : i32
        %add3A_397 = arith.constant 1 : i32
        %add3A_398 = arith.addi %mul3A_396, %add3A_397 : i32
        %mul3A_399 = arith.constant 12 : i32
        %mul3A_400 = arith.muli %add3A_398, %mul3A_399 : i32
        %add3A_401 = arith.constant 5 : i32
        %add3A_402 = arith.addi %mul3A_400, %add3A_401 : i32
        %get3A_403 = arith.constant 160 : index
        %get3A_404 = tpu.vector_load %arg11[%get3A_403] {strides = array<i32>} : memref<384xf32, #tpu.memory_space<vmem>>, vector<16xf32>,
        %add3A_405 = arith.addf %add3A_291, %get3A_404 : vector<16xf32>
        %swap3A_406 = arith.index_cast %add3A_402 : i32 to index
        %swap3A_407 = arith.constant 0 : index
        %swap3A_408 = tpu.vector_load %arg12[%swap3A_406, %swap3A_407] {strides = array<i32>} : memref<2016x32xf32, #tpu.memory_space<vmem>>, vector<16xf32>,
        tpu.vector_store %arg12[%swap3A_406, %swap3A_407], %add3A_405 {strides = array<i32>} : memref<2016x32xf32, #tpu.memory_space<vmem>>, vector<16xf32>,
        %get3A_409 = arith.constant 176 : index
        %get3A_410 = tpu.vector_load %arg11[%get3A_409] {strides = array<i32>} : memref<384xf32, #tpu.memory_space<vmem>>, vector<16xf32>,
        %add3A_411 = arith.addf %add3A_294, %get3A_410 : vector<16xf32>
        %swap3A_412 = arith.index_cast %add3A_402 : i32 to index
        %swap3A_413 = arith.constant 16 : index
        %swap3A_414 = tpu.vector_load %arg12[%swap3A_412, %swap3A_413] {strides = array<i32>} : memref<2016x32xf32, #tpu.memory_space<vmem>>, vector<16xf32>,
        tpu.vector_store %arg12[%swap3A_412, %swap3A_413], %add3A_411 {strides = array<i32>} : memref<2016x32xf32, #tpu.memory_space<vmem>>, vector<16xf32>,
        %mul3A_415 = arith.constant 7 : i32
        %mul3A_416 = arith.muli %scan3A_34, %mul3A_415 : i32
        %add3A_417 = arith.constant 1 : i32
        %add3A_418 = arith.addi %mul3A_416, %add3A_417 : i32
        %mul3A_419 = arith.constant 12 : i32
        %mul3A_420 = arith.muli %add3A_418, %mul3A_419 : i32
        %add3A_421 = arith.constant 6 : i32
        %add3A_422 = arith.addi %mul3A_420, %add3A_421 : i32
        %get3A_423 = arith.constant 192 : index
        %get3A_424 = tpu.vector_load %arg11[%get3A_423] {strides = array<i32>} : memref<384xf32, #tpu.memory_space<vmem>>, vector<16xf32>,
        %add3A_425 = arith.addf %add3A_291, %get3A_424 : vector<16xf32>
        %swap3A_426 = arith.index_cast %add3A_422 : i32 to index
        %swap3A_427 = arith.constant 0 : index
        %swap3A_428 = tpu.vector_load %arg12[%swap3A_426, %swap3A_427] {strides = array<i32>} : memref<2016x32xf32, #tpu.memory_space<vmem>>, vector<16xf32>,
        tpu.vector_store %arg12[%swap3A_426, %swap3A_427], %add3A_425 {strides = array<i32>} : memref<2016x32xf32, #tpu.memory_space<vmem>>, vector<16xf32>,
        %get3A_429 = arith.constant 208 : index
        %get3A_430 = tpu.vector_load %arg11[%get3A_429] {strides = array<i32>} : memref<384xf32, #tpu.memory_space<vmem>>, vector<16xf32>,
        %add3A_431 = arith.addf %add3A_294, %get3A_430 : vector<16xf32>
        %swap3A_432 = arith.index_cast %add3A_422 : i32 to index
        %swap3A_433 = arith.constant 16 : index
        %swap3A_434 = tpu.vector_load %arg12[%swap3A_432, %swap3A_433] {strides = array<i32>} : memref<2016x32xf32, #tpu.memory_space<vmem>>, vector<16xf32>,
        tpu.vector_store %arg12[%swap3A_432, %swap3A_433], %add3A_431 {strides = array<i32>} : memref<2016x32xf32, #tpu.memory_space<vmem>>, vector<16xf32>,
        %mul3A_435 = arith.constant 7 : i32
        %mul3A_436 = arith.muli %scan3A_34, %mul3A_435 : i32
        %add3A_437 = arith.constant 1 : i32
        %add3A_438 = arith.addi %mul3A_436, %add3A_437 : i32
        %mul3A_439 = arith.constant 12 : i32
        %mul3A_440 = arith.muli %add3A_438, %mul3A_439 : i32
        %add3A_441 = arith.constant 7 : i32
        %add3A_442 = arith.addi %mul3A_440, %add3A_441 : i32
        %get3A_443 = arith.constant 224 : index
        %get3A_444 = tpu.vector_load %arg11[%get3A_443] {strides = array<i32>} : memref<384xf32, #tpu.memory_space<vmem>>, vector<16xf32>,
        %add3A_445 = arith.addf %add3A_291, %get3A_444 : vector<16xf32>
        %swap3A_446 = arith.index_cast %add3A_442 : i32 to index
        %swap3A_447 = arith.constant 0 : index
        %swap3A_448 = tpu.vector_load %arg12[%swap3A_446, %swap3A_447] {strides = array<i32>} : memref<2016x32xf32, #tpu.memory_space<vmem>>, vector<16xf32>,
        tpu.vector_store %arg12[%swap3A_446, %swap3A_447], %add3A_445 {strides = array<i32>} : memref<2016x32xf32, #tpu.memory_space<vmem>>, vector<16xf32>,
        %get3A_449 = arith.constant 240 : index
        %get3A_450 = tpu.vector_load %arg11[%get3A_449] {strides = array<i32>} : memref<384xf32, #tpu.memory_space<vmem>>, vector<16xf32>,
        %add3A_451 = arith.addf %add3A_294, %get3A_450 : vector<16xf32>
        %swap3A_452 = arith.index_cast %add3A_442 : i32 to index
        %swap3A_453 = arith.constant 16 : index
        %swap3A_454 = tpu.vector_load %arg12[%swap3A_452, %swap3A_453] {strides = array<i32>} : memref<2016x32xf32, #tpu.memory_space<vmem>>, vector<16xf32>,
        tpu.vector_store %arg12[%swap3A_452, %swap3A_453], %add3A_451 {strides = array<i32>} : memref<2016x32xf32, #tpu.memory_space<vmem>>, vector<16xf32>,
        %mul3A_455 = arith.constant 7 : i32
        %mul3A_456 = arith.muli %scan3A_34, %mul3A_455 : i32
        %add3A_457 = arith.constant 1 : i32
        %add3A_458 = arith.addi %mul3A_456, %add3A_457 : i32
        %mul3A_459 = arith.constant 12 : i32
        %mul3A_460 = arith.muli %add3A_458, %mul3A_459 : i32
        %add3A_461 = arith.constant 8 : i32
        %add3A_462 = arith.addi %mul3A_460, %add3A_461 : i32
        %get3A_463 = arith.constant 256 : index
        %get3A_464 = tpu.vector_load %arg11[%get3A_463] {strides = array<i32>} : memref<384xf32, #tpu.memory_space<vmem>>, vector<16xf32>,
        %add3A_465 = arith.addf %add3A_291, %get3A_464 : vector<16xf32>
        %swap3A_466 = arith.index_cast %add3A_462 : i32 to index
        %swap3A_467 = arith.constant 0 : index
        %swap3A_468 = tpu.vector_load %arg12[%swap3A_466, %swap3A_467] {strides = array<i32>} : memref<2016x32xf32, #tpu.memory_space<vmem>>, vector<16xf32>,
        tpu.vector_store %arg12[%swap3A_466, %swap3A_467], %add3A_465 {strides = array<i32>} : memref<2016x32xf32, #tpu.memory_space<vmem>>, vector<16xf32>,
        %get3A_469 = arith.constant 272 : index
        %get3A_470 = tpu.vector_load %arg11[%get3A_469] {strides = array<i32>} : memref<384xf32, #tpu.memory_space<vmem>>, vector<16xf32>,
        %add3A_471 = arith.addf %add3A_294, %get3A_470 : vector<16xf32>
        %swap3A_472 = arith.index_cast %add3A_462 : i32 to index
        %swap3A_473 = arith.constant 16 : index
        %swap3A_474 = tpu.vector_load %arg12[%swap3A_472, %swap3A_473] {strides = array<i32>} : memref<2016x32xf32, #tpu.memory_space<vmem>>, vector<16xf32>,
        tpu.vector_store %arg12[%swap3A_472, %swap3A_473], %add3A_471 {strides = array<i32>} : memref<2016x32xf32, #tpu.memory_space<vmem>>, vector<16xf32>,
        %mul3A_475 = arith.constant 7 : i32
        %mul3A_476 = arith.muli %scan3A_34, %mul3A_475 : i32
        %add3A_477 = arith.constant 1 : i32
        %add3A_478 = arith.addi %mul3A_476, %add3A_477 : i32
        %mul3A_479 = arith.constant 12 : i32
        %mul3A_480 = arith.muli %add3A_478, %mul3A_479 : i32
        %add3A_481 = arith.constant 9 : i32
        %add3A_482 = arith.addi %mul3A_480, %add3A_481 : i32
        %get3A_483 = arith.constant 288 : index
        %get3A_484 = tpu.vector_load %arg11[%get3A_483] {strides = array<i32>} : memref<384xf32, #tpu.memory_space<vmem>>, vector<16xf32>,
        %add3A_485 = arith.addf %add3A_291, %get3A_484 : vector<16xf32>
        %swap3A_486 = arith.index_cast %add3A_482 : i32 to index
        %swap3A_487 = arith.constant 0 : index
        %swap3A_488 = tpu.vector_load %arg12[%swap3A_486, %swap3A_487] {strides = array<i32>} : memref<2016x32xf32, #tpu.memory_space<vmem>>, vector<16xf32>,
        tpu.vector_store %arg12[%swap3A_486, %swap3A_487], %add3A_485 {strides = array<i32>} : memref<2016x32xf32, #tpu.memory_space<vmem>>, vector<16xf32>,
        %get3A_489 = arith.constant 304 : index
        %get3A_490 = tpu.vector_load %arg11[%get3A_489] {strides = array<i32>} : memref<384xf32, #tpu.memory_space<vmem>>, vector<16xf32>,
        %add3A_491 = arith.addf %add3A_294, %get3A_490 : vector<16xf32>
        %swap3A_492 = arith.index_cast %add3A_482 : i32 to index
        %swap3A_493 = arith.constant 16 : index
        %swap3A_494 = tpu.vector_load %arg12[%swap3A_492, %swap3A_493] {strides = array<i32>} : memref<2016x32xf32, #tpu.memory_space<vmem>>, vector<16xf32>,
        tpu.vector_store %arg12[%swap3A_492, %swap3A_493], %add3A_491 {strides = array<i32>} : memref<2016x32xf32, #tpu.memory_space<vmem>>, vector<16xf32>,
        %mul3A_495 = arith.constant 7 : i32
        %mul3A_496 = arith.muli %scan3A_34, %mul3A_495 : i32
        %add3A_497 = arith.constant 1 : i32
        %add3A_498 = arith.addi %mul3A_496, %add3A_497 : i32
        %mul3A_499 = arith.constant 12 : i32
        %mul3A_500 = arith.muli %add3A_498, %mul3A_499 : i32
        %add3A_501 = arith.constant 10 : i32
        %add3A_502 = arith.addi %mul3A_500, %add3A_501 : i32
        %get3A_503 = arith.constant 320 : index
        %get3A_504 = tpu.vector_load %arg11[%get3A_503] {strides = array<i32>} : memref<384xf32, #tpu.memory_space<vmem>>, vector<16xf32>,
        %add3A_505 = arith.addf %add3A_291, %get3A_504 : vector<16xf32>
        %swap3A_506 = arith.index_cast %add3A_502 : i32 to index
        %swap3A_507 = arith.constant 0 : index
        %swap3A_508 = tpu.vector_load %arg12[%swap3A_506, %swap3A_507] {strides = array<i32>} : memref<2016x32xf32, #tpu.memory_space<vmem>>, vector<16xf32>,
        tpu.vector_store %arg12[%swap3A_506, %swap3A_507], %add3A_505 {strides = array<i32>} : memref<2016x32xf32, #tpu.memory_space<vmem>>, vector<16xf32>,
        %get3A_509 = arith.constant 336 : index
        %get3A_510 = tpu.vector_load %arg11[%get3A_509] {strides = array<i32>} : memref<384xf32, #tpu.memory_space<vmem>>, vector<16xf32>,
        %add3A_511 = arith.addf %add3A_294, %get3A_510 : vector<16xf32>
        %swap3A_512 = arith.index_cast %add3A_502 : i32 to index
        %swap3A_513 = arith.constant 16 : index
        %swap3A_514 = tpu.vector_load %arg12[%swap3A_512, %swap3A_513] {strides = array<i32>} : memref<2016x32xf32, #tpu.memory_space<vmem>>, vector<16xf32>,
        tpu.vector_store %arg12[%swap3A_512, %swap3A_513], %add3A_511 {strides = array<i32>} : memref<2016x32xf32, #tpu.memory_space<vmem>>, vector<16xf32>,
        %mul3A_515 = arith.constant 7 : i32
        %mul3A_516 = arith.muli %scan3A_34, %mul3A_515 : i32
        %add3A_517 = arith.constant 1 : i32
        %add3A_518 = arith.addi %mul3A_516, %add3A_517 : i32
        %mul3A_519 = arith.constant 12 : i32
        %mul3A_520 = arith.muli %add3A_518, %mul3A_519 : i32
        %add3A_521 = arith.constant 11 : i32
        %add3A_522 = arith.addi %mul3A_520, %add3A_521 : i32
        %get3A_523 = arith.constant 352 : index
        %get3A_524 = tpu.vector_load %arg11[%get3A_523] {strides = array<i32>} : memref<384xf32, #tpu.memory_space<vmem>>, vector<16xf32>,
        %add3A_525 = arith.addf %add3A_291, %get3A_524 : vector<16xf32>
        %swap3A_526 = arith.index_cast %add3A_522 : i32 to index
        %swap3A_527 = arith.constant 0 : index
        %swap3A_528 = tpu.vector_load %arg12[%swap3A_526, %swap3A_527] {strides = array<i32>} : memref<2016x32xf32, #tpu.memory_space<vmem>>, vector<16xf32>,
        tpu.vector_store %arg12[%swap3A_526, %swap3A_527], %add3A_525 {strides = array<i32>} : memref<2016x32xf32, #tpu.memory_space<vmem>>, vector<16xf32>,
        %get3A_529 = arith.constant 368 : index
        %get3A_530 = tpu.vector_load %arg11[%get3A_529] {strides = array<i32>} : memref<384xf32, #tpu.memory_space<vmem>>, vector<16xf32>,
        %add3A_531 = arith.addf %add3A_294, %get3A_530 : vector<16xf32>
        %swap3A_532 = arith.index_cast %add3A_522 : i32 to index
        %swap3A_533 = arith.constant 16 : index
        %swap3A_534 = tpu.vector_load %arg12[%swap3A_532, %swap3A_533] {strides = array<i32>} : memref<2016x32xf32, #tpu.memory_space<vmem>>, vector<16xf32>,
        tpu.vector_store %arg12[%swap3A_532, %swap3A_533], %add3A_531 {strides = array<i32>} : memref<2016x32xf32, #tpu.memory_space<vmem>>, vector<16xf32>,
        %get3A_535 = arith.constant 64 : index
        %get3A_536 = tpu.vector_load %arg10[%get3A_535] {strides = array<i32>} : memref<224xf32, #tpu.memory_space<vmem>>, vector<16xf32>,
        %add3A_537 = arith.addf %get3A_37, %get3A_536 : vector<16xf32>
        %get3A_538 = arith.constant 80 : index
        %get3A_539 = tpu.vector_load %arg10[%get3A_538] {strides = array<i32>} : memref<224xf32, #tpu.memory_space<vmem>>, vector<16xf32>,
        %add3A_540 = arith.addf %get3A_43, %get3A_539 : vector<16xf32>
        %mul3A_541 = arith.constant 7 : i32
        %mul3A_542 = arith.muli %scan3A_34, %mul3A_541 : i32
        %add3A_543 = arith.constant 2 : i32
        %add3A_544 = arith.addi %mul3A_542, %add3A_543 : i32
        %mul3A_545 = arith.constant 12 : i32
        %mul3A_546 = arith.muli %add3A_544, %mul3A_545 : i32
        %add3A_547 = arith.constant 0 : i32
        %add3A_548 = arith.addi %mul3A_546, %add3A_547 : i32
        %get3A_549 = arith.constant 0 : index
        %get3A_550 = tpu.vector_load %arg11[%get3A_549] {strides = array<i32>} : memref<384xf32, #tpu.memory_space<vmem>>, vector<16xf32>,
        %add3A_551 = arith.addf %add3A_537, %get3A_550 : vector<16xf32>
        %swap3A_552 = arith.index_cast %add3A_548 : i32 to index
        %swap3A_553 = arith.constant 0 : index
        %swap3A_554 = tpu.vector_load %arg12[%swap3A_552, %swap3A_553] {strides = array<i32>} : memref<2016x32xf32, #tpu.memory_space<vmem>>, vector<16xf32>,
        tpu.vector_store %arg12[%swap3A_552, %swap3A_553], %add3A_551 {strides = array<i32>} : memref<2016x32xf32, #tpu.memory_space<vmem>>, vector<16xf32>,
        %get3A_555 = arith.constant 16 : index
        %get3A_556 = tpu.vector_load %arg11[%get3A_555] {strides = array<i32>} : memref<384xf32, #tpu.memory_space<vmem>>, vector<16xf32>,
        %add3A_557 = arith.addf %add3A_540, %get3A_556 : vector<16xf32>
        %swap3A_558 = arith.index_cast %add3A_548 : i32 to index
        %swap3A_559 = arith.constant 16 : index
        %swap3A_560 = tpu.vector_load %arg12[%swap3A_558, %swap3A_559] {strides = array<i32>} : memref<2016x32xf32, #tpu.memory_space<vmem>>, vector<16xf32>,
        tpu.vector_store %arg12[%swap3A_558, %swap3A_559], %add3A_557 {strides = array<i32>} : memref<2016x32xf32, #tpu.memory_space<vmem>>, vector<16xf32>,
        %mul3A_561 = arith.constant 7 : i32
        %mul3A_562 = arith.muli %scan3A_34, %mul3A_561 : i32
        %add3A_563 = arith.constant 2 : i32
        %add3A_564 = arith.addi %mul3A_562, %add3A_563 : i32
        %mul3A_565 = arith.constant 12 : i32
        %mul3A_566 = arith.muli %add3A_564, %mul3A_565 : i32
        %add3A_567 = arith.constant 1 : i32
        %add3A_568 = arith.addi %mul3A_566, %add3A_567 : i32
        %get3A_569 = arith.constant 32 : index
        %get3A_570 = tpu.vector_load %arg11[%get3A_569] {strides = array<i32>} : memref<384xf32, #tpu.memory_space<vmem>>, vector<16xf32>,
        %add3A_571 = arith.addf %add3A_537, %get3A_570 : vector<16xf32>
        %swap3A_572 = arith.index_cast %add3A_568 : i32 to index
        %swap3A_573 = arith.constant 0 : index
        %swap3A_574 = tpu.vector_load %arg12[%swap3A_572, %swap3A_573] {strides = array<i32>} : memref<2016x32xf32, #tpu.memory_space<vmem>>, vector<16xf32>,
        tpu.vector_store %arg12[%swap3A_572, %swap3A_573], %add3A_571 {strides = array<i32>} : memref<2016x32xf32, #tpu.memory_space<vmem>>, vector<16xf32>,
        %get3A_575 = arith.constant 48 : index
        %get3A_576 = tpu.vector_load %arg11[%get3A_575] {strides = array<i32>} : memref<384xf32, #tpu.memory_space<vmem>>, vector<16xf32>,
        %add3A_577 = arith.addf %add3A_540, %get3A_576 : vector<16xf32>
        %swap3A_578 = arith.index_cast %add3A_568 : i32 to index
        %swap3A_579 = arith.constant 16 : index
        %swap3A_580 = tpu.vector_load %arg12[%swap3A_578, %swap3A_579] {strides = array<i32>} : memref<2016x32xf32, #tpu.memory_space<vmem>>, vector<16xf32>,
        tpu.vector_store %arg12[%swap3A_578, %swap3A_579], %add3A_577 {strides = array<i32>} : memref<2016x32xf32, #tpu.memory_space<vmem>>, vector<16xf32>,
        %mul3A_581 = arith.constant 7 : i32
        %mul3A_582 = arith.muli %scan3A_34, %mul3A_581 : i32
        %add3A_583 = arith.constant 2 : i32
        %add3A_584 = arith.addi %mul3A_582, %add3A_583 : i32
        %mul3A_585 = arith.constant 12 : i32
        %mul3A_586 = arith.muli %add3A_584, %mul3A_585 : i32
        %add3A_587 = arith.constant 2 : i32
        %add3A_588 = arith.addi %mul3A_586, %add3A_587 : i32
        %get3A_589 = arith.constant 64 : index
        %get3A_590 = tpu.vector_load %arg11[%get3A_589] {strides = array<i32>} : memref<384xf32, #tpu.memory_space<vmem>>, vector<16xf32>,
        %add3A_591 = arith.addf %add3A_537, %get3A_590 : vector<16xf32>
        %swap3A_592 = arith.index_cast %add3A_588 : i32 to index
        %swap3A_593 = arith.constant 0 : index
        %swap3A_594 = tpu.vector_load %arg12[%swap3A_592, %swap3A_593] {strides = array<i32>} : memref<2016x32xf32, #tpu.memory_space<vmem>>, vector<16xf32>,
        tpu.vector_store %arg12[%swap3A_592, %swap3A_593], %add3A_591 {strides = array<i32>} : memref<2016x32xf32, #tpu.memory_space<vmem>>, vector<16xf32>,
        %get3A_595 = arith.constant 80 : index
        %get3A_596 = tpu.vector_load %arg11[%get3A_595] {strides = array<i32>} : memref<384xf32, #tpu.memory_space<vmem>>, vector<16xf32>,
        %add3A_597 = arith.addf %add3A_540, %get3A_596 : vector<16xf32>
        %swap3A_598 = arith.index_cast %add3A_588 : i32 to index
        %swap3A_599 = arith.constant 16 : index
        %swap3A_600 = tpu.vector_load %arg12[%swap3A_598, %swap3A_599] {strides = array<i32>} : memref<2016x32xf32, #tpu.memory_space<vmem>>, vector<16xf32>,
        tpu.vector_store %arg12[%swap3A_598, %swap3A_599], %add3A_597 {strides = array<i32>} : memref<2016x32xf32, #tpu.memory_space<vmem>>, vector<16xf32>,
        %mul3A_601 = arith.constant 7 : i32
        %mul3A_602 = arith.muli %scan3A_34, %mul3A_601 : i32
        %add3A_603 = arith.constant 2 : i32
        %add3A_604 = arith.addi %mul3A_602, %add3A_603 : i32
        %mul3A_605 = arith.constant 12 : i32
        %mul3A_606 = arith.muli %add3A_604, %mul3A_605 : i32
        %add3A_607 = arith.constant 3 : i32
        %add3A_608 = arith.addi %mul3A_606, %add3A_607 : i32
        %get3A_609 = arith.constant 96 : index
        %get3A_610 = tpu.vector_load %arg11[%get3A_609] {strides = array<i32>} : memref<384xf32, #tpu.memory_space<vmem>>, vector<16xf32>,
        %add3A_611 = arith.addf %add3A_537, %get3A_610 : vector<16xf32>
        %swap3A_612 = arith.index_cast %add3A_608 : i32 to index
        %swap3A_613 = arith.constant 0 : index
        %swap3A_614 = tpu.vector_load %arg12[%swap3A_612, %swap3A_613] {strides = array<i32>} : memref<2016x32xf32, #tpu.memory_space<vmem>>, vector<16xf32>,
        tpu.vector_store %arg12[%swap3A_612, %swap3A_613], %add3A_611 {strides = array<i32>} : memref<2016x32xf32, #tpu.memory_space<vmem>>, vector<16xf32>,
        %get3A_615 = arith.constant 112 : index
        %get3A_616 = tpu.vector_load %arg11[%get3A_615] {strides = array<i32>} : memref<384xf32, #tpu.memory_space<vmem>>, vector<16xf32>,
        %add3A_617 = arith.addf %add3A_540, %get3A_616 : vector<16xf32>
        %swap3A_618 = arith.index_cast %add3A_608 : i32 to index
        %swap3A_619 = arith.constant 16 : index
        %swap3A_620 = tpu.vector_load %arg12[%swap3A_618, %swap3A_619] {strides = array<i32>} : memref<2016x32xf32, #tpu.memory_space<vmem>>, vector<16xf32>,
        tpu.vector_store %arg12[%swap3A_618, %swap3A_619], %add3A_617 {strides = array<i32>} : memref<2016x32xf32, #tpu.memory_space<vmem>>, vector<16xf32>,
        %mul3A_621 = arith.constant 7 : i32
        %mul3A_622 = arith.muli %scan3A_34, %mul3A_621 : i32
        %add3A_623 = arith.constant 2 : i32
        %add3A_624 = arith.addi %mul3A_622, %add3A_623 : i32
        %mul3A_625 = arith.constant 12 : i32
        %mul3A_626 = arith.muli %add3A_624, %mul3A_625 : i32
        %add3A_627 = arith.constant 4 : i32
        %add3A_628 = arith.addi %mul3A_626, %add3A_627 : i32
        %get3A_629 = arith.constant 128 : index
        %get3A_630 = tpu.vector_load %arg11[%get3A_629] {strides = array<i32>} : memref<384xf32, #tpu.memory_space<vmem>>, vector<16xf32>,
        %add3A_631 = arith.addf %add3A_537, %get3A_630 : vector<16xf32>
        %swap3A_632 = arith.index_cast %add3A_628 : i32 to index
        %swap3A_633 = arith.constant 0 : index
        %swap3A_634 = tpu.vector_load %arg12[%swap3A_632, %swap3A_633] {strides = array<i32>} : memref<2016x32xf32, #tpu.memory_space<vmem>>, vector<16xf32>,
        tpu.vector_store %arg12[%swap3A_632, %swap3A_633], %add3A_631 {strides = array<i32>} : memref<2016x32xf32, #tpu.memory_space<vmem>>, vector<16xf32>,
        %get3A_635 = arith.constant 144 : index
        %get3A_636 = tpu.vector_load %arg11[%get3A_635] {strides = array<i32>} : memref<384xf32, #tpu.memory_space<vmem>>, vector<16xf32>,
        %add3A_637 = arith.addf %add3A_540, %get3A_636 : vector<16xf32>
        %swap3A_638 = arith.index_cast %add3A_628 : i32 to index
        %swap3A_639 = arith.constant 16 : index
        %swap3A_640 = tpu.vector_load %arg12[%swap3A_638, %swap3A_639] {strides = array<i32>} : memref<2016x32xf32, #tpu.memory_space<vmem>>, vector<16xf32>,
        tpu.vector_store %arg12[%swap3A_638, %swap3A_639], %add3A_637 {strides = array<i32>} : memref<2016x32xf32, #tpu.memory_space<vmem>>, vector<16xf32>,
        %mul3A_641 = arith.constant 7 : i32
        %mul3A_642 = arith.muli %scan3A_34, %mul3A_641 : i32
        %add3A_643 = arith.constant 2 : i32
        %add3A_644 = arith.addi %mul3A_642, %add3A_643 : i32
        %mul3A_645 = arith.constant 12 : i32
        %mul3A_646 = arith.muli %add3A_644, %mul3A_645 : i32
        %add3A_647 = arith.constant 5 : i32
        %add3A_648 = arith.addi %mul3A_646, %add3A_647 : i32
        %get3A_649 = arith.constant 160 : index
        %get3A_650 = tpu.vector_load %arg11[%get3A_649] {strides = array<i32>} : memref<384xf32, #tpu.memory_space<vmem>>, vector<16xf32>,
        %add3A_651 = arith.addf %add3A_537, %get3A_650 : vector<16xf32>
        %swap3A_652 = arith.index_cast %add3A_648 : i32 to index
        %swap3A_653 = arith.constant 0 : index
        %swap3A_654 = tpu.vector_load %arg12[%swap3A_652, %swap3A_653] {strides = array<i32>} : memref<2016x32xf32, #tpu.memory_space<vmem>>, vector<16xf32>,
        tpu.vector_store %arg12[%swap3A_652, %swap3A_653], %add3A_651 {strides = array<i32>} : memref<2016x32xf32, #tpu.memory_space<vmem>>, vector<16xf32>,
        %get3A_655 = arith.constant 176 : index
        %get3A_656 = tpu.vector_load %arg11[%get3A_655] {strides = array<i32>} : memref<384xf32, #tpu.memory_space<vmem>>, vector<16xf32>,
        %add3A_657 = arith.addf %add3A_540, %get3A_656 : vector<16xf32>
        %swap3A_658 = arith.index_cast %add3A_648 : i32 to index
        %swap3A_659 = arith.constant 16 : index
        %swap3A_660 = tpu.vector_load %arg12[%swap3A_658, %swap3A_659] {strides = array<i32>} : memref<2016x32xf32, #tpu.memory_space<vmem>>, vector<16xf32>,
        tpu.vector_store %arg12[%swap3A_658, %swap3A_659], %add3A_657 {strides = array<i32>} : memref<2016x32xf32, #tpu.memory_space<vmem>>, vector<16xf32>,
        %mul3A_661 = arith.constant 7 : i32
        %mul3A_662 = arith.muli %scan3A_34, %mul3A_661 : i32
        %add3A_663 = arith.constant 2 : i32
        %add3A_664 = arith.addi %mul3A_662, %add3A_663 : i32
        %mul3A_665 = arith.constant 12 : i32
        %mul3A_666 = arith.muli %add3A_664, %mul3A_665 : i32
        %add3A_667 = arith.constant 6 : i32
        %add3A_668 = arith.addi %mul3A_666, %add3A_667 : i32
        %get3A_669 = arith.constant 192 : index
        %get3A_670 = tpu.vector_load %arg11[%get3A_669] {strides = array<i32>} : memref<384xf32, #tpu.memory_space<vmem>>, vector<16xf32>,
        %add3A_671 = arith.addf %add3A_537, %get3A_670 : vector<16xf32>
        %swap3A_672 = arith.index_cast %add3A_668 : i32 to index
        %swap3A_673 = arith.constant 0 : index
        %swap3A_674 = tpu.vector_load %arg12[%swap3A_672, %swap3A_673] {strides = array<i32>} : memref<2016x32xf32, #tpu.memory_space<vmem>>, vector<16xf32>,
        tpu.vector_store %arg12[%swap3A_672, %swap3A_673], %add3A_671 {strides = array<i32>} : memref<2016x32xf32, #tpu.memory_space<vmem>>, vector<16xf32>,
        %get3A_675 = arith.constant 208 : index
        %get3A_676 = tpu.vector_load %arg11[%get3A_675] {strides = array<i32>} : memref<384xf32, #tpu.memory_space<vmem>>, vector<16xf32>,
        %add3A_677 = arith.addf %add3A_540, %get3A_676 : vector<16xf32>
        %swap3A_678 = arith.index_cast %add3A_668 : i32 to index
        %swap3A_679 = arith.constant 16 : index
        %swap3A_680 = tpu.vector_load %arg12[%swap3A_678, %swap3A_679] {strides = array<i32>} : memref<2016x32xf32, #tpu.memory_space<vmem>>, vector<16xf32>,
        tpu.vector_store %arg12[%swap3A_678, %swap3A_679], %add3A_677 {strides = array<i32>} : memref<2016x32xf32, #tpu.memory_space<vmem>>, vector<16xf32>,
        %mul3A_681 = arith.constant 7 : i32
        %mul3A_682 = arith.muli %scan3A_34, %mul3A_681 : i32
        %add3A_683 = arith.constant 2 : i32
        %add3A_684 = arith.addi %mul3A_682, %add3A_683 : i32
        %mul3A_685 = arith.constant 12 : i32
        %mul3A_686 = arith.muli %add3A_684, %mul3A_685 : i32
        %add3A_687 = arith.constant 7 : i32
        %add3A_688 = arith.addi %mul3A_686, %add3A_687 : i32
        %get3A_689 = arith.constant 224 : index
        %get3A_690 = tpu.vector_load %arg11[%get3A_689] {strides = array<i32>} : memref<384xf32, #tpu.memory_space<vmem>>, vector<16xf32>,
        %add3A_691 = arith.addf %add3A_537, %get3A_690 : vector<16xf32>
        %swap3A_692 = arith.index_cast %add3A_688 : i32 to index
        %swap3A_693 = arith.constant 0 : index
        %swap3A_694 = tpu.vector_load %arg12[%swap3A_692, %swap3A_693] {strides = array<i32>} : memref<2016x32xf32, #tpu.memory_space<vmem>>, vector<16xf32>,
        tpu.vector_store %arg12[%swap3A_692, %swap3A_693], %add3A_691 {strides = array<i32>} : memref<2016x32xf32, #tpu.memory_space<vmem>>, vector<16xf32>,
        %get3A_695 = arith.constant 240 : index
        %get3A_696 = tpu.vector_load %arg11[%get3A_695] {strides = array<i32>} : memref<384xf32, #tpu.memory_space<vmem>>, vector<16xf32>,
        %add3A_697 = arith.addf %add3A_540, %get3A_696 : vector<16xf32>
        %swap3A_698 = arith.index_cast %add3A_688 : i32 to index
        %swap3A_699 = arith.constant 16 : index
        %swap3A_700 = tpu.vector_load %arg12[%swap3A_698, %swap3A_699] {strides = array<i32>} : memref<2016x32xf32, #tpu.memory_space<vmem>>, vector<16xf32>,
        tpu.vector_store %arg12[%swap3A_698, %swap3A_699], %add3A_697 {strides = array<i32>} : memref<2016x32xf32, #tpu.memory_space<vmem>>, vector<16xf32>,
        %mul3A_701 = arith.constant 7 : i32
        %mul3A_702 = arith.muli %scan3A_34, %mul3A_701 : i32
        %add3A_703 = arith.constant 2 : i32
        %add3A_704 = arith.addi %mul3A_702, %add3A_703 : i32
        %mul3A_705 = arith.constant 12 : i32
        %mul3A_706 = arith.muli %add3A_704, %mul3A_705 : i32
        %add3A_707 = arith.constant 8 : i32
        %add3A_708 = arith.addi %mul3A_706, %add3A_707 : i32
        %get3A_709 = arith.constant 256 : index
        %get3A_710 = tpu.vector_load %arg11[%get3A_709] {strides = array<i32>} : memref<384xf32, #tpu.memory_space<vmem>>, vector<16xf32>,
        %add3A_711 = arith.addf %add3A_537, %get3A_710 : vector<16xf32>
        %swap3A_712 = arith.index_cast %add3A_708 : i32 to index
        %swap3A_713 = arith.constant 0 : index
        %swap3A_714 = tpu.vector_load %arg12[%swap3A_712, %swap3A_713] {strides = array<i32>} : memref<2016x32xf32, #tpu.memory_space<vmem>>, vector<16xf32>,
        tpu.vector_store %arg12[%swap3A_712, %swap3A_713], %add3A_711 {strides = array<i32>} : memref<2016x32xf32, #tpu.memory_space<vmem>>, vector<16xf32>,
        %get3A_715 = arith.constant 272 : index
        %get3A_716 = tpu.vector_load %arg11[%get3A_715] {strides = array<i32>} : memref<384xf32, #tpu.memory_space<vmem>>, vector<16xf32>,
        %add3A_717 = arith.addf %add3A_540, %get3A_716 : vector<16xf32>
        %swap3A_718 = arith.index_cast %add3A_708 : i32 to index
        %swap3A_719 = arith.constant 16 : index
        %swap3A_720 = tpu.vector_load %arg12[%swap3A_718, %swap3A_719] {strides = array<i32>} : memref<2016x32xf32, #tpu.memory_space<vmem>>, vector<16xf32>,
        tpu.vector_store %arg12[%swap3A_718, %swap3A_719], %add3A_717 {strides = array<i32>} : memref<2016x32xf32, #tpu.memory_space<vmem>>, vector<16xf32>,
        %mul3A_721 = arith.constant 7 : i32
        %mul3A_722 = arith.muli %scan3A_34, %mul3A_721 : i32
        %add3A_723 = arith.constant 2 : i32
        %add3A_724 = arith.addi %mul3A_722, %add3A_723 : i32
        %mul3A_725 = arith.constant 12 : i32
        %mul3A_726 = arith.muli %add3A_724, %mul3A_725 : i32
        %add3A_727 = arith.constant 9 : i32
        %add3A_728 = arith.addi %mul3A_726, %add3A_727 : i32
        %get3A_729 = arith.constant 288 : index
        %get3A_730 = tpu.vector_load %arg11[%get3A_729] {strides = array<i32>} : memref<384xf32, #tpu.memory_space<vmem>>, vector<16xf32>,
        %add3A_731 = arith.addf %add3A_537, %get3A_730 : vector<16xf32>
        %swap3A_732 = arith.index_cast %add3A_728 : i32 to index
        %swap3A_733 = arith.constant 0 : index
        %swap3A_734 = tpu.vector_load %arg12[%swap3A_732, %swap3A_733] {strides = array<i32>} : memref<2016x32xf32, #tpu.memory_space<vmem>>, vector<16xf32>,
        tpu.vector_store %arg12[%swap3A_732, %swap3A_733], %add3A_731 {strides = array<i32>} : memref<2016x32xf32, #tpu.memory_space<vmem>>, vector<16xf32>,
        %get3A_735 = arith.constant 304 : index
        %get3A_736 = tpu.vector_load %arg11[%get3A_735] {strides = array<i32>} : memref<384xf32, #tpu.memory_space<vmem>>, vector<16xf32>,
        %add3A_737 = arith.addf %add3A_540, %get3A_736 : vector<16xf32>
        %swap3A_738 = arith.index_cast %add3A_728 : i32 to index
        %swap3A_739 = arith.constant 16 : index
        %swap3A_740 = tpu.vector_load %arg12[%swap3A_738, %swap3A_739] {strides = array<i32>} : memref<2016x32xf32, #tpu.memory_space<vmem>>, vector<16xf32>,
        tpu.vector_store %arg12[%swap3A_738, %swap3A_739], %add3A_737 {strides = array<i32>} : memref<2016x32xf32, #tpu.memory_space<vmem>>, vector<16xf32>,
        %mul3A_741 = arith.constant 7 : i32
        %mul3A_742 = arith.muli %scan3A_34, %mul3A_741 : i32
        %add3A_743 = arith.constant 2 : i32
        %add3A_744 = arith.addi %mul3A_742, %add3A_743 : i32
        %mul3A_745 = arith.constant 12 : i32
        %mul3A_746 = arith.muli %add3A_744, %mul3A_745 : i32
        %add3A_747 = arith.constant 10 : i32
        %add3A_748 = arith.addi %mul3A_746, %add3A_747 : i32
        %get3A_749 = arith.constant 320 : index
        %get3A_750 = tpu.vector_load %arg11[%get3A_749] {strides = array<i32>} : memref<384xf32, #tpu.memory_space<vmem>>, vector<16xf32>,
        %add3A_751 = arith.addf %add3A_537, %get3A_750 : vector<16xf32>
        %swap3A_752 = arith.index_cast %add3A_748 : i32 to index
        %swap3A_753 = arith.constant 0 : index
        %swap3A_754 = tpu.vector_load %arg12[%swap3A_752, %swap3A_753] {strides = array<i32>} : memref<2016x32xf32, #tpu.memory_space<vmem>>, vector<16xf32>,
        tpu.vector_store %arg12[%swap3A_752, %swap3A_753], %add3A_751 {strides = array<i32>} : memref<2016x32xf32, #tpu.memory_space<vmem>>, vector<16xf32>,
        %get3A_755 = arith.constant 336 : index
        %get3A_756 = tpu.vector_load %arg11[%get3A_755] {strides = array<i32>} : memref<384xf32, #tpu.memory_space<vmem>>, vector<16xf32>,
        %add3A_757 = arith.addf %add3A_540, %get3A_756 : vector<16xf32>
        %swap3A_758 = arith.index_cast %add3A_748 : i32 to index
        %swap3A_759 = arith.constant 16 : index
        %swap3A_760 = tpu.vector_load %arg12[%swap3A_758, %swap3A_759] {strides = array<i32>} : memref<2016x32xf32, #tpu.memory_space<vmem>>, vector<16xf32>,
        tpu.vector_store %arg12[%swap3A_758, %swap3A_759], %add3A_757 {strides = array<i32>} : memref<2016x32xf32, #tpu.memory_space<vmem>>, vector<16xf32>,
        %mul3A_761 = arith.constant 7 : i32
        %mul3A_762 = arith.muli %scan3A_34, %mul3A_761 : i32
        %add3A_763 = arith.constant 2 : i32
        %add3A_764 = arith.addi %mul3A_762, %add3A_763 : i32
        %mul3A_765 = arith.constant 12 : i32
        %mul3A_766 = arith.muli %add3A_764, %mul3A_765 : i32
        %add3A_767 = arith.constant 11 : i32
        %add3A_768 = arith.addi %mul3A_766, %add3A_767 : i32
        %get3A_769 = arith.constant 352 : index
        %get3A_770 = tpu.vector_load %arg11[%get3A_769] {strides = array<i32>} : memref<384xf32, #tpu.memory_space<vmem>>, vector<16xf32>,
        %add3A_771 = arith.addf %add3A_537, %get3A_770 : vector<16xf32>
        %swap3A_772 = arith.index_cast %add3A_768 : i32 to index
        %swap3A_773 = arith.constant 0 : index
        %swap3A_774 = tpu.vector_load %arg12[%swap3A_772, %swap3A_773] {strides = array<i32>} : memref<2016x32xf32, #tpu.memory_space<vmem>>, vector<16xf32>,
        tpu.vector_store %arg12[%swap3A_772, %swap3A_773], %add3A_771 {strides = array<i32>} : memref<2016x32xf32, #tpu.memory_space<vmem>>, vector<16xf32>,
        %get3A_775 = arith.constant 368 : index
        %get3A_776 = tpu.vector_load %arg11[%get3A_775] {strides = array<i32>} : memref<384xf32, #tpu.memory_space<vmem>>, vector<16xf32>,
        %add3A_777 = arith.addf %add3A_540, %get3A_776 : vector<16xf32>
        %swap3A_778 = arith.index_cast %add3A_768 : i32 to index
        %swap3A_779 = arith.constant 16 : index
        %swap3A_780 = tpu.vector_load %arg12[%swap3A_778, %swap3A_779] {strides = array<i32>} : memref<2016x32xf32, #tpu.memory_space<vmem>>, vector<16xf32>,
        tpu.vector_store %arg12[%swap3A_778, %swap3A_779], %add3A_777 {strides = array<i32>} : memref<2016x32xf32, #tpu.memory_space<vmem>>, vector<16xf32>,
        %get3A_781 = arith.constant 96 : index
        %get3A_782 = tpu.vector_load %arg10[%get3A_781] {strides = array<i32>} : memref<224xf32, #tpu.memory_space<vmem>>, vector<16xf32>,
        %add3A_783 = arith.addf %get3A_37, %get3A_782 : vector<16xf32>
        %get3A_784 = arith.constant 112 : index
        %get3A_785 = tpu.vector_load %arg10[%get3A_784] {strides = array<i32>} : memref<224xf32, #tpu.memory_space<vmem>>, vector<16xf32>,
        %add3A_786 = arith.addf %get3A_43, %get3A_785 : vector<16xf32>
        %mul3A_787 = arith.constant 7 : i32
        %mul3A_788 = arith.muli %scan3A_34, %mul3A_787 : i32
        %add3A_789 = arith.constant 3 : i32
        %add3A_790 = arith.addi %mul3A_788, %add3A_789 : i32
        %mul3A_791 = arith.constant 12 : i32
        %mul3A_792 = arith.muli %add3A_790, %mul3A_791 : i32
        %add3A_793 = arith.constant 0 : i32
        %add3A_794 = arith.addi %mul3A_792, %add3A_793 : i32
        %get3A_795 = arith.constant 0 : index
        %get3A_796 = tpu.vector_load %arg11[%get3A_795] {strides = array<i32>} : memref<384xf32, #tpu.memory_space<vmem>>, vector<16xf32>,
        %add3A_797 = arith.addf %add3A_783, %get3A_796 : vector<16xf32>
        %swap3A_798 = arith.index_cast %add3A_794 : i32 to index
        %swap3A_799 = arith.constant 0 : index
        %swap3A_800 = tpu.vector_load %arg12[%swap3A_798, %swap3A_799] {strides = array<i32>} : memref<2016x32xf32, #tpu.memory_space<vmem>>, vector<16xf32>,
        tpu.vector_store %arg12[%swap3A_798, %swap3A_799], %add3A_797 {strides = array<i32>} : memref<2016x32xf32, #tpu.memory_space<vmem>>, vector<16xf32>,
        %get3A_801 = arith.constant 16 : index
        %get3A_802 = tpu.vector_load %arg11[%get3A_801] {strides = array<i32>} : memref<384xf32, #tpu.memory_space<vmem>>, vector<16xf32>,
        %add3A_803 = arith.addf %add3A_786, %get3A_802 : vector<16xf32>
        %swap3A_804 = arith.index_cast %add3A_794 : i32 to index
        %swap3A_805 = arith.constant 16 : index
        %swap3A_806 = tpu.vector_load %arg12[%swap3A_804, %swap3A_805] {strides = array<i32>} : memref<2016x32xf32, #tpu.memory_space<vmem>>, vector<16xf32>,
        tpu.vector_store %arg12[%swap3A_804, %swap3A_805], %add3A_803 {strides = array<i32>} : memref<2016x32xf32, #tpu.memory_space<vmem>>, vector<16xf32>,
        %mul3A_807 = arith.constant 7 : i32
        %mul3A_808 = arith.muli %scan3A_34, %mul3A_807 : i32
        %add3A_809 = arith.constant 3 : i32
        %add3A_810 = arith.addi %mul3A_808, %add3A_809 : i32
        %mul3A_811 = arith.constant 12 : i32
        %mul3A_812 = arith.muli %add3A_810, %mul3A_811 : i32
        %add3A_813 = arith.constant 1 : i32
        %add3A_814 = arith.addi %mul3A_812, %add3A_813 : i32
        %get3A_815 = arith.constant 32 : index
        %get3A_816 = tpu.vector_load %arg11[%get3A_815] {strides = array<i32>} : memref<384xf32, #tpu.memory_space<vmem>>, vector<16xf32>,
        %add3A_817 = arith.addf %add3A_783, %get3A_816 : vector<16xf32>
        %swap3A_818 = arith.index_cast %add3A_814 : i32 to index
        %swap3A_819 = arith.constant 0 : index
        %swap3A_820 = tpu.vector_load %arg12[%swap3A_818, %swap3A_819] {strides = array<i32>} : memref<2016x32xf32, #tpu.memory_space<vmem>>, vector<16xf32>,
        tpu.vector_store %arg12[%swap3A_818, %swap3A_819], %add3A_817 {strides = array<i32>} : memref<2016x32xf32, #tpu.memory_space<vmem>>, vector<16xf32>,
        %get3A_821 = arith.constant 48 : index
        %get3A_822 = tpu.vector_load %arg11[%get3A_821] {strides = array<i32>} : memref<384xf32, #tpu.memory_space<vmem>>, vector<16xf32>,
        %add3A_823 = arith.addf %add3A_786, %get3A_822 : vector<16xf32>
        %swap3A_824 = arith.index_cast %add3A_814 : i32 to index
        %swap3A_825 = arith.constant 16 : index
        %swap3A_826 = tpu.vector_load %arg12[%swap3A_824, %swap3A_825] {strides = array<i32>} : memref<2016x32xf32, #tpu.memory_space<vmem>>, vector<16xf32>,
        tpu.vector_store %arg12[%swap3A_824, %swap3A_825], %add3A_823 {strides = array<i32>} : memref<2016x32xf32, #tpu.memory_space<vmem>>, vector<16xf32>,
        %mul3A_827 = arith.constant 7 : i32
        %mul3A_828 = arith.muli %scan3A_34, %mul3A_827 : i32
        %add3A_829 = arith.constant 3 : i32
        %add3A_830 = arith.addi %mul3A_828, %add3A_829 : i32
        %mul3A_831 = arith.constant 12 : i32
        %mul3A_832 = arith.muli %add3A_830, %mul3A_831 : i32
        %add3A_833 = arith.constant 2 : i32
        %add3A_834 = arith.addi %mul3A_832, %add3A_833 : i32
        %get3A_835 = arith.constant 64 : index
        %get3A_836 = tpu.vector_load %arg11[%get3A_835] {strides = array<i32>} : memref<384xf32, #tpu.memory_space<vmem>>, vector<16xf32>,
        %add3A_837 = arith.addf %add3A_783, %get3A_836 : vector<16xf32>
        %swap3A_838 = arith.index_cast %add3A_834 : i32 to index
        %swap3A_839 = arith.constant 0 : index
        %swap3A_840 = tpu.vector_load %arg12[%swap3A_838, %swap3A_839] {strides = array<i32>} : memref<2016x32xf32, #tpu.memory_space<vmem>>, vector<16xf32>,
        tpu.vector_store %arg12[%swap3A_838, %swap3A_839], %add3A_837 {strides = array<i32>} : memref<2016x32xf32, #tpu.memory_space<vmem>>, vector<16xf32>,
        %get3A_841 = arith.constant 80 : index
        %get3A_842 = tpu.vector_load %arg11[%get3A_841] {strides = array<i32>} : memref<384xf32, #tpu.memory_space<vmem>>, vector<16xf32>,
        %add3A_843 = arith.addf %add3A_786, %get3A_842 : vector<16xf32>
        %swap3A_844 = arith.index_cast %add3A_834 : i32 to index
        %swap3A_845 = arith.constant 16 : index
        %swap3A_846 = tpu.vector_load %arg12[%swap3A_844, %swap3A_845] {strides = array<i32>} : memref<2016x32xf32, #tpu.memory_space<vmem>>, vector<16xf32>,
        tpu.vector_store %arg12[%swap3A_844, %swap3A_845], %add3A_843 {strides = array<i32>} : memref<2016x32xf32, #tpu.memory_space<vmem>>, vector<16xf32>,
        %mul3A_847 = arith.constant 7 : i32
        %mul3A_848 = arith.muli %scan3A_34, %mul3A_847 : i32
        %add3A_849 = arith.constant 3 : i32
        %add3A_850 = arith.addi %mul3A_848, %add3A_849 : i32
        %mul3A_851 = arith.constant 12 : i32
        %mul3A_852 = arith.muli %add3A_850, %mul3A_851 : i32
        %add3A_853 = arith.constant 3 : i32
        %add3A_854 = arith.addi %mul3A_852, %add3A_853 : i32
        %get3A_855 = arith.constant 96 : index
        %get3A_856 = tpu.vector_load %arg11[%get3A_855] {strides = array<i32>} : memref<384xf32, #tpu.memory_space<vmem>>, vector<16xf32>,
        %add3A_857 = arith.addf %add3A_783, %get3A_856 : vector<16xf32>
        %swap3A_858 = arith.index_cast %add3A_854 : i32 to index
        %swap3A_859 = arith.constant 0 : index
        %swap3A_860 = tpu.vector_load %arg12[%swap3A_858, %swap3A_859] {strides = array<i32>} : memref<2016x32xf32, #tpu.memory_space<vmem>>, vector<16xf32>,
        tpu.vector_store %arg12[%swap3A_858, %swap3A_859], %add3A_857 {strides = array<i32>} : memref<2016x32xf32, #tpu.memory_space<vmem>>, vector<16xf32>,
        %get3A_861 = arith.constant 112 : index
        %get3A_862 = tpu.vector_load %arg11[%get3A_861] {strides = array<i32>} : memref<384xf32, #tpu.memory_space<vmem>>, vector<16xf32>,
        %add3A_863 = arith.addf %add3A_786, %get3A_862 : vector<16xf32>
        %swap3A_864 = arith.index_cast %add3A_854 : i32 to index
        %swap3A_865 = arith.constant 16 : index
        %swap3A_866 = tpu.vector_load %arg12[%swap3A_864, %swap3A_865] {strides = array<i32>} : memref<2016x32xf32, #tpu.memory_space<vmem>>, vector<16xf32>,
        tpu.vector_store %arg12[%swap3A_864, %swap3A_865], %add3A_863 {strides = array<i32>} : memref<2016x32xf32, #tpu.memory_space<vmem>>, vector<16xf32>,
        %mul3A_867 = arith.constant 7 : i32
        %mul3A_868 = arith.muli %scan3A_34, %mul3A_867 : i32
        %add3A_869 = arith.constant 3 : i32
        %add3A_870 = arith.addi %mul3A_868, %add3A_869 : i32
        %mul3A_871 = arith.constant 12 : i32
        %mul3A_872 = arith.muli %add3A_870, %mul3A_871 : i32
        %add3A_873 = arith.constant 4 : i32
        %add3A_874 = arith.addi %mul3A_872, %add3A_873 : i32
        %get3A_875 = arith.constant 128 : index
        %get3A_876 = tpu.vector_load %arg11[%get3A_875] {strides = array<i32>} : memref<384xf32, #tpu.memory_space<vmem>>, vector<16xf32>,
        %add3A_877 = arith.addf %add3A_783, %get3A_876 : vector<16xf32>
        %swap3A_878 = arith.index_cast %add3A_874 : i32 to index
        %swap3A_879 = arith.constant 0 : index
        %swap3A_880 = tpu.vector_load %arg12[%swap3A_878, %swap3A_879] {strides = array<i32>} : memref<2016x32xf32, #tpu.memory_space<vmem>>, vector<16xf32>,
        tpu.vector_store %arg12[%swap3A_878, %swap3A_879], %add3A_877 {strides = array<i32>} : memref<2016x32xf32, #tpu.memory_space<vmem>>, vector<16xf32>,
        %get3A_881 = arith.constant 144 : index
        %get3A_882 = tpu.vector_load %arg11[%get3A_881] {strides = array<i32>} : memref<384xf32, #tpu.memory_space<vmem>>, vector<16xf32>,
        %add3A_883 = arith.addf %add3A_786, %get3A_882 : vector<16xf32>
        %swap3A_884 = arith.index_cast %add3A_874 : i32 to index
        %swap3A_885 = arith.constant 16 : index
        %swap3A_886 = tpu.vector_load %arg12[%swap3A_884, %swap3A_885] {strides = array<i32>} : memref<2016x32xf32, #tpu.memory_space<vmem>>, vector<16xf32>,
        tpu.vector_store %arg12[%swap3A_884, %swap3A_885], %add3A_883 {strides = array<i32>} : memref<2016x32xf32, #tpu.memory_space<vmem>>, vector<16xf32>,
        %mul3A_887 = arith.constant 7 : i32
        %mul3A_888 = arith.muli %scan3A_34, %mul3A_887 : i32
        %add3A_889 = arith.constant 3 : i32
        %add3A_890 = arith.addi %mul3A_888, %add3A_889 : i32
        %mul3A_891 = arith.constant 12 : i32
        %mul3A_892 = arith.muli %add3A_890, %mul3A_891 : i32
        %add3A_893 = arith.constant 5 : i32
        %add3A_894 = arith.addi %mul3A_892, %add3A_893 : i32
        %get3A_895 = arith.constant 160 : index
        %get3A_896 = tpu.vector_load %arg11[%get3A_895] {strides = array<i32>} : memref<384xf32, #tpu.memory_space<vmem>>, vector<16xf32>,
        %add3A_897 = arith.addf %add3A_783, %get3A_896 : vector<16xf32>
        %swap3A_898 = arith.index_cast %add3A_894 : i32 to index
        %swap3A_899 = arith.constant 0 : index
        %swap3A_900 = tpu.vector_load %arg12[%swap3A_898, %swap3A_899] {strides = array<i32>} : memref<2016x32xf32, #tpu.memory_space<vmem>>, vector<16xf32>,
        tpu.vector_store %arg12[%swap3A_898, %swap3A_899], %add3A_897 {strides = array<i32>} : memref<2016x32xf32, #tpu.memory_space<vmem>>, vector<16xf32>,
        %get3A_901 = arith.constant 176 : index
        %get3A_902 = tpu.vector_load %arg11[%get3A_901] {strides = array<i32>} : memref<384xf32, #tpu.memory_space<vmem>>, vector<16xf32>,
        %add3A_903 = arith.addf %add3A_786, %get3A_902 : vector<16xf32>
        %swap3A_904 = arith.index_cast %add3A_894 : i32 to index
        %swap3A_905 = arith.constant 16 : index
        %swap3A_906 = tpu.vector_load %arg12[%swap3A_904, %swap3A_905] {strides = array<i32>} : memref<2016x32xf32, #tpu.memory_space<vmem>>, vector<16xf32>,
        tpu.vector_store %arg12[%swap3A_904, %swap3A_905], %add3A_903 {strides = array<i32>} : memref<2016x32xf32, #tpu.memory_space<vmem>>, vector<16xf32>,
        %mul3A_907 = arith.constant 7 : i32
        %mul3A_908 = arith.muli %scan3A_34, %mul3A_907 : i32
        %add3A_909 = arith.constant 3 : i32
        %add3A_910 = arith.addi %mul3A_908, %add3A_909 : i32
        %mul3A_911 = arith.constant 12 : i32
        %mul3A_912 = arith.muli %add3A_910, %mul3A_911 : i32
        %add3A_913 = arith.constant 6 : i32
        %add3A_914 = arith.addi %mul3A_912, %add3A_913 : i32
        %get3A_915 = arith.constant 192 : index
        %get3A_916 = tpu.vector_load %arg11[%get3A_915] {strides = array<i32>} : memref<384xf32, #tpu.memory_space<vmem>>, vector<16xf32>,
        %add3A_917 = arith.addf %add3A_783, %get3A_916 : vector<16xf32>
        %swap3A_918 = arith.index_cast %add3A_914 : i32 to index
        %swap3A_919 = arith.constant 0 : index
        %swap3A_920 = tpu.vector_load %arg12[%swap3A_918, %swap3A_919] {strides = array<i32>} : memref<2016x32xf32, #tpu.memory_space<vmem>>, vector<16xf32>,
        tpu.vector_store %arg12[%swap3A_918, %swap3A_919], %add3A_917 {strides = array<i32>} : memref<2016x32xf32, #tpu.memory_space<vmem>>, vector<16xf32>,
        %get3A_921 = arith.constant 208 : index
        %get3A_922 = tpu.vector_load %arg11[%get3A_921] {strides = array<i32>} : memref<384xf32, #tpu.memory_space<vmem>>, vector<16xf32>,
        %add3A_923 = arith.addf %add3A_786, %get3A_922 : vector<16xf32>
        %swap3A_924 = arith.index_cast %add3A_914 : i32 to index
        %swap3A_925 = arith.constant 16 : index
        %swap3A_926 = tpu.vector_load %arg12[%swap3A_924, %swap3A_925] {strides = array<i32>} : memref<2016x32xf32, #tpu.memory_space<vmem>>, vector<16xf32>,
        tpu.vector_store %arg12[%swap3A_924, %swap3A_925], %add3A_923 {strides = array<i32>} : memref<2016x32xf32, #tpu.memory_space<vmem>>, vector<16xf32>,
        %mul3A_927 = arith.constant 7 : i32
        %mul3A_928 = arith.muli %scan3A_34, %mul3A_927 : i32
        %add3A_929 = arith.constant 3 : i32
        %add3A_930 = arith.addi %mul3A_928, %add3A_929 : i32
        %mul3A_931 = arith.constant 12 : i32
        %mul3A_932 = arith.muli %add3A_930, %mul3A_931 : i32
        %add3A_933 = arith.constant 7 : i32
        %add3A_934 = arith.addi %mul3A_932, %add3A_933 : i32
        %get3A_935 = arith.constant 224 : index
        %get3A_936 = tpu.vector_load %arg11[%get3A_935] {strides = array<i32>} : memref<384xf32, #tpu.memory_space<vmem>>, vector<16xf32>,
        %add3A_937 = arith.addf %add3A_783, %get3A_936 : vector<16xf32>
        %swap3A_938 = arith.index_cast %add3A_934 : i32 to index
        %swap3A_939 = arith.constant 0 : index
        %swap3A_940 = tpu.vector_load %arg12[%swap3A_938, %swap3A_939] {strides = array<i32>} : memref<2016x32xf32, #tpu.memory_space<vmem>>, vector<16xf32>,
        tpu.vector_store %arg12[%swap3A_938, %swap3A_939], %add3A_937 {strides = array<i32>} : memref<2016x32xf32, #tpu.memory_space<vmem>>, vector<16xf32>,
        %get3A_941 = arith.constant 240 : index
        %get3A_942 = tpu.vector_load %arg11[%get3A_941] {strides = array<i32>} : memref<384xf32, #tpu.memory_space<vmem>>, vector<16xf32>,
        %add3A_943 = arith.addf %add3A_786, %get3A_942 : vector<16xf32>
        %swap3A_944 = arith.index_cast %add3A_934 : i32 to index
        %swap3A_945 = arith.constant 16 : index
        %swap3A_946 = tpu.vector_load %arg12[%swap3A_944, %swap3A_945] {strides = array<i32>} : memref<2016x32xf32, #tpu.memory_space<vmem>>, vector<16xf32>,
        tpu.vector_store %arg12[%swap3A_944, %swap3A_945], %add3A_943 {strides = array<i32>} : memref<2016x32xf32, #tpu.memory_space<vmem>>, vector<16xf32>,
        %mul3A_947 = arith.constant 7 : i32
        %mul3A_948 = arith.muli %scan3A_34, %mul3A_947 : i32
        %add3A_949 = arith.constant 3 : i32
        %add3A_950 = arith.addi %mul3A_948, %add3A_949 : i32
        %mul3A_951 = arith.constant 12 : i32
        %mul3A_952 = arith.muli %add3A_950, %mul3A_951 : i32
        %add3A_953 = arith.constant 8 : i32
        %add3A_954 = arith.addi %mul3A_952, %add3A_953 : i32
        %get3A_955 = arith.constant 256 : index
        %get3A_956 = tpu.vector_load %arg11[%get3A_955] {strides = array<i32>} : memref<384xf32, #tpu.memory_space<vmem>>, vector<16xf32>,
        %add3A_957 = arith.addf %add3A_783, %get3A_956 : vector<16xf32>
        %swap3A_958 = arith.index_cast %add3A_954 : i32 to index
        %swap3A_959 = arith.constant 0 : index
        %swap3A_960 = tpu.vector_load %arg12[%swap3A_958, %swap3A_959] {strides = array<i32>} : memref<2016x32xf32, #tpu.memory_space<vmem>>, vector<16xf32>,
        tpu.vector_store %arg12[%swap3A_958, %swap3A_959], %add3A_957 {strides = array<i32>} : memref<2016x32xf32, #tpu.memory_space<vmem>>, vector<16xf32>,
        %get3A_961 = arith.constant 272 : index
        %get3A_962 = tpu.vector_load %arg11[%get3A_961] {strides = array<i32>} : memref<384xf32, #tpu.memory_space<vmem>>, vector<16xf32>,
        %add3A_963 = arith.addf %add3A_786, %get3A_962 : vector<16xf32>
        %swap3A_964 = arith.index_cast %add3A_954 : i32 to index
        %swap3A_965 = arith.constant 16 : index
        %swap3A_966 = tpu.vector_load %arg12[%swap3A_964, %swap3A_965] {strides = array<i32>} : memref<2016x32xf32, #tpu.memory_space<vmem>>, vector<16xf32>,
        tpu.vector_store %arg12[%swap3A_964, %swap3A_965], %add3A_963 {strides = array<i32>} : memref<2016x32xf32, #tpu.memory_space<vmem>>, vector<16xf32>,
        %mul3A_967 = arith.constant 7 : i32
        %mul3A_968 = arith.muli %scan3A_34, %mul3A_967 : i32
        %add3A_969 = arith.constant 3 : i32
        %add3A_970 = arith.addi %mul3A_968, %add3A_969 : i32
        %mul3A_971 = arith.constant 12 : i32
        %mul3A_972 = arith.muli %add3A_970, %mul3A_971 : i32
        %add3A_973 = arith.constant 9 : i32
        %add3A_974 = arith.addi %mul3A_972, %add3A_973 : i32
        %get3A_975 = arith.constant 288 : index
        %get3A_976 = tpu.vector_load %arg11[%get3A_975] {strides = array<i32>} : memref<384xf32, #tpu.memory_space<vmem>>, vector<16xf32>,
        %add3A_977 = arith.addf %add3A_783, %get3A_976 : vector<16xf32>
        %swap3A_978 = arith.index_cast %add3A_974 : i32 to index
        %swap3A_979 = arith.constant 0 : index
        %swap3A_980 = tpu.vector_load %arg12[%swap3A_978, %swap3A_979] {strides = array<i32>} : memref<2016x32xf32, #tpu.memory_space<vmem>>, vector<16xf32>,
        tpu.vector_store %arg12[%swap3A_978, %swap3A_979], %add3A_977 {strides = array<i32>} : memref<2016x32xf32, #tpu.memory_space<vmem>>, vector<16xf32>,
        %get3A_981 = arith.constant 304 : index
        %get3A_982 = tpu.vector_load %arg11[%get3A_981] {strides = array<i32>} : memref<384xf32, #tpu.memory_space<vmem>>, vector<16xf32>,
        %add3A_983 = arith.addf %add3A_786, %get3A_982 : vector<16xf32>
        %swap3A_984 = arith.index_cast %add3A_974 : i32 to index
        %swap3A_985 = arith.constant 16 : index
        %swap3A_986 = tpu.vector_load %arg12[%swap3A_984, %swap3A_985] {strides = array<i32>} : memref<2016x32xf32, #tpu.memory_space<vmem>>, vector<16xf32>,
        tpu.vector_store %arg12[%swap3A_984, %swap3A_985], %add3A_983 {strides = array<i32>} : memref<2016x32xf32, #tpu.memory_space<vmem>>, vector<16xf32>,
        %mul3A_987 = arith.constant 7 : i32
        %mul3A_988 = arith.muli %scan3A_34, %mul3A_987 : i32
        %add3A_989 = arith.constant 3 : i32
        %add3A_990 = arith.addi %mul3A_988, %add3A_989 : i32
        %mul3A_991 = arith.constant 12 : i32
        %mul3A_992 = arith.muli %add3A_990, %mul3A_991 : i32
        %add3A_993 = arith.constant 10 : i32
        %add3A_994 = arith.addi %mul3A_992, %add3A_993 : i32
        %get3A_995 = arith.constant 320 : index
        %get3A_996 = tpu.vector_load %arg11[%get3A_995] {strides = array<i32>} : memref<384xf32, #tpu.memory_space<vmem>>, vector<16xf32>,
        %add3A_997 = arith.addf %add3A_783, %get3A_996 : vector<16xf32>
        %swap3A_998 = arith.index_cast %add3A_994 : i32 to index
        %swap3A_999 = arith.constant 0 : index
        %swap3A_1000 = tpu.vector_load %arg12[%swap3A_998, %swap3A_999] {strides = array<i32>} : memref<2016x32xf32, #tpu.memory_space<vmem>>, vector<16xf32>,
        tpu.vector_store %arg12[%swap3A_998, %swap3A_999], %add3A_997 {strides = array<i32>} : memref<2016x32xf32, #tpu.memory_space<vmem>>, vector<16xf32>,
        %get3A_1001 = arith.constant 336 : index
        %get3A_1002 = tpu.vector_load %arg11[%get3A_1001] {strides = array<i32>} : memref<384xf32, #tpu.memory_space<vmem>>, vector<16xf32>,
        %add3A_1003 = arith.addf %add3A_786, %get3A_1002 : vector<16xf32>
        %swap3A_1004 = arith.index_cast %add3A_994 : i32 to index
        %swap3A_1005 = arith.constant 16 : index
        %swap3A_1006 = tpu.vector_load %arg12[%swap3A_1004, %swap3A_1005] {strides = array<i32>} : memref<2016x32xf32, #tpu.memory_space<vmem>>, vector<16xf32>,
        tpu.vector_store %arg12[%swap3A_1004, %swap3A_1005], %add3A_1003 {strides = array<i32>} : memref<2016x32xf32, #tpu.memory_space<vmem>>, vector<16xf32>,
        %mul3A_1007 = arith.constant 7 : i32
        %mul3A_1008 = arith.muli %scan3A_34, %mul3A_1007 : i32
        %add3A_1009 = arith.constant 3 : i32
        %add3A_1010 = arith.addi %mul3A_1008, %add3A_1009 : i32
        %mul3A_1011 = arith.constant 12 : i32
        %mul3A_1012 = arith.muli %add3A_1010, %mul3A_1011 : i32
        %add3A_1013 = arith.constant 11 : i32
        %add3A_1014 = arith.addi %mul3A_1012, %add3A_1013 : i32
        %get3A_1015 = arith.constant 352 : index
        %get3A_1016 = tpu.vector_load %arg11[%get3A_1015] {strides = array<i32>} : memref<384xf32, #tpu.memory_space<vmem>>, vector<16xf32>,
        %add3A_1017 = arith.addf %add3A_783, %get3A_1016 : vector<16xf32>
        %swap3A_1018 = arith.index_cast %add3A_1014 : i32 to index
        %swap3A_1019 = arith.constant 0 : index
        %swap3A_1020 = tpu.vector_load %arg12[%swap3A_1018, %swap3A_1019] {strides = array<i32>} : memref<2016x32xf32, #tpu.memory_space<vmem>>, vector<16xf32>,
        tpu.vector_store %arg12[%swap3A_1018, %swap3A_1019], %add3A_1017 {strides = array<i32>} : memref<2016x32xf32, #tpu.memory_space<vmem>>, vector<16xf32>,
        %get3A_1021 = arith.constant 368 : index
        %get3A_1022 = tpu.vector_load %arg11[%get3A_1021] {strides = array<i32>} : memref<384xf32, #tpu.memory_space<vmem>>, vector<16xf32>,
        %add3A_1023 = arith.addf %add3A_786, %get3A_1022 : vector<16xf32>
        %swap3A_1024 = arith.index_cast %add3A_1014 : i32 to index
        %swap3A_1025 = arith.constant 16 : index
        %swap3A_1026 = tpu.vector_load %arg12[%swap3A_1024, %swap3A_1025] {strides = array<i32>} : memref<2016x32xf32, #tpu.memory_space<vmem>>, vector<16xf32>,
        tpu.vector_store %arg12[%swap3A_1024, %swap3A_1025], %add3A_1023 {strides = array<i32>} : memref<2016x32xf32, #tpu.memory_space<vmem>>, vector<16xf32>,
        %get3A_1027 = arith.constant 128 : index
        %get3A_1028 = tpu.vector_load %arg10[%get3A_1027] {strides = array<i32>} : memref<224xf32, #tpu.memory_space<vmem>>, vector<16xf32>,
        %add3A_1029 = arith.addf %get3A_37, %get3A_1028 : vector<16xf32>
        %get3A_1030 = arith.constant 144 : index
        %get3A_1031 = tpu.vector_load %arg10[%get3A_1030] {strides = array<i32>} : memref<224xf32, #tpu.memory_space<vmem>>, vector<16xf32>,
        %add3A_1032 = arith.addf %get3A_43, %get3A_1031 : vector<16xf32>
        %mul3A_1033 = arith.constant 7 : i32
        %mul3A_1034 = arith.muli %scan3A_34, %mul3A_1033 : i32
        %add3A_1035 = arith.constant 4 : i32
        %add3A_1036 = arith.addi %mul3A_1034, %add3A_1035 : i32
        %mul3A_1037 = arith.constant 12 : i32
        %mul3A_1038 = arith.muli %add3A_1036, %mul3A_1037 : i32
        %add3A_1039 = arith.constant 0 : i32
        %add3A_1040 = arith.addi %mul3A_1038, %add3A_1039 : i32
        %get3A_1041 = arith.constant 0 : index
        %get3A_1042 = tpu.vector_load %arg11[%get3A_1041] {strides = array<i32>} : memref<384xf32, #tpu.memory_space<vmem>>, vector<16xf32>,
        %add3A_1043 = arith.addf %add3A_1029, %get3A_1042 : vector<16xf32>
        %swap3A_1044 = arith.index_cast %add3A_1040 : i32 to index
        %swap3A_1045 = arith.constant 0 : index
        %swap3A_1046 = tpu.vector_load %arg12[%swap3A_1044, %swap3A_1045] {strides = array<i32>} : memref<2016x32xf32, #tpu.memory_space<vmem>>, vector<16xf32>,
        tpu.vector_store %arg12[%swap3A_1044, %swap3A_1045], %add3A_1043 {strides = array<i32>} : memref<2016x32xf32, #tpu.memory_space<vmem>>, vector<16xf32>,
        %get3A_1047 = arith.constant 16 : index
        %get3A_1048 = tpu.vector_load %arg11[%get3A_1047] {strides = array<i32>} : memref<384xf32, #tpu.memory_space<vmem>>, vector<16xf32>,
        %add3A_1049 = arith.addf %add3A_1032, %get3A_1048 : vector<16xf32>
        %swap3A_1050 = arith.index_cast %add3A_1040 : i32 to index
        %swap3A_1051 = arith.constant 16 : index
        %swap3A_1052 = tpu.vector_load %arg12[%swap3A_1050, %swap3A_1051] {strides = array<i32>} : memref<2016x32xf32, #tpu.memory_space<vmem>>, vector<16xf32>,
        tpu.vector_store %arg12[%swap3A_1050, %swap3A_1051], %add3A_1049 {strides = array<i32>} : memref<2016x32xf32, #tpu.memory_space<vmem>>, vector<16xf32>,
        %mul3A_1053 = arith.constant 7 : i32
        %mul3A_1054 = arith.muli %scan3A_34, %mul3A_1053 : i32
        %add3A_1055 = arith.constant 4 : i32
        %add3A_1056 = arith.addi %mul3A_1054, %add3A_1055 : i32
        %mul3A_1057 = arith.constant 12 : i32
        %mul3A_1058 = arith.muli %add3A_1056, %mul3A_1057 : i32
        %add3A_1059 = arith.constant 1 : i32
        %add3A_1060 = arith.addi %mul3A_1058, %add3A_1059 : i32
        %get3A_1061 = arith.constant 32 : index
        %get3A_1062 = tpu.vector_load %arg11[%get3A_1061] {strides = array<i32>} : memref<384xf32, #tpu.memory_space<vmem>>, vector<16xf32>,
        %add3A_1063 = arith.addf %add3A_1029, %get3A_1062 : vector<16xf32>
        %swap3A_1064 = arith.index_cast %add3A_1060 : i32 to index
        %swap3A_1065 = arith.constant 0 : index
        %swap3A_1066 = tpu.vector_load %arg12[%swap3A_1064, %swap3A_1065] {strides = array<i32>} : memref<2016x32xf32, #tpu.memory_space<vmem>>, vector<16xf32>,
        tpu.vector_store %arg12[%swap3A_1064, %swap3A_1065], %add3A_1063 {strides = array<i32>} : memref<2016x32xf32, #tpu.memory_space<vmem>>, vector<16xf32>,
        %get3A_1067 = arith.constant 48 : index
        %get3A_1068 = tpu.vector_load %arg11[%get3A_1067] {strides = array<i32>} : memref<384xf32, #tpu.memory_space<vmem>>, vector<16xf32>,
        %add3A_1069 = arith.addf %add3A_1032, %get3A_1068 : vector<16xf32>
        %swap3A_1070 = arith.index_cast %add3A_1060 : i32 to index
        %swap3A_1071 = arith.constant 16 : index
        %swap3A_1072 = tpu.vector_load %arg12[%swap3A_1070, %swap3A_1071] {strides = array<i32>} : memref<2016x32xf32, #tpu.memory_space<vmem>>, vector<16xf32>,
        tpu.vector_store %arg12[%swap3A_1070, %swap3A_1071], %add3A_1069 {strides = array<i32>} : memref<2016x32xf32, #tpu.memory_space<vmem>>, vector<16xf32>,
        %mul3A_1073 = arith.constant 7 : i32
        %mul3A_1074 = arith.muli %scan3A_34, %mul3A_1073 : i32
        %add3A_1075 = arith.constant 4 : i32
        %add3A_1076 = arith.addi %mul3A_1074, %add3A_1075 : i32
        %mul3A_1077 = arith.constant 12 : i32
        %mul3A_1078 = arith.muli %add3A_1076, %mul3A_1077 : i32
        %add3A_1079 = arith.constant 2 : i32
        %add3A_1080 = arith.addi %mul3A_1078, %add3A_1079 : i32
        %get3A_1081 = arith.constant 64 : index
        %get3A_1082 = tpu.vector_load %arg11[%get3A_1081] {strides = array<i32>} : memref<384xf32, #tpu.memory_space<vmem>>, vector<16xf32>,
        %add3A_1083 = arith.addf %add3A_1029, %get3A_1082 : vector<16xf32>
        %swap3A_1084 = arith.index_cast %add3A_1080 : i32 to index
        %swap3A_1085 = arith.constant 0 : index
        %swap3A_1086 = tpu.vector_load %arg12[%swap3A_1084, %swap3A_1085] {strides = array<i32>} : memref<2016x32xf32, #tpu.memory_space<vmem>>, vector<16xf32>,
        tpu.vector_store %arg12[%swap3A_1084, %swap3A_1085], %add3A_1083 {strides = array<i32>} : memref<2016x32xf32, #tpu.memory_space<vmem>>, vector<16xf32>,
        %get3A_1087 = arith.constant 80 : index
        %get3A_1088 = tpu.vector_load %arg11[%get3A_1087] {strides = array<i32>} : memref<384xf32, #tpu.memory_space<vmem>>, vector<16xf32>,
        %add3A_1089 = arith.addf %add3A_1032, %get3A_1088 : vector<16xf32>
        %swap3A_1090 = arith.index_cast %add3A_1080 : i32 to index
        %swap3A_1091 = arith.constant 16 : index
        %swap3A_1092 = tpu.vector_load %arg12[%swap3A_1090, %swap3A_1091] {strides = array<i32>} : memref<2016x32xf32, #tpu.memory_space<vmem>>, vector<16xf32>,
        tpu.vector_store %arg12[%swap3A_1090, %swap3A_1091], %add3A_1089 {strides = array<i32>} : memref<2016x32xf32, #tpu.memory_space<vmem>>, vector<16xf32>,
        %mul3A_1093 = arith.constant 7 : i32
        %mul3A_1094 = arith.muli %scan3A_34, %mul3A_1093 : i32
        %add3A_1095 = arith.constant 4 : i32
        %add3A_1096 = arith.addi %mul3A_1094, %add3A_1095 : i32
        %mul3A_1097 = arith.constant 12 : i32
        %mul3A_1098 = arith.muli %add3A_1096, %mul3A_1097 : i32
        %add3A_1099 = arith.constant 3 : i32
        %add3A_1100 = arith.addi %mul3A_1098, %add3A_1099 : i32
        %get3A_1101 = arith.constant 96 : index
        %get3A_1102 = tpu.vector_load %arg11[%get3A_1101] {strides = array<i32>} : memref<384xf32, #tpu.memory_space<vmem>>, vector<16xf32>,
        %add3A_1103 = arith.addf %add3A_1029, %get3A_1102 : vector<16xf32>
        %swap3A_1104 = arith.index_cast %add3A_1100 : i32 to index
        %swap3A_1105 = arith.constant 0 : index
        %swap3A_1106 = tpu.vector_load %arg12[%swap3A_1104, %swap3A_1105] {strides = array<i32>} : memref<2016x32xf32, #tpu.memory_space<vmem>>, vector<16xf32>,
        tpu.vector_store %arg12[%swap3A_1104, %swap3A_1105], %add3A_1103 {strides = array<i32>} : memref<2016x32xf32, #tpu.memory_space<vmem>>, vector<16xf32>,
        %get3A_1107 = arith.constant 112 : index
        %get3A_1108 = tpu.vector_load %arg11[%get3A_1107] {strides = array<i32>} : memref<384xf32, #tpu.memory_space<vmem>>, vector<16xf32>,
        %add3A_1109 = arith.addf %add3A_1032, %get3A_1108 : vector<16xf32>
        %swap3A_1110 = arith.index_cast %add3A_1100 : i32 to index
        %swap3A_1111 = arith.constant 16 : index
        %swap3A_1112 = tpu.vector_load %arg12[%swap3A_1110, %swap3A_1111] {strides = array<i32>} : memref<2016x32xf32, #tpu.memory_space<vmem>>, vector<16xf32>,
        tpu.vector_store %arg12[%swap3A_1110, %swap3A_1111], %add3A_1109 {strides = array<i32>} : memref<2016x32xf32, #tpu.memory_space<vmem>>, vector<16xf32>,
        %mul3A_1113 = arith.constant 7 : i32
        %mul3A_1114 = arith.muli %scan3A_34, %mul3A_1113 : i32
        %add3A_1115 = arith.constant 4 : i32
        %add3A_1116 = arith.addi %mul3A_1114, %add3A_1115 : i32
        %mul3A_1117 = arith.constant 12 : i32
        %mul3A_1118 = arith.muli %add3A_1116, %mul3A_1117 : i32
        %add3A_1119 = arith.constant 4 : i32
        %add3A_1120 = arith.addi %mul3A_1118, %add3A_1119 : i32
        %get3A_1121 = arith.constant 128 : index
        %get3A_1122 = tpu.vector_load %arg11[%get3A_1121] {strides = array<i32>} : memref<384xf32, #tpu.memory_space<vmem>>, vector<16xf32>,
        %add3A_1123 = arith.addf %add3A_1029, %get3A_1122 : vector<16xf32>
        %swap3A_1124 = arith.index_cast %add3A_1120 : i32 to index
        %swap3A_1125 = arith.constant 0 : index
        %swap3A_1126 = tpu.vector_load %arg12[%swap3A_1124, %swap3A_1125] {strides = array<i32>} : memref<2016x32xf32, #tpu.memory_space<vmem>>, vector<16xf32>,
        tpu.vector_store %arg12[%swap3A_1124, %swap3A_1125], %add3A_1123 {strides = array<i32>} : memref<2016x32xf32, #tpu.memory_space<vmem>>, vector<16xf32>,
        %get3A_1127 = arith.constant 144 : index
        %get3A_1128 = tpu.vector_load %arg11[%get3A_1127] {strides = array<i32>} : memref<384xf32, #tpu.memory_space<vmem>>, vector<16xf32>,
        %add3A_1129 = arith.addf %add3A_1032, %get3A_1128 : vector<16xf32>
        %swap3A_1130 = arith.index_cast %add3A_1120 : i32 to index
        %swap3A_1131 = arith.constant 16 : index
        %swap3A_1132 = tpu.vector_load %arg12[%swap3A_1130, %swap3A_1131] {strides = array<i32>} : memref<2016x32xf32, #tpu.memory_space<vmem>>, vector<16xf32>,
        tpu.vector_store %arg12[%swap3A_1130, %swap3A_1131], %add3A_1129 {strides = array<i32>} : memref<2016x32xf32, #tpu.memory_space<vmem>>, vector<16xf32>,
        %mul3A_1133 = arith.constant 7 : i32
        %mul3A_1134 = arith.muli %scan3A_34, %mul3A_1133 : i32
        %add3A_1135 = arith.constant 4 : i32
        %add3A_1136 = arith.addi %mul3A_1134, %add3A_1135 : i32
        %mul3A_1137 = arith.constant 12 : i32
        %mul3A_1138 = arith.muli %add3A_1136, %mul3A_1137 : i32
        %add3A_1139 = arith.constant 5 : i32
        %add3A_1140 = arith.addi %mul3A_1138, %add3A_1139 : i32
        %get3A_1141 = arith.constant 160 : index
        %get3A_1142 = tpu.vector_load %arg11[%get3A_1141] {strides = array<i32>} : memref<384xf32, #tpu.memory_space<vmem>>, vector<16xf32>,
        %add3A_1143 = arith.addf %add3A_1029, %get3A_1142 : vector<16xf32>
        %swap3A_1144 = arith.index_cast %add3A_1140 : i32 to index
        %swap3A_1145 = arith.constant 0 : index
        %swap3A_1146 = tpu.vector_load %arg12[%swap3A_1144, %swap3A_1145] {strides = array<i32>} : memref<2016x32xf32, #tpu.memory_space<vmem>>, vector<16xf32>,
        tpu.vector_store %arg12[%swap3A_1144, %swap3A_1145], %add3A_1143 {strides = array<i32>} : memref<2016x32xf32, #tpu.memory_space<vmem>>, vector<16xf32>,
        %get3A_1147 = arith.constant 176 : index
        %get3A_1148 = tpu.vector_load %arg11[%get3A_1147] {strides = array<i32>} : memref<384xf32, #tpu.memory_space<vmem>>, vector<16xf32>,
        %add3A_1149 = arith.addf %add3A_1032, %get3A_1148 : vector<16xf32>
        %swap3A_1150 = arith.index_cast %add3A_1140 : i32 to index
        %swap3A_1151 = arith.constant 16 : index
        %swap3A_1152 = tpu.vector_load %arg12[%swap3A_1150, %swap3A_1151] {strides = array<i32>} : memref<2016x32xf32, #tpu.memory_space<vmem>>, vector<16xf32>,
        tpu.vector_store %arg12[%swap3A_1150, %swap3A_1151], %add3A_1149 {strides = array<i32>} : memref<2016x32xf32, #tpu.memory_space<vmem>>, vector<16xf32>,
        %mul3A_1153 = arith.constant 7 : i32
        %mul3A_1154 = arith.muli %scan3A_34, %mul3A_1153 : i32
        %add3A_1155 = arith.constant 4 : i32
        %add3A_1156 = arith.addi %mul3A_1154, %add3A_1155 : i32
        %mul3A_1157 = arith.constant 12 : i32
        %mul3A_1158 = arith.muli %add3A_1156, %mul3A_1157 : i32
        %add3A_1159 = arith.constant 6 : i32
        %add3A_1160 = arith.addi %mul3A_1158, %add3A_1159 : i32
        %get3A_1161 = arith.constant 192 : index
        %get3A_1162 = tpu.vector_load %arg11[%get3A_1161] {strides = array<i32>} : memref<384xf32, #tpu.memory_space<vmem>>, vector<16xf32>,
        %add3A_1163 = arith.addf %add3A_1029, %get3A_1162 : vector<16xf32>
        %swap3A_1164 = arith.index_cast %add3A_1160 : i32 to index
        %swap3A_1165 = arith.constant 0 : index
        %swap3A_1166 = tpu.vector_load %arg12[%swap3A_1164, %swap3A_1165] {strides = array<i32>} : memref<2016x32xf32, #tpu.memory_space<vmem>>, vector<16xf32>,
        tpu.vector_store %arg12[%swap3A_1164, %swap3A_1165], %add3A_1163 {strides = array<i32>} : memref<2016x32xf32, #tpu.memory_space<vmem>>, vector<16xf32>,
        %get3A_1167 = arith.constant 208 : index
        %get3A_1168 = tpu.vector_load %arg11[%get3A_1167] {strides = array<i32>} : memref<384xf32, #tpu.memory_space<vmem>>, vector<16xf32>,
        %add3A_1169 = arith.addf %add3A_1032, %get3A_1168 : vector<16xf32>
        %swap3A_1170 = arith.index_cast %add3A_1160 : i32 to index
        %swap3A_1171 = arith.constant 16 : index
        %swap3A_1172 = tpu.vector_load %arg12[%swap3A_1170, %swap3A_1171] {strides = array<i32>} : memref<2016x32xf32, #tpu.memory_space<vmem>>, vector<16xf32>,
        tpu.vector_store %arg12[%swap3A_1170, %swap3A_1171], %add3A_1169 {strides = array<i32>} : memref<2016x32xf32, #tpu.memory_space<vmem>>, vector<16xf32>,
        %mul3A_1173 = arith.constant 7 : i32
        %mul3A_1174 = arith.muli %scan3A_34, %mul3A_1173 : i32
        %add3A_1175 = arith.constant 4 : i32
        %add3A_1176 = arith.addi %mul3A_1174, %add3A_1175 : i32
        %mul3A_1177 = arith.constant 12 : i32
        %mul3A_1178 = arith.muli %add3A_1176, %mul3A_1177 : i32
        %add3A_1179 = arith.constant 7 : i32
        %add3A_1180 = arith.addi %mul3A_1178, %add3A_1179 : i32
        %get3A_1181 = arith.constant 224 : index
        %get3A_1182 = tpu.vector_load %arg11[%get3A_1181] {strides = array<i32>} : memref<384xf32, #tpu.memory_space<vmem>>, vector<16xf32>,
        %add3A_1183 = arith.addf %add3A_1029, %get3A_1182 : vector<16xf32>
        %swap3A_1184 = arith.index_cast %add3A_1180 : i32 to index
        %swap3A_1185 = arith.constant 0 : index
        %swap3A_1186 = tpu.vector_load %arg12[%swap3A_1184, %swap3A_1185] {strides = array<i32>} : memref<2016x32xf32, #tpu.memory_space<vmem>>, vector<16xf32>,
        tpu.vector_store %arg12[%swap3A_1184, %swap3A_1185], %add3A_1183 {strides = array<i32>} : memref<2016x32xf32, #tpu.memory_space<vmem>>, vector<16xf32>,
        %get3A_1187 = arith.constant 240 : index
        %get3A_1188 = tpu.vector_load %arg11[%get3A_1187] {strides = array<i32>} : memref<384xf32, #tpu.memory_space<vmem>>, vector<16xf32>,
        %add3A_1189 = arith.addf %add3A_1032, %get3A_1188 : vector<16xf32>
        %swap3A_1190 = arith.index_cast %add3A_1180 : i32 to index
        %swap3A_1191 = arith.constant 16 : index
        %swap3A_1192 = tpu.vector_load %arg12[%swap3A_1190, %swap3A_1191] {strides = array<i32>} : memref<2016x32xf32, #tpu.memory_space<vmem>>, vector<16xf32>,
        tpu.vector_store %arg12[%swap3A_1190, %swap3A_1191], %add3A_1189 {strides = array<i32>} : memref<2016x32xf32, #tpu.memory_space<vmem>>, vector<16xf32>,
        %mul3A_1193 = arith.constant 7 : i32
        %mul3A_1194 = arith.muli %scan3A_34, %mul3A_1193 : i32
        %add3A_1195 = arith.constant 4 : i32
        %add3A_1196 = arith.addi %mul3A_1194, %add3A_1195 : i32
        %mul3A_1197 = arith.constant 12 : i32
        %mul3A_1198 = arith.muli %add3A_1196, %mul3A_1197 : i32
        %add3A_1199 = arith.constant 8 : i32
        %add3A_1200 = arith.addi %mul3A_1198, %add3A_1199 : i32
        %get3A_1201 = arith.constant 256 : index
        %get3A_1202 = tpu.vector_load %arg11[%get3A_1201] {strides = array<i32>} : memref<384xf32, #tpu.memory_space<vmem>>, vector<16xf32>,
        %add3A_1203 = arith.addf %add3A_1029, %get3A_1202 : vector<16xf32>
        %swap3A_1204 = arith.index_cast %add3A_1200 : i32 to index
        %swap3A_1205 = arith.constant 0 : index
        %swap3A_1206 = tpu.vector_load %arg12[%swap3A_1204, %swap3A_1205] {strides = array<i32>} : memref<2016x32xf32, #tpu.memory_space<vmem>>, vector<16xf32>,
        tpu.vector_store %arg12[%swap3A_1204, %swap3A_1205], %add3A_1203 {strides = array<i32>} : memref<2016x32xf32, #tpu.memory_space<vmem>>, vector<16xf32>,
        %get3A_1207 = arith.constant 272 : index
        %get3A_1208 = tpu.vector_load %arg11[%get3A_1207] {strides = array<i32>} : memref<384xf32, #tpu.memory_space<vmem>>, vector<16xf32>,
        %add3A_1209 = arith.addf %add3A_1032, %get3A_1208 : vector<16xf32>
        %swap3A_1210 = arith.index_cast %add3A_1200 : i32 to index
        %swap3A_1211 = arith.constant 16 : index
        %swap3A_1212 = tpu.vector_load %arg12[%swap3A_1210, %swap3A_1211] {strides = array<i32>} : memref<2016x32xf32, #tpu.memory_space<vmem>>, vector<16xf32>,
        tpu.vector_store %arg12[%swap3A_1210, %swap3A_1211], %add3A_1209 {strides = array<i32>} : memref<2016x32xf32, #tpu.memory_space<vmem>>, vector<16xf32>,
        %mul3A_1213 = arith.constant 7 : i32
        %mul3A_1214 = arith.muli %scan3A_34, %mul3A_1213 : i32
        %add3A_1215 = arith.constant 4 : i32
        %add3A_1216 = arith.addi %mul3A_1214, %add3A_1215 : i32
        %mul3A_1217 = arith.constant 12 : i32
        %mul3A_1218 = arith.muli %add3A_1216, %mul3A_1217 : i32
        %add3A_1219 = arith.constant 9 : i32
        %add3A_1220 = arith.addi %mul3A_1218, %add3A_1219 : i32
        %get3A_1221 = arith.constant 288 : index
        %get3A_1222 = tpu.vector_load %arg11[%get3A_1221] {strides = array<i32>} : memref<384xf32, #tpu.memory_space<vmem>>, vector<16xf32>,
        %add3A_1223 = arith.addf %add3A_1029, %get3A_1222 : vector<16xf32>
        %swap3A_1224 = arith.index_cast %add3A_1220 : i32 to index
        %swap3A_1225 = arith.constant 0 : index
        %swap3A_1226 = tpu.vector_load %arg12[%swap3A_1224, %swap3A_1225] {strides = array<i32>} : memref<2016x32xf32, #tpu.memory_space<vmem>>, vector<16xf32>,
        tpu.vector_store %arg12[%swap3A_1224, %swap3A_1225], %add3A_1223 {strides = array<i32>} : memref<2016x32xf32, #tpu.memory_space<vmem>>, vector<16xf32>,
        %get3A_1227 = arith.constant 304 : index
        %get3A_1228 = tpu.vector_load %arg11[%get3A_1227] {strides = array<i32>} : memref<384xf32, #tpu.memory_space<vmem>>, vector<16xf32>,
        %add3A_1229 = arith.addf %add3A_1032, %get3A_1228 : vector<16xf32>
        %swap3A_1230 = arith.index_cast %add3A_1220 : i32 to index
        %swap3A_1231 = arith.constant 16 : index
        %swap3A_1232 = tpu.vector_load %arg12[%swap3A_1230, %swap3A_1231] {strides = array<i32>} : memref<2016x32xf32, #tpu.memory_space<vmem>>, vector<16xf32>,
        tpu.vector_store %arg12[%swap3A_1230, %swap3A_1231], %add3A_1229 {strides = array<i32>} : memref<2016x32xf32, #tpu.memory_space<vmem>>, vector<16xf32>,
        %mul3A_1233 = arith.constant 7 : i32
        %mul3A_1234 = arith.muli %scan3A_34, %mul3A_1233 : i32
        %add3A_1235 = arith.constant 4 : i32
        %add3A_1236 = arith.addi %mul3A_1234, %add3A_1235 : i32
        %mul3A_1237 = arith.constant 12 : i32
        %mul3A_1238 = arith.muli %add3A_1236, %mul3A_1237 : i32
        %add3A_1239 = arith.constant 10 : i32
        %add3A_1240 = arith.addi %mul3A_1238, %add3A_1239 : i32
        %get3A_1241 = arith.constant 320 : index
        %get3A_1242 = tpu.vector_load %arg11[%get3A_1241] {strides = array<i32>} : memref<384xf32, #tpu.memory_space<vmem>>, vector<16xf32>,
        %add3A_1243 = arith.addf %add3A_1029, %get3A_1242 : vector<16xf32>
        %swap3A_1244 = arith.index_cast %add3A_1240 : i32 to index
        %swap3A_1245 = arith.constant 0 : index
        %swap3A_1246 = tpu.vector_load %arg12[%swap3A_1244, %swap3A_1245] {strides = array<i32>} : memref<2016x32xf32, #tpu.memory_space<vmem>>, vector<16xf32>,
        tpu.vector_store %arg12[%swap3A_1244, %swap3A_1245], %add3A_1243 {strides = array<i32>} : memref<2016x32xf32, #tpu.memory_space<vmem>>, vector<16xf32>,
        %get3A_1247 = arith.constant 336 : index
        %get3A_1248 = tpu.vector_load %arg11[%get3A_1247] {strides = array<i32>} : memref<384xf32, #tpu.memory_space<vmem>>, vector<16xf32>,
        %add3A_1249 = arith.addf %add3A_1032, %get3A_1248 : vector<16xf32>
        %swap3A_1250 = arith.index_cast %add3A_1240 : i32 to index
        %swap3A_1251 = arith.constant 16 : index
        %swap3A_1252 = tpu.vector_load %arg12[%swap3A_1250, %swap3A_1251] {strides = array<i32>} : memref<2016x32xf32, #tpu.memory_space<vmem>>, vector<16xf32>,
        tpu.vector_store %arg12[%swap3A_1250, %swap3A_1251], %add3A_1249 {strides = array<i32>} : memref<2016x32xf32, #tpu.memory_space<vmem>>, vector<16xf32>,
        %mul3A_1253 = arith.constant 7 : i32
        %mul3A_1254 = arith.muli %scan3A_34, %mul3A_1253 : i32
        %add3A_1255 = arith.constant 4 : i32
        %add3A_1256 = arith.addi %mul3A_1254, %add3A_1255 : i32
        %mul3A_1257 = arith.constant 12 : i32
        %mul3A_1258 = arith.muli %add3A_1256, %mul3A_1257 : i32
        %add3A_1259 = arith.constant 11 : i32
        %add3A_1260 = arith.addi %mul3A_1258, %add3A_1259 : i32
        %get3A_1261 = arith.constant 352 : index
        %get3A_1262 = tpu.vector_load %arg11[%get3A_1261] {strides = array<i32>} : memref<384xf32, #tpu.memory_space<vmem>>, vector<16xf32>,
        %add3A_1263 = arith.addf %add3A_1029, %get3A_1262 : vector<16xf32>
        %swap3A_1264 = arith.index_cast %add3A_1260 : i32 to index
        %swap3A_1265 = arith.constant 0 : index
        %swap3A_1266 = tpu.vector_load %arg12[%swap3A_1264, %swap3A_1265] {strides = array<i32>} : memref<2016x32xf32, #tpu.memory_space<vmem>>, vector<16xf32>,
        tpu.vector_store %arg12[%swap3A_1264, %swap3A_1265], %add3A_1263 {strides = array<i32>} : memref<2016x32xf32, #tpu.memory_space<vmem>>, vector<16xf32>,
        %get3A_1267 = arith.constant 368 : index
        %get3A_1268 = tpu.vector_load %arg11[%get3A_1267] {strides = array<i32>} : memref<384xf32, #tpu.memory_space<vmem>>, vector<16xf32>,
        %add3A_1269 = arith.addf %add3A_1032, %get3A_1268 : vector<16xf32>
        %swap3A_1270 = arith.index_cast %add3A_1260 : i32 to index
        %swap3A_1271 = arith.constant 16 : index
        %swap3A_1272 = tpu.vector_load %arg12[%swap3A_1270, %swap3A_1271] {strides = array<i32>} : memref<2016x32xf32, #tpu.memory_space<vmem>>, vector<16xf32>,
        tpu.vector_store %arg12[%swap3A_1270, %swap3A_1271], %add3A_1269 {strides = array<i32>} : memref<2016x32xf32, #tpu.memory_space<vmem>>, vector<16xf32>,
        %get3A_1273 = arith.constant 160 : index
        %get3A_1274 = tpu.vector_load %arg10[%get3A_1273] {strides = array<i32>} : memref<224xf32, #tpu.memory_space<vmem>>, vector<16xf32>,
        %add3A_1275 = arith.addf %get3A_37, %get3A_1274 : vector<16xf32>
        %get3A_1276 = arith.constant 176 : index
        %get3A_1277 = tpu.vector_load %arg10[%get3A_1276] {strides = array<i32>} : memref<224xf32, #tpu.memory_space<vmem>>, vector<16xf32>,
        %add3A_1278 = arith.addf %get3A_43, %get3A_1277 : vector<16xf32>
        %mul3A_1279 = arith.constant 7 : i32
        %mul3A_1280 = arith.muli %scan3A_34, %mul3A_1279 : i32
        %add3A_1281 = arith.constant 5 : i32
        %add3A_1282 = arith.addi %mul3A_1280, %add3A_1281 : i32
        %mul3A_1283 = arith.constant 12 : i32
        %mul3A_1284 = arith.muli %add3A_1282, %mul3A_1283 : i32
        %add3A_1285 = arith.constant 0 : i32
        %add3A_1286 = arith.addi %mul3A_1284, %add3A_1285 : i32
        %get3A_1287 = arith.constant 0 : index
        %get3A_1288 = tpu.vector_load %arg11[%get3A_1287] {strides = array<i32>} : memref<384xf32, #tpu.memory_space<vmem>>, vector<16xf32>,
        %add3A_1289 = arith.addf %add3A_1275, %get3A_1288 : vector<16xf32>
        %swap3A_1290 = arith.index_cast %add3A_1286 : i32 to index
        %swap3A_1291 = arith.constant 0 : index
        %swap3A_1292 = tpu.vector_load %arg12[%swap3A_1290, %swap3A_1291] {strides = array<i32>} : memref<2016x32xf32, #tpu.memory_space<vmem>>, vector<16xf32>,
        tpu.vector_store %arg12[%swap3A_1290, %swap3A_1291], %add3A_1289 {strides = array<i32>} : memref<2016x32xf32, #tpu.memory_space<vmem>>, vector<16xf32>,
        %get3A_1293 = arith.constant 16 : index
        %get3A_1294 = tpu.vector_load %arg11[%get3A_1293] {strides = array<i32>} : memref<384xf32, #tpu.memory_space<vmem>>, vector<16xf32>,
        %add3A_1295 = arith.addf %add3A_1278, %get3A_1294 : vector<16xf32>
        %swap3A_1296 = arith.index_cast %add3A_1286 : i32 to index
        %swap3A_1297 = arith.constant 16 : index
        %swap3A_1298 = tpu.vector_load %arg12[%swap3A_1296, %swap3A_1297] {strides = array<i32>} : memref<2016x32xf32, #tpu.memory_space<vmem>>, vector<16xf32>,
        tpu.vector_store %arg12[%swap3A_1296, %swap3A_1297], %add3A_1295 {strides = array<i32>} : memref<2016x32xf32, #tpu.memory_space<vmem>>, vector<16xf32>,
        %mul3A_1299 = arith.constant 7 : i32
        %mul3A_1300 = arith.muli %scan3A_34, %mul3A_1299 : i32
        %add3A_1301 = arith.constant 5 : i32
        %add3A_1302 = arith.addi %mul3A_1300, %add3A_1301 : i32
        %mul3A_1303 = arith.constant 12 : i32
        %mul3A_1304 = arith.muli %add3A_1302, %mul3A_1303 : i32
        %add3A_1305 = arith.constant 1 : i32
        %add3A_1306 = arith.addi %mul3A_1304, %add3A_1305 : i32
        %get3A_1307 = arith.constant 32 : index
        %get3A_1308 = tpu.vector_load %arg11[%get3A_1307] {strides = array<i32>} : memref<384xf32, #tpu.memory_space<vmem>>, vector<16xf32>,
        %add3A_1309 = arith.addf %add3A_1275, %get3A_1308 : vector<16xf32>
        %swap3A_1310 = arith.index_cast %add3A_1306 : i32 to index
        %swap3A_1311 = arith.constant 0 : index
        %swap3A_1312 = tpu.vector_load %arg12[%swap3A_1310, %swap3A_1311] {strides = array<i32>} : memref<2016x32xf32, #tpu.memory_space<vmem>>, vector<16xf32>,
        tpu.vector_store %arg12[%swap3A_1310, %swap3A_1311], %add3A_1309 {strides = array<i32>} : memref<2016x32xf32, #tpu.memory_space<vmem>>, vector<16xf32>,
        %get3A_1313 = arith.constant 48 : index
        %get3A_1314 = tpu.vector_load %arg11[%get3A_1313] {strides = array<i32>} : memref<384xf32, #tpu.memory_space<vmem>>, vector<16xf32>,
        %add3A_1315 = arith.addf %add3A_1278, %get3A_1314 : vector<16xf32>
        %swap3A_1316 = arith.index_cast %add3A_1306 : i32 to index
        %swap3A_1317 = arith.constant 16 : index
        %swap3A_1318 = tpu.vector_load %arg12[%swap3A_1316, %swap3A_1317] {strides = array<i32>} : memref<2016x32xf32, #tpu.memory_space<vmem>>, vector<16xf32>,
        tpu.vector_store %arg12[%swap3A_1316, %swap3A_1317], %add3A_1315 {strides = array<i32>} : memref<2016x32xf32, #tpu.memory_space<vmem>>, vector<16xf32>,
        %mul3A_1319 = arith.constant 7 : i32
        %mul3A_1320 = arith.muli %scan3A_34, %mul3A_1319 : i32
        %add3A_1321 = arith.constant 5 : i32
        %add3A_1322 = arith.addi %mul3A_1320, %add3A_1321 : i32
        %mul3A_1323 = arith.constant 12 : i32
        %mul3A_1324 = arith.muli %add3A_1322, %mul3A_1323 : i32
        %add3A_1325 = arith.constant 2 : i32
        %add3A_1326 = arith.addi %mul3A_1324, %add3A_1325 : i32
        %get3A_1327 = arith.constant 64 : index
        %get3A_1328 = tpu.vector_load %arg11[%get3A_1327] {strides = array<i32>} : memref<384xf32, #tpu.memory_space<vmem>>, vector<16xf32>,
        %add3A_1329 = arith.addf %add3A_1275, %get3A_1328 : vector<16xf32>
        %swap3A_1330 = arith.index_cast %add3A_1326 : i32 to index
        %swap3A_1331 = arith.constant 0 : index
        %swap3A_1332 = tpu.vector_load %arg12[%swap3A_1330, %swap3A_1331] {strides = array<i32>} : memref<2016x32xf32, #tpu.memory_space<vmem>>, vector<16xf32>,
        tpu.vector_store %arg12[%swap3A_1330, %swap3A_1331], %add3A_1329 {strides = array<i32>} : memref<2016x32xf32, #tpu.memory_space<vmem>>, vector<16xf32>,
        %get3A_1333 = arith.constant 80 : index
        %get3A_1334 = tpu.vector_load %arg11[%get3A_1333] {strides = array<i32>} : memref<384xf32, #tpu.memory_space<vmem>>, vector<16xf32>,
        %add3A_1335 = arith.addf %add3A_1278, %get3A_1334 : vector<16xf32>
        %swap3A_1336 = arith.index_cast %add3A_1326 : i32 to index
        %swap3A_1337 = arith.constant 16 : index
        %swap3A_1338 = tpu.vector_load %arg12[%swap3A_1336, %swap3A_1337] {strides = array<i32>} : memref<2016x32xf32, #tpu.memory_space<vmem>>, vector<16xf32>,
        tpu.vector_store %arg12[%swap3A_1336, %swap3A_1337], %add3A_1335 {strides = array<i32>} : memref<2016x32xf32, #tpu.memory_space<vmem>>, vector<16xf32>,
        %mul3A_1339 = arith.constant 7 : i32
        %mul3A_1340 = arith.muli %scan3A_34, %mul3A_1339 : i32
        %add3A_1341 = arith.constant 5 : i32
        %add3A_1342 = arith.addi %mul3A_1340, %add3A_1341 : i32
        %mul3A_1343 = arith.constant 12 : i32
        %mul3A_1344 = arith.muli %add3A_1342, %mul3A_1343 : i32
        %add3A_1345 = arith.constant 3 : i32
        %add3A_1346 = arith.addi %mul3A_1344, %add3A_1345 : i32
        %get3A_1347 = arith.constant 96 : index
        %get3A_1348 = tpu.vector_load %arg11[%get3A_1347] {strides = array<i32>} : memref<384xf32, #tpu.memory_space<vmem>>, vector<16xf32>,
        %add3A_1349 = arith.addf %add3A_1275, %get3A_1348 : vector<16xf32>
        %swap3A_1350 = arith.index_cast %add3A_1346 : i32 to index
        %swap3A_1351 = arith.constant 0 : index
        %swap3A_1352 = tpu.vector_load %arg12[%swap3A_1350, %swap3A_1351] {strides = array<i32>} : memref<2016x32xf32, #tpu.memory_space<vmem>>, vector<16xf32>,
        tpu.vector_store %arg12[%swap3A_1350, %swap3A_1351], %add3A_1349 {strides = array<i32>} : memref<2016x32xf32, #tpu.memory_space<vmem>>, vector<16xf32>,
        %get3A_1353 = arith.constant 112 : index
        %get3A_1354 = tpu.vector_load %arg11[%get3A_1353] {strides = array<i32>} : memref<384xf32, #tpu.memory_space<vmem>>, vector<16xf32>,
        %add3A_1355 = arith.addf %add3A_1278, %get3A_1354 : vector<16xf32>
        %swap3A_1356 = arith.index_cast %add3A_1346 : i32 to index
        %swap3A_1357 = arith.constant 16 : index
        %swap3A_1358 = tpu.vector_load %arg12[%swap3A_1356, %swap3A_1357] {strides = array<i32>} : memref<2016x32xf32, #tpu.memory_space<vmem>>, vector<16xf32>,
        tpu.vector_store %arg12[%swap3A_1356, %swap3A_1357], %add3A_1355 {strides = array<i32>} : memref<2016x32xf32, #tpu.memory_space<vmem>>, vector<16xf32>,
        %mul3A_1359 = arith.constant 7 : i32
        %mul3A_1360 = arith.muli %scan3A_34, %mul3A_1359 : i32
        %add3A_1361 = arith.constant 5 : i32
        %add3A_1362 = arith.addi %mul3A_1360, %add3A_1361 : i32
        %mul3A_1363 = arith.constant 12 : i32
        %mul3A_1364 = arith.muli %add3A_1362, %mul3A_1363 : i32
        %add3A_1365 = arith.constant 4 : i32
        %add3A_1366 = arith.addi %mul3A_1364, %add3A_1365 : i32
        %get3A_1367 = arith.constant 128 : index
        %get3A_1368 = tpu.vector_load %arg11[%get3A_1367] {strides = array<i32>} : memref<384xf32, #tpu.memory_space<vmem>>, vector<16xf32>,
        %add3A_1369 = arith.addf %add3A_1275, %get3A_1368 : vector<16xf32>
        %swap3A_1370 = arith.index_cast %add3A_1366 : i32 to index
        %swap3A_1371 = arith.constant 0 : index
        %swap3A_1372 = tpu.vector_load %arg12[%swap3A_1370, %swap3A_1371] {strides = array<i32>} : memref<2016x32xf32, #tpu.memory_space<vmem>>, vector<16xf32>,
        tpu.vector_store %arg12[%swap3A_1370, %swap3A_1371], %add3A_1369 {strides = array<i32>} : memref<2016x32xf32, #tpu.memory_space<vmem>>, vector<16xf32>,
        %get3A_1373 = arith.constant 144 : index
        %get3A_1374 = tpu.vector_load %arg11[%get3A_1373] {strides = array<i32>} : memref<384xf32, #tpu.memory_space<vmem>>, vector<16xf32>,
        %add3A_1375 = arith.addf %add3A_1278, %get3A_1374 : vector<16xf32>
        %swap3A_1376 = arith.index_cast %add3A_1366 : i32 to index
        %swap3A_1377 = arith.constant 16 : index
        %swap3A_1378 = tpu.vector_load %arg12[%swap3A_1376, %swap3A_1377] {strides = array<i32>} : memref<2016x32xf32, #tpu.memory_space<vmem>>, vector<16xf32>,
        tpu.vector_store %arg12[%swap3A_1376, %swap3A_1377], %add3A_1375 {strides = array<i32>} : memref<2016x32xf32, #tpu.memory_space<vmem>>, vector<16xf32>,
        %mul3A_1379 = arith.constant 7 : i32
        %mul3A_1380 = arith.muli %scan3A_34, %mul3A_1379 : i32
        %add3A_1381 = arith.constant 5 : i32
        %add3A_1382 = arith.addi %mul3A_1380, %add3A_1381 : i32
        %mul3A_1383 = arith.constant 12 : i32
        %mul3A_1384 = arith.muli %add3A_1382, %mul3A_1383 : i32
        %add3A_1385 = arith.constant 5 : i32
        %add3A_1386 = arith.addi %mul3A_1384, %add3A_1385 : i32
        %get3A_1387 = arith.constant 160 : index
        %get3A_1388 = tpu.vector_load %arg11[%get3A_1387] {strides = array<i32>} : memref<384xf32, #tpu.memory_space<vmem>>, vector<16xf32>,
        %add3A_1389 = arith.addf %add3A_1275, %get3A_1388 : vector<16xf32>
        %swap3A_1390 = arith.index_cast %add3A_1386 : i32 to index
        %swap3A_1391 = arith.constant 0 : index
        %swap3A_1392 = tpu.vector_load %arg12[%swap3A_1390, %swap3A_1391] {strides = array<i32>} : memref<2016x32xf32, #tpu.memory_space<vmem>>, vector<16xf32>,
        tpu.vector_store %arg12[%swap3A_1390, %swap3A_1391], %add3A_1389 {strides = array<i32>} : memref<2016x32xf32, #tpu.memory_space<vmem>>, vector<16xf32>,
        %get3A_1393 = arith.constant 176 : index
        %get3A_1394 = tpu.vector_load %arg11[%get3A_1393] {strides = array<i32>} : memref<384xf32, #tpu.memory_space<vmem>>, vector<16xf32>,
        %add3A_1395 = arith.addf %add3A_1278, %get3A_1394 : vector<16xf32>
        %swap3A_1396 = arith.index_cast %add3A_1386 : i32 to index
        %swap3A_1397 = arith.constant 16 : index
        %swap3A_1398 = tpu.vector_load %arg12[%swap3A_1396, %swap3A_1397] {strides = array<i32>} : memref<2016x32xf32, #tpu.memory_space<vmem>>, vector<16xf32>,
        tpu.vector_store %arg12[%swap3A_1396, %swap3A_1397], %add3A_1395 {strides = array<i32>} : memref<2016x32xf32, #tpu.memory_space<vmem>>, vector<16xf32>,
        %mul3A_1399 = arith.constant 7 : i32
        %mul3A_1400 = arith.muli %scan3A_34, %mul3A_1399 : i32
        %add3A_1401 = arith.constant 5 : i32
        %add3A_1402 = arith.addi %mul3A_1400, %add3A_1401 : i32
        %mul3A_1403 = arith.constant 12 : i32
        %mul3A_1404 = arith.muli %add3A_1402, %mul3A_1403 : i32
        %add3A_1405 = arith.constant 6 : i32
        %add3A_1406 = arith.addi %mul3A_1404, %add3A_1405 : i32
        %get3A_1407 = arith.constant 192 : index
        %get3A_1408 = tpu.vector_load %arg11[%get3A_1407] {strides = array<i32>} : memref<384xf32, #tpu.memory_space<vmem>>, vector<16xf32>,
        %add3A_1409 = arith.addf %add3A_1275, %get3A_1408 : vector<16xf32>
        %swap3A_1410 = arith.index_cast %add3A_1406 : i32 to index
        %swap3A_1411 = arith.constant 0 : index
        %swap3A_1412 = tpu.vector_load %arg12[%swap3A_1410, %swap3A_1411] {strides = array<i32>} : memref<2016x32xf32, #tpu.memory_space<vmem>>, vector<16xf32>,
        tpu.vector_store %arg12[%swap3A_1410, %swap3A_1411], %add3A_1409 {strides = array<i32>} : memref<2016x32xf32, #tpu.memory_space<vmem>>, vector<16xf32>,
        %get3A_1413 = arith.constant 208 : index
        %get3A_1414 = tpu.vector_load %arg11[%get3A_1413] {strides = array<i32>} : memref<384xf32, #tpu.memory_space<vmem>>, vector<16xf32>,
        %add3A_1415 = arith.addf %add3A_1278, %get3A_1414 : vector<16xf32>
        %swap3A_1416 = arith.index_cast %add3A_1406 : i32 to index
        %swap3A_1417 = arith.constant 16 : index
        %swap3A_1418 = tpu.vector_load %arg12[%swap3A_1416, %swap3A_1417] {strides = array<i32>} : memref<2016x32xf32, #tpu.memory_space<vmem>>, vector<16xf32>,
        tpu.vector_store %arg12[%swap3A_1416, %swap3A_1417], %add3A_1415 {strides = array<i32>} : memref<2016x32xf32, #tpu.memory_space<vmem>>, vector<16xf32>,
        %mul3A_1419 = arith.constant 7 : i32
        %mul3A_1420 = arith.muli %scan3A_34, %mul3A_1419 : i32
        %add3A_1421 = arith.constant 5 : i32
        %add3A_1422 = arith.addi %mul3A_1420, %add3A_1421 : i32
        %mul3A_1423 = arith.constant 12 : i32
        %mul3A_1424 = arith.muli %add3A_1422, %mul3A_1423 : i32
        %add3A_1425 = arith.constant 7 : i32
        %add3A_1426 = arith.addi %mul3A_1424, %add3A_1425 : i32
        %get3A_1427 = arith.constant 224 : index
        %get3A_1428 = tpu.vector_load %arg11[%get3A_1427] {strides = array<i32>} : memref<384xf32, #tpu.memory_space<vmem>>, vector<16xf32>,
        %add3A_1429 = arith.addf %add3A_1275, %get3A_1428 : vector<16xf32>
        %swap3A_1430 = arith.index_cast %add3A_1426 : i32 to index
        %swap3A_1431 = arith.constant 0 : index
        %swap3A_1432 = tpu.vector_load %arg12[%swap3A_1430, %swap3A_1431] {strides = array<i32>} : memref<2016x32xf32, #tpu.memory_space<vmem>>, vector<16xf32>,
        tpu.vector_store %arg12[%swap3A_1430, %swap3A_1431], %add3A_1429 {strides = array<i32>} : memref<2016x32xf32, #tpu.memory_space<vmem>>, vector<16xf32>,
        %get3A_1433 = arith.constant 240 : index
        %get3A_1434 = tpu.vector_load %arg11[%get3A_1433] {strides = array<i32>} : memref<384xf32, #tpu.memory_space<vmem>>, vector<16xf32>,
        %add3A_1435 = arith.addf %add3A_1278, %get3A_1434 : vector<16xf32>
        %swap3A_1436 = arith.index_cast %add3A_1426 : i32 to index
        %swap3A_1437 = arith.constant 16 : index
        %swap3A_1438 = tpu.vector_load %arg12[%swap3A_1436, %swap3A_1437] {strides = array<i32>} : memref<2016x32xf32, #tpu.memory_space<vmem>>, vector<16xf32>,
        tpu.vector_store %arg12[%swap3A_1436, %swap3A_1437], %add3A_1435 {strides = array<i32>} : memref<2016x32xf32, #tpu.memory_space<vmem>>, vector<16xf32>,
        %mul3A_1439 = arith.constant 7 : i32
        %mul3A_1440 = arith.muli %scan3A_34, %mul3A_1439 : i32
        %add3A_1441 = arith.constant 5 : i32
        %add3A_1442 = arith.addi %mul3A_1440, %add3A_1441 : i32
        %mul3A_1443 = arith.constant 12 : i32
        %mul3A_1444 = arith.muli %add3A_1442, %mul3A_1443 : i32
        %add3A_1445 = arith.constant 8 : i32
        %add3A_1446 = arith.addi %mul3A_1444, %add3A_1445 : i32
        %get3A_1447 = arith.constant 256 : index
        %get3A_1448 = tpu.vector_load %arg11[%get3A_1447] {strides = array<i32>} : memref<384xf32, #tpu.memory_space<vmem>>, vector<16xf32>,
        %add3A_1449 = arith.addf %add3A_1275, %get3A_1448 : vector<16xf32>
        %swap3A_1450 = arith.index_cast %add3A_1446 : i32 to index
        %swap3A_1451 = arith.constant 0 : index
        %swap3A_1452 = tpu.vector_load %arg12[%swap3A_1450, %swap3A_1451] {strides = array<i32>} : memref<2016x32xf32, #tpu.memory_space<vmem>>, vector<16xf32>,
        tpu.vector_store %arg12[%swap3A_1450, %swap3A_1451], %add3A_1449 {strides = array<i32>} : memref<2016x32xf32, #tpu.memory_space<vmem>>, vector<16xf32>,
        %get3A_1453 = arith.constant 272 : index
        %get3A_1454 = tpu.vector_load %arg11[%get3A_1453] {strides = array<i32>} : memref<384xf32, #tpu.memory_space<vmem>>, vector<16xf32>,
        %add3A_1455 = arith.addf %add3A_1278, %get3A_1454 : vector<16xf32>
        %swap3A_1456 = arith.index_cast %add3A_1446 : i32 to index
        %swap3A_1457 = arith.constant 16 : index
        %swap3A_1458 = tpu.vector_load %arg12[%swap3A_1456, %swap3A_1457] {strides = array<i32>} : memref<2016x32xf32, #tpu.memory_space<vmem>>, vector<16xf32>,
        tpu.vector_store %arg12[%swap3A_1456, %swap3A_1457], %add3A_1455 {strides = array<i32>} : memref<2016x32xf32, #tpu.memory_space<vmem>>, vector<16xf32>,
        %mul3A_1459 = arith.constant 7 : i32
        %mul3A_1460 = arith.muli %scan3A_34, %mul3A_1459 : i32
        %add3A_1461 = arith.constant 5 : i32
        %add3A_1462 = arith.addi %mul3A_1460, %add3A_1461 : i32
        %mul3A_1463 = arith.constant 12 : i32
        %mul3A_1464 = arith.muli %add3A_1462, %mul3A_1463 : i32
        %add3A_1465 = arith.constant 9 : i32
        %add3A_1466 = arith.addi %mul3A_1464, %add3A_1465 : i32
        %get3A_1467 = arith.constant 288 : index
        %get3A_1468 = tpu.vector_load %arg11[%get3A_1467] {strides = array<i32>} : memref<384xf32, #tpu.memory_space<vmem>>, vector<16xf32>,
        %add3A_1469 = arith.addf %add3A_1275, %get3A_1468 : vector<16xf32>
        %swap3A_1470 = arith.index_cast %add3A_1466 : i32 to index
        %swap3A_1471 = arith.constant 0 : index
        %swap3A_1472 = tpu.vector_load %arg12[%swap3A_1470, %swap3A_1471] {strides = array<i32>} : memref<2016x32xf32, #tpu.memory_space<vmem>>, vector<16xf32>,
        tpu.vector_store %arg12[%swap3A_1470, %swap3A_1471], %add3A_1469 {strides = array<i32>} : memref<2016x32xf32, #tpu.memory_space<vmem>>, vector<16xf32>,
        %get3A_1473 = arith.constant 304 : index
        %get3A_1474 = tpu.vector_load %arg11[%get3A_1473] {strides = array<i32>} : memref<384xf32, #tpu.memory_space<vmem>>, vector<16xf32>,
        %add3A_1475 = arith.addf %add3A_1278, %get3A_1474 : vector<16xf32>
        %swap3A_1476 = arith.index_cast %add3A_1466 : i32 to index
        %swap3A_1477 = arith.constant 16 : index
        %swap3A_1478 = tpu.vector_load %arg12[%swap3A_1476, %swap3A_1477] {strides = array<i32>} : memref<2016x32xf32, #tpu.memory_space<vmem>>, vector<16xf32>,
        tpu.vector_store %arg12[%swap3A_1476, %swap3A_1477], %add3A_1475 {strides = array<i32>} : memref<2016x32xf32, #tpu.memory_space<vmem>>, vector<16xf32>,
        %mul3A_1479 = arith.constant 7 : i32
        %mul3A_1480 = arith.muli %scan3A_34, %mul3A_1479 : i32
        %add3A_1481 = arith.constant 5 : i32
        %add3A_1482 = arith.addi %mul3A_1480, %add3A_1481 : i32
        %mul3A_1483 = arith.constant 12 : i32
        %mul3A_1484 = arith.muli %add3A_1482, %mul3A_1483 : i32
        %add3A_1485 = arith.constant 10 : i32
        %add3A_1486 = arith.addi %mul3A_1484, %add3A_1485 : i32
        %get3A_1487 = arith.constant 320 : index
        %get3A_1488 = tpu.vector_load %arg11[%get3A_1487] {strides = array<i32>} : memref<384xf32, #tpu.memory_space<vmem>>, vector<16xf32>,
        %add3A_1489 = arith.addf %add3A_1275, %get3A_1488 : vector<16xf32>
        %swap3A_1490 = arith.index_cast %add3A_1486 : i32 to index
        %swap3A_1491 = arith.constant 0 : index
        %swap3A_1492 = tpu.vector_load %arg12[%swap3A_1490, %swap3A_1491] {strides = array<i32>} : memref<2016x32xf32, #tpu.memory_space<vmem>>, vector<16xf32>,
        tpu.vector_store %arg12[%swap3A_1490, %swap3A_1491], %add3A_1489 {strides = array<i32>} : memref<2016x32xf32, #tpu.memory_space<vmem>>, vector<16xf32>,
        %get3A_1493 = arith.constant 336 : index
        %get3A_1494 = tpu.vector_load %arg11[%get3A_1493] {strides = array<i32>} : memref<384xf32, #tpu.memory_space<vmem>>, vector<16xf32>,
        %add3A_1495 = arith.addf %add3A_1278, %get3A_1494 : vector<16xf32>
        %swap3A_1496 = arith.index_cast %add3A_1486 : i32 to index
        %swap3A_1497 = arith.constant 16 : index
        %swap3A_1498 = tpu.vector_load %arg12[%swap3A_1496, %swap3A_1497] {strides = array<i32>} : memref<2016x32xf32, #tpu.memory_space<vmem>>, vector<16xf32>,
        tpu.vector_store %arg12[%swap3A_1496, %swap3A_1497], %add3A_1495 {strides = array<i32>} : memref<2016x32xf32, #tpu.memory_space<vmem>>, vector<16xf32>,
        %mul3A_1499 = arith.constant 7 : i32
        %mul3A_1500 = arith.muli %scan3A_34, %mul3A_1499 : i32
        %add3A_1501 = arith.constant 5 : i32
        %add3A_1502 = arith.addi %mul3A_1500, %add3A_1501 : i32
        %mul3A_1503 = arith.constant 12 : i32
        %mul3A_1504 = arith.muli %add3A_1502, %mul3A_1503 : i32
        %add3A_1505 = arith.constant 11 : i32
        %add3A_1506 = arith.addi %mul3A_1504, %add3A_1505 : i32
        %get3A_1507 = arith.constant 352 : index
        %get3A_1508 = tpu.vector_load %arg11[%get3A_1507] {strides = array<i32>} : memref<384xf32, #tpu.memory_space<vmem>>, vector<16xf32>,
        %add3A_1509 = arith.addf %add3A_1275, %get3A_1508 : vector<16xf32>
        %swap3A_1510 = arith.index_cast %add3A_1506 : i32 to index
        %swap3A_1511 = arith.constant 0 : index
        %swap3A_1512 = tpu.vector_load %arg12[%swap3A_1510, %swap3A_1511] {strides = array<i32>} : memref<2016x32xf32, #tpu.memory_space<vmem>>, vector<16xf32>,
        tpu.vector_store %arg12[%swap3A_1510, %swap3A_1511], %add3A_1509 {strides = array<i32>} : memref<2016x32xf32, #tpu.memory_space<vmem>>, vector<16xf32>,
        %get3A_1513 = arith.constant 368 : index
        %get3A_1514 = tpu.vector_load %arg11[%get3A_1513] {strides = array<i32>} : memref<384xf32, #tpu.memory_space<vmem>>, vector<16xf32>,
        %add3A_1515 = arith.addf %add3A_1278, %get3A_1514 : vector<16xf32>
        %swap3A_1516 = arith.index_cast %add3A_1506 : i32 to index
        %swap3A_1517 = arith.constant 16 : index
        %swap3A_1518 = tpu.vector_load %arg12[%swap3A_1516, %swap3A_1517] {strides = array<i32>} : memref<2016x32xf32, #tpu.memory_space<vmem>>, vector<16xf32>,
        tpu.vector_store %arg12[%swap3A_1516, %swap3A_1517], %add3A_1515 {strides = array<i32>} : memref<2016x32xf32, #tpu.memory_space<vmem>>, vector<16xf32>,
        %get3A_1519 = arith.constant 192 : index
        %get3A_1520 = tpu.vector_load %arg10[%get3A_1519] {strides = array<i32>} : memref<224xf32, #tpu.memory_space<vmem>>, vector<16xf32>,
        %add3A_1521 = arith.addf %get3A_37, %get3A_1520 : vector<16xf32>
        %get3A_1522 = arith.constant 208 : index
        %get3A_1523 = tpu.vector_load %arg10[%get3A_1522] {strides = array<i32>} : memref<224xf32, #tpu.memory_space<vmem>>, vector<16xf32>,
        %add3A_1524 = arith.addf %get3A_43, %get3A_1523 : vector<16xf32>
        %mul3A_1525 = arith.constant 7 : i32
        %mul3A_1526 = arith.muli %scan3A_34, %mul3A_1525 : i32
        %add3A_1527 = arith.constant 6 : i32
        %add3A_1528 = arith.addi %mul3A_1526, %add3A_1527 : i32
        %mul3A_1529 = arith.constant 12 : i32
        %mul3A_1530 = arith.muli %add3A_1528, %mul3A_1529 : i32
        %add3A_1531 = arith.constant 0 : i32
        %add3A_1532 = arith.addi %mul3A_1530, %add3A_1531 : i32
        %get3A_1533 = arith.constant 0 : index
        %get3A_1534 = tpu.vector_load %arg11[%get3A_1533] {strides = array<i32>} : memref<384xf32, #tpu.memory_space<vmem>>, vector<16xf32>,
        %add3A_1535 = arith.addf %add3A_1521, %get3A_1534 : vector<16xf32>
        %swap3A_1536 = arith.index_cast %add3A_1532 : i32 to index
        %swap3A_1537 = arith.constant 0 : index
        %swap3A_1538 = tpu.vector_load %arg12[%swap3A_1536, %swap3A_1537] {strides = array<i32>} : memref<2016x32xf32, #tpu.memory_space<vmem>>, vector<16xf32>,
        tpu.vector_store %arg12[%swap3A_1536, %swap3A_1537], %add3A_1535 {strides = array<i32>} : memref<2016x32xf32, #tpu.memory_space<vmem>>, vector<16xf32>,
        %get3A_1539 = arith.constant 16 : index
        %get3A_1540 = tpu.vector_load %arg11[%get3A_1539] {strides = array<i32>} : memref<384xf32, #tpu.memory_space<vmem>>, vector<16xf32>,
        %add3A_1541 = arith.addf %add3A_1524, %get3A_1540 : vector<16xf32>
        %swap3A_1542 = arith.index_cast %add3A_1532 : i32 to index
        %swap3A_1543 = arith.constant 16 : index
        %swap3A_1544 = tpu.vector_load %arg12[%swap3A_1542, %swap3A_1543] {strides = array<i32>} : memref<2016x32xf32, #tpu.memory_space<vmem>>, vector<16xf32>,
        tpu.vector_store %arg12[%swap3A_1542, %swap3A_1543], %add3A_1541 {strides = array<i32>} : memref<2016x32xf32, #tpu.memory_space<vmem>>, vector<16xf32>,
        %mul3A_1545 = arith.constant 7 : i32
        %mul3A_1546 = arith.muli %scan3A_34, %mul3A_1545 : i32
        %add3A_1547 = arith.constant 6 : i32
        %add3A_1548 = arith.addi %mul3A_1546, %add3A_1547 : i32
        %mul3A_1549 = arith.constant 12 : i32
        %mul3A_1550 = arith.muli %add3A_1548, %mul3A_1549 : i32
        %add3A_1551 = arith.constant 1 : i32
        %add3A_1552 = arith.addi %mul3A_1550, %add3A_1551 : i32
        %get3A_1553 = arith.constant 32 : index
        %get3A_1554 = tpu.vector_load %arg11[%get3A_1553] {strides = array<i32>} : memref<384xf32, #tpu.memory_space<vmem>>, vector<16xf32>,
        %add3A_1555 = arith.addf %add3A_1521, %get3A_1554 : vector<16xf32>
        %swap3A_1556 = arith.index_cast %add3A_1552 : i32 to index
        %swap3A_1557 = arith.constant 0 : index
        %swap3A_1558 = tpu.vector_load %arg12[%swap3A_1556, %swap3A_1557] {strides = array<i32>} : memref<2016x32xf32, #tpu.memory_space<vmem>>, vector<16xf32>,
        tpu.vector_store %arg12[%swap3A_1556, %swap3A_1557], %add3A_1555 {strides = array<i32>} : memref<2016x32xf32, #tpu.memory_space<vmem>>, vector<16xf32>,
        %get3A_1559 = arith.constant 48 : index
        %get3A_1560 = tpu.vector_load %arg11[%get3A_1559] {strides = array<i32>} : memref<384xf32, #tpu.memory_space<vmem>>, vector<16xf32>,
        %add3A_1561 = arith.addf %add3A_1524, %get3A_1560 : vector<16xf32>
        %swap3A_1562 = arith.index_cast %add3A_1552 : i32 to index
        %swap3A_1563 = arith.constant 16 : index
        %swap3A_1564 = tpu.vector_load %arg12[%swap3A_1562, %swap3A_1563] {strides = array<i32>} : memref<2016x32xf32, #tpu.memory_space<vmem>>, vector<16xf32>,
        tpu.vector_store %arg12[%swap3A_1562, %swap3A_1563], %add3A_1561 {strides = array<i32>} : memref<2016x32xf32, #tpu.memory_space<vmem>>, vector<16xf32>,
        %mul3A_1565 = arith.constant 7 : i32
        %mul3A_1566 = arith.muli %scan3A_34, %mul3A_1565 : i32
        %add3A_1567 = arith.constant 6 : i32
        %add3A_1568 = arith.addi %mul3A_1566, %add3A_1567 : i32
        %mul3A_1569 = arith.constant 12 : i32
        %mul3A_1570 = arith.muli %add3A_1568, %mul3A_1569 : i32
        %add3A_1571 = arith.constant 2 : i32
        %add3A_1572 = arith.addi %mul3A_1570, %add3A_1571 : i32
        %get3A_1573 = arith.constant 64 : index
        %get3A_1574 = tpu.vector_load %arg11[%get3A_1573] {strides = array<i32>} : memref<384xf32, #tpu.memory_space<vmem>>, vector<16xf32>,
        %add3A_1575 = arith.addf %add3A_1521, %get3A_1574 : vector<16xf32>
        %swap3A_1576 = arith.index_cast %add3A_1572 : i32 to index
        %swap3A_1577 = arith.constant 0 : index
        %swap3A_1578 = tpu.vector_load %arg12[%swap3A_1576, %swap3A_1577] {strides = array<i32>} : memref<2016x32xf32, #tpu.memory_space<vmem>>, vector<16xf32>,
        tpu.vector_store %arg12[%swap3A_1576, %swap3A_1577], %add3A_1575 {strides = array<i32>} : memref<2016x32xf32, #tpu.memory_space<vmem>>, vector<16xf32>,
        %get3A_1579 = arith.constant 80 : index
        %get3A_1580 = tpu.vector_load %arg11[%get3A_1579] {strides = array<i32>} : memref<384xf32, #tpu.memory_space<vmem>>, vector<16xf32>,
        %add3A_1581 = arith.addf %add3A_1524, %get3A_1580 : vector<16xf32>
        %swap3A_1582 = arith.index_cast %add3A_1572 : i32 to index
        %swap3A_1583 = arith.constant 16 : index
        %swap3A_1584 = tpu.vector_load %arg12[%swap3A_1582, %swap3A_1583] {strides = array<i32>} : memref<2016x32xf32, #tpu.memory_space<vmem>>, vector<16xf32>,
        tpu.vector_store %arg12[%swap3A_1582, %swap3A_1583], %add3A_1581 {strides = array<i32>} : memref<2016x32xf32, #tpu.memory_space<vmem>>, vector<16xf32>,
        %mul3A_1585 = arith.constant 7 : i32
        %mul3A_1586 = arith.muli %scan3A_34, %mul3A_1585 : i32
        %add3A_1587 = arith.constant 6 : i32
        %add3A_1588 = arith.addi %mul3A_1586, %add3A_1587 : i32
        %mul3A_1589 = arith.constant 12 : i32
        %mul3A_1590 = arith.muli %add3A_1588, %mul3A_1589 : i32
        %add3A_1591 = arith.constant 3 : i32
        %add3A_1592 = arith.addi %mul3A_1590, %add3A_1591 : i32
        %get3A_1593 = arith.constant 96 : index
        %get3A_1594 = tpu.vector_load %arg11[%get3A_1593] {strides = array<i32>} : memref<384xf32, #tpu.memory_space<vmem>>, vector<16xf32>,
        %add3A_1595 = arith.addf %add3A_1521, %get3A_1594 : vector<16xf32>
        %swap3A_1596 = arith.index_cast %add3A_1592 : i32 to index
        %swap3A_1597 = arith.constant 0 : index
        %swap3A_1598 = tpu.vector_load %arg12[%swap3A_1596, %swap3A_1597] {strides = array<i32>} : memref<2016x32xf32, #tpu.memory_space<vmem>>, vector<16xf32>,
        tpu.vector_store %arg12[%swap3A_1596, %swap3A_1597], %add3A_1595 {strides = array<i32>} : memref<2016x32xf32, #tpu.memory_space<vmem>>, vector<16xf32>,
        %get3A_1599 = arith.constant 112 : index
        %get3A_1600 = tpu.vector_load %arg11[%get3A_1599] {strides = array<i32>} : memref<384xf32, #tpu.memory_space<vmem>>, vector<16xf32>,
        %add3A_1601 = arith.addf %add3A_1524, %get3A_1600 : vector<16xf32>
        %swap3A_1602 = arith.index_cast %add3A_1592 : i32 to index
        %swap3A_1603 = arith.constant 16 : index
        %swap3A_1604 = tpu.vector_load %arg12[%swap3A_1602, %swap3A_1603] {strides = array<i32>} : memref<2016x32xf32, #tpu.memory_space<vmem>>, vector<16xf32>,
        tpu.vector_store %arg12[%swap3A_1602, %swap3A_1603], %add3A_1601 {strides = array<i32>} : memref<2016x32xf32, #tpu.memory_space<vmem>>, vector<16xf32>,
        %mul3A_1605 = arith.constant 7 : i32
        %mul3A_1606 = arith.muli %scan3A_34, %mul3A_1605 : i32
        %add3A_1607 = arith.constant 6 : i32
        %add3A_1608 = arith.addi %mul3A_1606, %add3A_1607 : i32
        %mul3A_1609 = arith.constant 12 : i32
        %mul3A_1610 = arith.muli %add3A_1608, %mul3A_1609 : i32
        %add3A_1611 = arith.constant 4 : i32
        %add3A_1612 = arith.addi %mul3A_1610, %add3A_1611 : i32
        %get3A_1613 = arith.constant 128 : index
        %get3A_1614 = tpu.vector_load %arg11[%get3A_1613] {strides = array<i32>} : memref<384xf32, #tpu.memory_space<vmem>>, vector<16xf32>,
        %add3A_1615 = arith.addf %add3A_1521, %get3A_1614 : vector<16xf32>
        %swap3A_1616 = arith.index_cast %add3A_1612 : i32 to index
        %swap3A_1617 = arith.constant 0 : index
        %swap3A_1618 = tpu.vector_load %arg12[%swap3A_1616, %swap3A_1617] {strides = array<i32>} : memref<2016x32xf32, #tpu.memory_space<vmem>>, vector<16xf32>,
        tpu.vector_store %arg12[%swap3A_1616, %swap3A_1617], %add3A_1615 {strides = array<i32>} : memref<2016x32xf32, #tpu.memory_space<vmem>>, vector<16xf32>,
        %get3A_1619 = arith.constant 144 : index
        %get3A_1620 = tpu.vector_load %arg11[%get3A_1619] {strides = array<i32>} : memref<384xf32, #tpu.memory_space<vmem>>, vector<16xf32>,
        %add3A_1621 = arith.addf %add3A_1524, %get3A_1620 : vector<16xf32>
        %swap3A_1622 = arith.index_cast %add3A_1612 : i32 to index
        %swap3A_1623 = arith.constant 16 : index
        %swap3A_1624 = tpu.vector_load %arg12[%swap3A_1622, %swap3A_1623] {strides = array<i32>} : memref<2016x32xf32, #tpu.memory_space<vmem>>, vector<16xf32>,
        tpu.vector_store %arg12[%swap3A_1622, %swap3A_1623], %add3A_1621 {strides = array<i32>} : memref<2016x32xf32, #tpu.memory_space<vmem>>, vector<16xf32>,
        %mul3A_1625 = arith.constant 7 : i32
        %mul3A_1626 = arith.muli %scan3A_34, %mul3A_1625 : i32
        %add3A_1627 = arith.constant 6 : i32
        %add3A_1628 = arith.addi %mul3A_1626, %add3A_1627 : i32
        %mul3A_1629 = arith.constant 12 : i32
        %mul3A_1630 = arith.muli %add3A_1628, %mul3A_1629 : i32
        %add3A_1631 = arith.constant 5 : i32
        %add3A_1632 = arith.addi %mul3A_1630, %add3A_1631 : i32
        %get3A_1633 = arith.constant 160 : index
        %get3A_1634 = tpu.vector_load %arg11[%get3A_1633] {strides = array<i32>} : memref<384xf32, #tpu.memory_space<vmem>>, vector<16xf32>,
        %add3A_1635 = arith.addf %add3A_1521, %get3A_1634 : vector<16xf32>
        %swap3A_1636 = arith.index_cast %add3A_1632 : i32 to index
        %swap3A_1637 = arith.constant 0 : index
        %swap3A_1638 = tpu.vector_load %arg12[%swap3A_1636, %swap3A_1637] {strides = array<i32>} : memref<2016x32xf32, #tpu.memory_space<vmem>>, vector<16xf32>,
        tpu.vector_store %arg12[%swap3A_1636, %swap3A_1637], %add3A_1635 {strides = array<i32>} : memref<2016x32xf32, #tpu.memory_space<vmem>>, vector<16xf32>,
        %get3A_1639 = arith.constant 176 : index
        %get3A_1640 = tpu.vector_load %arg11[%get3A_1639] {strides = array<i32>} : memref<384xf32, #tpu.memory_space<vmem>>, vector<16xf32>,
        %add3A_1641 = arith.addf %add3A_1524, %get3A_1640 : vector<16xf32>
        %swap3A_1642 = arith.index_cast %add3A_1632 : i32 to index
        %swap3A_1643 = arith.constant 16 : index
        %swap3A_1644 = tpu.vector_load %arg12[%swap3A_1642, %swap3A_1643] {strides = array<i32>} : memref<2016x32xf32, #tpu.memory_space<vmem>>, vector<16xf32>,
        tpu.vector_store %arg12[%swap3A_1642, %swap3A_1643], %add3A_1641 {strides = array<i32>} : memref<2016x32xf32, #tpu.memory_space<vmem>>, vector<16xf32>,
        %mul3A_1645 = arith.constant 7 : i32
        %mul3A_1646 = arith.muli %scan3A_34, %mul3A_1645 : i32
        %add3A_1647 = arith.constant 6 : i32
        %add3A_1648 = arith.addi %mul3A_1646, %add3A_1647 : i32
        %mul3A_1649 = arith.constant 12 : i32
        %mul3A_1650 = arith.muli %add3A_1648, %mul3A_1649 : i32
        %add3A_1651 = arith.constant 6 : i32
        %add3A_1652 = arith.addi %mul3A_1650, %add3A_1651 : i32
        %get3A_1653 = arith.constant 192 : index
        %get3A_1654 = tpu.vector_load %arg11[%get3A_1653] {strides = array<i32>} : memref<384xf32, #tpu.memory_space<vmem>>, vector<16xf32>,
        %add3A_1655 = arith.addf %add3A_1521, %get3A_1654 : vector<16xf32>
        %swap3A_1656 = arith.index_cast %add3A_1652 : i32 to index
        %swap3A_1657 = arith.constant 0 : index
        %swap3A_1658 = tpu.vector_load %arg12[%swap3A_1656, %swap3A_1657] {strides = array<i32>} : memref<2016x32xf32, #tpu.memory_space<vmem>>, vector<16xf32>,
        tpu.vector_store %arg12[%swap3A_1656, %swap3A_1657], %add3A_1655 {strides = array<i32>} : memref<2016x32xf32, #tpu.memory_space<vmem>>, vector<16xf32>,
        %get3A_1659 = arith.constant 208 : index
        %get3A_1660 = tpu.vector_load %arg11[%get3A_1659] {strides = array<i32>} : memref<384xf32, #tpu.memory_space<vmem>>, vector<16xf32>,
        %add3A_1661 = arith.addf %add3A_1524, %get3A_1660 : vector<16xf32>
        %swap3A_1662 = arith.index_cast %add3A_1652 : i32 to index
        %swap3A_1663 = arith.constant 16 : index
        %swap3A_1664 = tpu.vector_load %arg12[%swap3A_1662, %swap3A_1663] {strides = array<i32>} : memref<2016x32xf32, #tpu.memory_space<vmem>>, vector<16xf32>,
        tpu.vector_store %arg12[%swap3A_1662, %swap3A_1663], %add3A_1661 {strides = array<i32>} : memref<2016x32xf32, #tpu.memory_space<vmem>>, vector<16xf32>,
        %mul3A_1665 = arith.constant 7 : i32
        %mul3A_1666 = arith.muli %scan3A_34, %mul3A_1665 : i32
        %add3A_1667 = arith.constant 6 : i32
        %add3A_1668 = arith.addi %mul3A_1666, %add3A_1667 : i32
        %mul3A_1669 = arith.constant 12 : i32
        %mul3A_1670 = arith.muli %add3A_1668, %mul3A_1669 : i32
        %add3A_1671 = arith.constant 7 : i32
        %add3A_1672 = arith.addi %mul3A_1670, %add3A_1671 : i32
        %get3A_1673 = arith.constant 224 : index
        %get3A_1674 = tpu.vector_load %arg11[%get3A_1673] {strides = array<i32>} : memref<384xf32, #tpu.memory_space<vmem>>, vector<16xf32>,
        %add3A_1675 = arith.addf %add3A_1521, %get3A_1674 : vector<16xf32>
        %swap3A_1676 = arith.index_cast %add3A_1672 : i32 to index
        %swap3A_1677 = arith.constant 0 : index
        %swap3A_1678 = tpu.vector_load %arg12[%swap3A_1676, %swap3A_1677] {strides = array<i32>} : memref<2016x32xf32, #tpu.memory_space<vmem>>, vector<16xf32>,
        tpu.vector_store %arg12[%swap3A_1676, %swap3A_1677], %add3A_1675 {strides = array<i32>} : memref<2016x32xf32, #tpu.memory_space<vmem>>, vector<16xf32>,
        %get3A_1679 = arith.constant 240 : index
        %get3A_1680 = tpu.vector_load %arg11[%get3A_1679] {strides = array<i32>} : memref<384xf32, #tpu.memory_space<vmem>>, vector<16xf32>,
        %add3A_1681 = arith.addf %add3A_1524, %get3A_1680 : vector<16xf32>
        %swap3A_1682 = arith.index_cast %add3A_1672 : i32 to index
        %swap3A_1683 = arith.constant 16 : index
        %swap3A_1684 = tpu.vector_load %arg12[%swap3A_1682, %swap3A_1683] {strides = array<i32>} : memref<2016x32xf32, #tpu.memory_space<vmem>>, vector<16xf32>,
        tpu.vector_store %arg12[%swap3A_1682, %swap3A_1683], %add3A_1681 {strides = array<i32>} : memref<2016x32xf32, #tpu.memory_space<vmem>>, vector<16xf32>,
        %mul3A_1685 = arith.constant 7 : i32
        %mul3A_1686 = arith.muli %scan3A_34, %mul3A_1685 : i32
        %add3A_1687 = arith.constant 6 : i32
        %add3A_1688 = arith.addi %mul3A_1686, %add3A_1687 : i32
        %mul3A_1689 = arith.constant 12 : i32
        %mul3A_1690 = arith.muli %add3A_1688, %mul3A_1689 : i32
        %add3A_1691 = arith.constant 8 : i32
        %add3A_1692 = arith.addi %mul3A_1690, %add3A_1691 : i32
        %get3A_1693 = arith.constant 256 : index
        %get3A_1694 = tpu.vector_load %arg11[%get3A_1693] {strides = array<i32>} : memref<384xf32, #tpu.memory_space<vmem>>, vector<16xf32>,
        %add3A_1695 = arith.addf %add3A_1521, %get3A_1694 : vector<16xf32>
        %swap3A_1696 = arith.index_cast %add3A_1692 : i32 to index
        %swap3A_1697 = arith.constant 0 : index
        %swap3A_1698 = tpu.vector_load %arg12[%swap3A_1696, %swap3A_1697] {strides = array<i32>} : memref<2016x32xf32, #tpu.memory_space<vmem>>, vector<16xf32>,
        tpu.vector_store %arg12[%swap3A_1696, %swap3A_1697], %add3A_1695 {strides = array<i32>} : memref<2016x32xf32, #tpu.memory_space<vmem>>, vector<16xf32>,
        %get3A_1699 = arith.constant 272 : index
        %get3A_1700 = tpu.vector_load %arg11[%get3A_1699] {strides = array<i32>} : memref<384xf32, #tpu.memory_space<vmem>>, vector<16xf32>,
        %add3A_1701 = arith.addf %add3A_1524, %get3A_1700 : vector<16xf32>
        %swap3A_1702 = arith.index_cast %add3A_1692 : i32 to index
        %swap3A_1703 = arith.constant 16 : index
        %swap3A_1704 = tpu.vector_load %arg12[%swap3A_1702, %swap3A_1703] {strides = array<i32>} : memref<2016x32xf32, #tpu.memory_space<vmem>>, vector<16xf32>,
        tpu.vector_store %arg12[%swap3A_1702, %swap3A_1703], %add3A_1701 {strides = array<i32>} : memref<2016x32xf32, #tpu.memory_space<vmem>>, vector<16xf32>,
        %mul3A_1705 = arith.constant 7 : i32
        %mul3A_1706 = arith.muli %scan3A_34, %mul3A_1705 : i32
        %add3A_1707 = arith.constant 6 : i32
        %add3A_1708 = arith.addi %mul3A_1706, %add3A_1707 : i32
        %mul3A_1709 = arith.constant 12 : i32
        %mul3A_1710 = arith.muli %add3A_1708, %mul3A_1709 : i32
        %add3A_1711 = arith.constant 9 : i32
        %add3A_1712 = arith.addi %mul3A_1710, %add3A_1711 : i32
        %get3A_1713 = arith.constant 288 : index
        %get3A_1714 = tpu.vector_load %arg11[%get3A_1713] {strides = array<i32>} : memref<384xf32, #tpu.memory_space<vmem>>, vector<16xf32>,
        %add3A_1715 = arith.addf %add3A_1521, %get3A_1714 : vector<16xf32>
        %swap3A_1716 = arith.index_cast %add3A_1712 : i32 to index
        %swap3A_1717 = arith.constant 0 : index
        %swap3A_1718 = tpu.vector_load %arg12[%swap3A_1716, %swap3A_1717] {strides = array<i32>} : memref<2016x32xf32, #tpu.memory_space<vmem>>, vector<16xf32>,
        tpu.vector_store %arg12[%swap3A_1716, %swap3A_1717], %add3A_1715 {strides = array<i32>} : memref<2016x32xf32, #tpu.memory_space<vmem>>, vector<16xf32>,
        %get3A_1719 = arith.constant 304 : index
        %get3A_1720 = tpu.vector_load %arg11[%get3A_1719] {strides = array<i32>} : memref<384xf32, #tpu.memory_space<vmem>>, vector<16xf32>,
        %add3A_1721 = arith.addf %add3A_1524, %get3A_1720 : vector<16xf32>
        %swap3A_1722 = arith.index_cast %add3A_1712 : i32 to index
        %swap3A_1723 = arith.constant 16 : index
        %swap3A_1724 = tpu.vector_load %arg12[%swap3A_1722, %swap3A_1723] {strides = array<i32>} : memref<2016x32xf32, #tpu.memory_space<vmem>>, vector<16xf32>,
        tpu.vector_store %arg12[%swap3A_1722, %swap3A_1723], %add3A_1721 {strides = array<i32>} : memref<2016x32xf32, #tpu.memory_space<vmem>>, vector<16xf32>,
        %mul3A_1725 = arith.constant 7 : i32
        %mul3A_1726 = arith.muli %scan3A_34, %mul3A_1725 : i32
        %add3A_1727 = arith.constant 6 : i32
        %add3A_1728 = arith.addi %mul3A_1726, %add3A_1727 : i32
        %mul3A_1729 = arith.constant 12 : i32
        %mul3A_1730 = arith.muli %add3A_1728, %mul3A_1729 : i32
        %add3A_1731 = arith.constant 10 : i32
        %add3A_1732 = arith.addi %mul3A_1730, %add3A_1731 : i32
        %get3A_1733 = arith.constant 320 : index
        %get3A_1734 = tpu.vector_load %arg11[%get3A_1733] {strides = array<i32>} : memref<384xf32, #tpu.memory_space<vmem>>, vector<16xf32>,
        %add3A_1735 = arith.addf %add3A_1521, %get3A_1734 : vector<16xf32>
        %swap3A_1736 = arith.index_cast %add3A_1732 : i32 to index
        %swap3A_1737 = arith.constant 0 : index
        %swap3A_1738 = tpu.vector_load %arg12[%swap3A_1736, %swap3A_1737] {strides = array<i32>} : memref<2016x32xf32, #tpu.memory_space<vmem>>, vector<16xf32>,
        tpu.vector_store %arg12[%swap3A_1736, %swap3A_1737], %add3A_1735 {strides = array<i32>} : memref<2016x32xf32, #tpu.memory_space<vmem>>, vector<16xf32>,
        %get3A_1739 = arith.constant 336 : index
        %get3A_1740 = tpu.vector_load %arg11[%get3A_1739] {strides = array<i32>} : memref<384xf32, #tpu.memory_space<vmem>>, vector<16xf32>,
        %add3A_1741 = arith.addf %add3A_1524, %get3A_1740 : vector<16xf32>
        %swap3A_1742 = arith.index_cast %add3A_1732 : i32 to index
        %swap3A_1743 = arith.constant 16 : index
        %swap3A_1744 = tpu.vector_load %arg12[%swap3A_1742, %swap3A_1743] {strides = array<i32>} : memref<2016x32xf32, #tpu.memory_space<vmem>>, vector<16xf32>,
        tpu.vector_store %arg12[%swap3A_1742, %swap3A_1743], %add3A_1741 {strides = array<i32>} : memref<2016x32xf32, #tpu.memory_space<vmem>>, vector<16xf32>,
        %mul3A_1745 = arith.constant 7 : i32
        %mul3A_1746 = arith.muli %scan3A_34, %mul3A_1745 : i32
        %add3A_1747 = arith.constant 6 : i32
        %add3A_1748 = arith.addi %mul3A_1746, %add3A_1747 : i32
        %mul3A_1749 = arith.constant 12 : i32
        %mul3A_1750 = arith.muli %add3A_1748, %mul3A_1749 : i32
        %add3A_1751 = arith.constant 11 : i32
        %add3A_1752 = arith.addi %mul3A_1750, %add3A_1751 : i32
        %get3A_1753 = arith.constant 352 : index
        %get3A_1754 = tpu.vector_load %arg11[%get3A_1753] {strides = array<i32>} : memref<384xf32, #tpu.memory_space<vmem>>, vector<16xf32>,
        %add3A_1755 = arith.addf %add3A_1521, %get3A_1754 : vector<16xf32>
        %swap3A_1756 = arith.index_cast %add3A_1752 : i32 to index
        %swap3A_1757 = arith.constant 0 : index
        %swap3A_1758 = tpu.vector_load %arg12[%swap3A_1756, %swap3A_1757] {strides = array<i32>} : memref<2016x32xf32, #tpu.memory_space<vmem>>, vector<16xf32>,
        tpu.vector_store %arg12[%swap3A_1756, %swap3A_1757], %add3A_1755 {strides = array<i32>} : memref<2016x32xf32, #tpu.memory_space<vmem>>, vector<16xf32>,
        %get3A_1759 = arith.constant 368 : index
        %get3A_1760 = tpu.vector_load %arg11[%get3A_1759] {strides = array<i32>} : memref<384xf32, #tpu.memory_space<vmem>>, vector<16xf32>,
        %add3A_1761 = arith.addf %add3A_1524, %get3A_1760 : vector<16xf32>
        %swap3A_1762 = arith.index_cast %add3A_1752 : i32 to index
        %swap3A_1763 = arith.constant 16 : index
        %swap3A_1764 = tpu.vector_load %arg12[%swap3A_1762, %swap3A_1763] {strides = array<i32>} : memref<2016x32xf32, #tpu.memory_space<vmem>>, vector<16xf32>,
        tpu.vector_store %arg12[%swap3A_1762, %swap3A_1763], %add3A_1761 {strides = array<i32>} : memref<2016x32xf32, #tpu.memory_space<vmem>>, vector<16xf32>,
      }
      %scan3A_33 = arith.constant 24 : i32
      "tpu.region"() ({
        %run_scoped3A = tpu.sem_alloc : memref<!tpu.dma_semaphore, #tpu.memory_space<semaphore_mem>>
        tpu.enqueue_dma source(%arg12 : memref<2016x32xf32, #tpu.memory_space<vmem>>) target(%arg13 : memref<2016x32xf32, #tpu.memory_space<vmem_shared>>) target_semaphore(%run_scoped3A : memref<!tpu.dma_semaphore, #tpu.memory_space<semaphore_mem>>)
        tpu.wait_dma2 semaphore(%run_scoped3A : memref<!tpu.dma_semaphore, #tpu.memory_space<semaphore_mem>>) src(%arg12 : memref<2016x32xf32, #tpu.memory_space<vmem>>) dst(%arg13 : memref<2016x32xf32, #tpu.memory_space<vmem_shared>>)
        tpu.yield
      }) : () -> ()
    } else {
    }
    %barrier3A = arith.constant 0 : index
    tpu.barrier barrier_id(%barrier3A)
    %add3A_5 = arith.constant 0 : i32
    %add3A_6 = arith.addi %mul3A_2, %add3A_5 : i32
    %dma_start3A = tpu.memref_slice %arg2[%add3A_6] : memref<3276800xi32, #tpu.memory_space<hbm>> -> memref<640xi32, #tpu.memory_space<hbm>>
    %dma_start3A_7 = tpu.memref_slice %arg2[%add3A_6] : memref<3276800xi32, #tpu.memory_space<hbm>> -> memref<640xi32, #tpu.memory_space<hbm>>
    tpu.enqueue_dma source(%dma_start3A_7 : memref<640xi32, #tpu.memory_space<hbm>>) target(%arg14 : memref<640xi32, #tpu.memory_space<vmem>>) target_semaphore(%arg24 : memref<!tpu.dma_semaphore, #tpu.memory_space<semaphore_mem>>)
    %dma_start3A_8 = tpu.memref_slice %arg3[%add3A_6] : memref<3276800xi32, #tpu.memory_space<hbm>> -> memref<640xi32, #tpu.memory_space<hbm>>
    %dma_start3A_9 = tpu.memref_slice %arg3[%add3A_6] : memref<3276800xi32, #tpu.memory_space<hbm>> -> memref<640xi32, #tpu.memory_space<hbm>>
    tpu.enqueue_dma source(%dma_start3A_9 : memref<640xi32, #tpu.memory_space<hbm>>) target(%arg15 : memref<640xi32, #tpu.memory_space<vmem>>) target_semaphore(%arg24 : memref<!tpu.dma_semaphore, #tpu.memory_space<semaphore_mem>>)
    %dma_start3A_10 = tpu.memref_slice %arg4[%add3A_6] : memref<3276800xi32, #tpu.memory_space<hbm>> -> memref<640xi32, #tpu.memory_space<hbm>>
    %dma_start3A_11 = tpu.memref_slice %arg4[%add3A_6] : memref<3276800xi32, #tpu.memory_space<hbm>> -> memref<640xi32, #tpu.memory_space<hbm>>
    tpu.enqueue_dma source(%dma_start3A_11 : memref<640xi32, #tpu.memory_space<hbm>>) target(%arg16 : memref<640xi32, #tpu.memory_space<vmem>>) target_semaphore(%arg24 : memref<!tpu.dma_semaphore, #tpu.memory_space<semaphore_mem>>)
    %scan3A = arith.constant 0 : i32
    %scan3A_12 = arith.constant 0 : i32
    %scan3A_13 = arith.constant 80 : i32
    %scan3A_14 = arith.addi %scan3A_12, %scan3A_13 : i32
    %scan3A_15 = arith.constant 1 : i32
    scf.for %scan3A_28 = %scan3A_12 to %scan3A_14 step %scan3A_15  : i32 {
      %mul3A_29 = arith.constant 2 : i32
      %mul3A_30 = arith.muli %mul3A_29, %scan3A_28 : i32
      %add3A_31 = arith.constant 0 : i32
      %add3A_32 = arith.addi %mul3A_30, %add3A_31 : i32
      %add3A_33 = arith.constant 1 : i32
      %add3A_34 = arith.addi %add3A_32, %add3A_33 : i32
      %lt3A = arith.constant 160 : i32
      %lt3A_35 = arith.cmpi slt, %add3A_34, %lt3A : i32
      %convert_element_type3A_36 = arith.extui %lt3A_35 : i1 to i32
      %cond3A_37 = arith.constant 0 : i32
      %cond3A_38 = arith.cmpi ne, %convert_element_type3A_36, %cond3A_37 : i32
      scf.if %cond3A_38 {
        %add3A_256 = arith.constant 1 : i32
        %add3A_257 = arith.addi %add3A_32, %add3A_256 : i32
        %mul3A_258 = arith.constant 640 : i32
        %mul3A_259 = arith.muli %add3A_257, %mul3A_258 : i32
        %add3A_260 = arith.addi %mul3A_2, %mul3A_259 : i32
        %dma_start3A_261 = tpu.memref_slice %arg2[%add3A_260] : memref<3276800xi32, #tpu.memory_space<hbm>> -> memref<640xi32, #tpu.memory_space<hbm>>
        %dma_start3A_262 = tpu.memref_slice %arg2[%add3A_260] : memref<3276800xi32, #tpu.memory_space<hbm>> -> memref<640xi32, #tpu.memory_space<hbm>>
        tpu.enqueue_dma source(%dma_start3A_262 : memref<640xi32, #tpu.memory_space<hbm>>) target(%arg19 : memref<640xi32, #tpu.memory_space<vmem>>) target_semaphore(%arg25 : memref<!tpu.dma_semaphore, #tpu.memory_space<semaphore_mem>>)
        %dma_start3A_263 = tpu.memref_slice %arg3[%add3A_260] : memref<3276800xi32, #tpu.memory_space<hbm>> -> memref<640xi32, #tpu.memory_space<hbm>>
        %dma_start3A_264 = tpu.memref_slice %arg3[%add3A_260] : memref<3276800xi32, #tpu.memory_space<hbm>> -> memref<640xi32, #tpu.memory_space<hbm>>
        tpu.enqueue_dma source(%dma_start3A_264 : memref<640xi32, #tpu.memory_space<hbm>>) target(%arg20 : memref<640xi32, #tpu.memory_space<vmem>>) target_semaphore(%arg25 : memref<!tpu.dma_semaphore, #tpu.memory_space<semaphore_mem>>)
        %dma_start3A_265 = tpu.memref_slice %arg4[%add3A_260] : memref<3276800xi32, #tpu.memory_space<hbm>> -> memref<640xi32, #tpu.memory_space<hbm>>
        %dma_start3A_266 = tpu.memref_slice %arg4[%add3A_260] : memref<3276800xi32, #tpu.memory_space<hbm>> -> memref<640xi32, #tpu.memory_space<hbm>>
        tpu.enqueue_dma source(%dma_start3A_266 : memref<640xi32, #tpu.memory_space<hbm>>) target(%arg21 : memref<640xi32, #tpu.memory_space<vmem>>) target_semaphore(%arg25 : memref<!tpu.dma_semaphore, #tpu.memory_space<semaphore_mem>>)
      } else {
      }
      %mul3A_39 = arith.constant 640 : i32
      %mul3A_40 = arith.muli %add3A_32, %mul3A_39 : i32
      %add3A_41 = arith.addi %mul3A_2, %mul3A_40 : i32
      %dma_wait3A_42 = tpu.memref_slice %arg2[%add3A_41] : memref<3276800xi32, #tpu.memory_space<hbm>> -> memref<640xi32, #tpu.memory_space<hbm>>
      %dma_wait3A_43 = tpu.memref_slice %arg2[%add3A_41] : memref<3276800xi32, #tpu.memory_space<hbm>> -> memref<640xi32, #tpu.memory_space<hbm>>
      tpu.wait_dma2 semaphore(%arg24 : memref<!tpu.dma_semaphore, #tpu.memory_space<semaphore_mem>>) src(%dma_wait3A_43 : memref<640xi32, #tpu.memory_space<hbm>>) dst(%arg14 : memref<640xi32, #tpu.memory_space<vmem>>)
      %dma_wait3A_44 = tpu.memref_slice %arg3[%add3A_41] : memref<3276800xi32, #tpu.memory_space<hbm>> -> memref<640xi32, #tpu.memory_space<hbm>>
      %dma_wait3A_45 = tpu.memref_slice %arg3[%add3A_41] : memref<3276800xi32, #tpu.memory_space<hbm>> -> memref<640xi32, #tpu.memory_space<hbm>>
      tpu.wait_dma2 semaphore(%arg24 : memref<!tpu.dma_semaphore, #tpu.memory_space<semaphore_mem>>) src(%dma_wait3A_45 : memref<640xi32, #tpu.memory_space<hbm>>) dst(%arg15 : memref<640xi32, #tpu.memory_space<vmem>>)
      %dma_wait3A_46 = tpu.memref_slice %arg4[%add3A_41] : memref<3276800xi32, #tpu.memory_space<hbm>> -> memref<640xi32, #tpu.memory_space<hbm>>
      %dma_wait3A_47 = tpu.memref_slice %arg4[%add3A_41] : memref<3276800xi32, #tpu.memory_space<hbm>> -> memref<640xi32, #tpu.memory_space<hbm>>
      tpu.wait_dma2 semaphore(%arg24 : memref<!tpu.dma_semaphore, #tpu.memory_space<semaphore_mem>>) src(%dma_wait3A_47 : memref<640xi32, #tpu.memory_space<hbm>>) dst(%arg16 : memref<640xi32, #tpu.memory_space<vmem>>)
      %parallel_loop3A = arith.constant 0 : i32
      %parallel_loop3A_48 = arith.constant 40 : i32
      %parallel_loop3A_49 = arith.constant 1 : i32
      scf.for %parallel_loop3A_256 = %parallel_loop3A to %parallel_loop3A_48 step %parallel_loop3A_49  : i32 {
        %parallel_loop3A_257 = arith.constant 16 : i32
        %parallel_loop3A_258 = arith.muli %parallel_loop3A_256, %parallel_loop3A_257 : i32
        %parallel_loop3A_259 = arith.index_cast %parallel_loop3A_258 : i32 to index
        %parallel_loop3A_260 = tpu.vector_load %arg14[%parallel_loop3A_259] {strides = array<i32>} : memref<640xi32, #tpu.memory_space<vmem>>, vector<16xi32>,
        %parallel_loop3A_261 = arith.constant 16 : i32
        %parallel_loop3A_262 = arith.muli %parallel_loop3A_256, %parallel_loop3A_261 : i32
        %parallel_loop3A_263 = arith.index_cast %parallel_loop3A_262 : i32 to index
        %parallel_loop3A_264 = tpu.vector_load %arg15[%parallel_loop3A_263] {strides = array<i32>} : memref<640xi32, #tpu.memory_space<vmem>>, vector<16xi32>,
        %parallel_loop3A_265 = arith.constant 16 : i32
        %parallel_loop3A_266 = arith.muli %parallel_loop3A_256, %parallel_loop3A_265 : i32
        %parallel_loop3A_267 = arith.index_cast %parallel_loop3A_266 : i32 to index
        %parallel_loop3A_268 = tpu.vector_load %arg16[%parallel_loop3A_267] {strides = array<i32>} : memref<640xi32, #tpu.memory_space<vmem>>, vector<16xi32>,
        %parallel_loop3A_269 = arith.constant 84 : i32
        %parallel_loop3A_270 = vector.broadcast %parallel_loop3A_269 : i32 to vector<16xi32>
        %parallel_loop3A_271 = arith.muli %parallel_loop3A_260, %parallel_loop3A_270 : vector<16xi32>
        %parallel_loop3A_272 = arith.constant 12 : i32
        %parallel_loop3A_273 = vector.broadcast %parallel_loop3A_272 : i32 to vector<16xi32>
        %parallel_loop3A_274 = arith.muli %parallel_loop3A_264, %parallel_loop3A_273 : vector<16xi32>
        %parallel_loop3A_275 = arith.addi %parallel_loop3A_271, %parallel_loop3A_274 : vector<16xi32>
        %parallel_loop3A_276 = arith.addi %parallel_loop3A_275, %parallel_loop3A_268 : vector<16xi32>
        %parallel_loop3A_277 = arith.constant 16 : i32
        %parallel_loop3A_278 = arith.muli %parallel_loop3A_256, %parallel_loop3A_277 : i32
        %parallel_loop3A_279 = arith.index_cast %parallel_loop3A_278 : i32 to index
        %parallel_loop3A_280 = tpu.vector_load %arg18[%parallel_loop3A_279] {strides = array<i32>} : memref<640xi32, #tpu.memory_space<vmem>>, vector<16xi32>,
        tpu.vector_store %arg18[%parallel_loop3A_279], %parallel_loop3A_276 {strides = array<i32>} : memref<640xi32, #tpu.memory_space<vmem>>, vector<16xi32>,
      } {sc.loop_unroll_factor = 4 : i64, sc.parallel_access}
      %ge3A = arith.constant 2 : i32
      %ge3A_50 = arith.cmpi sge, %add3A_32, %ge3A : i32
      %convert_element_type3A_51 = arith.extui %ge3A_50 : i1 to i32
      %cond3A_52 = arith.constant 0 : i32
      %cond3A_53 = arith.cmpi ne, %convert_element_type3A_51, %cond3A_52 : i32
      scf.if %cond3A_53 {
        %sub3A = arith.constant 2 : i32
        %sub3A_256 = arith.subi %add3A_32, %sub3A : i32
        %mul3A_257 = arith.constant 640 : i32
        %mul3A_258 = arith.muli %sub3A_256, %mul3A_257 : i32
        %add3A_259 = arith.addi %mul3A_2, %mul3A_258 : i32
        %dma_wait3A_260 = arith.constant 0 : i32
        %dma_wait3A_261 = tpu.memref_slice %arg8[%add3A_259, %dma_wait3A_260] : memref<3276800x32xf32, #tpu.memory_space<hbm>> -> memref<640x32xf32, #tpu.memory_space<hbm>>
        %dma_wait3A_262 = arith.constant 0 : i32
        %dma_wait3A_263 = tpu.memref_slice %arg8[%add3A_259, %dma_wait3A_262] : memref<3276800x32xf32, #tpu.memory_space<hbm>> -> memref<640x32xf32, #tpu.memory_space<hbm>>
        tpu.wait_dma2 semaphore(%arg26 : memref<!tpu.dma_semaphore, #tpu.memory_space<semaphore_mem>>) src(%arg17 : memref<640x32xf32, #tpu.memory_space<vmem>>) dst(%dma_wait3A_263 : memref<640x32xf32, #tpu.memory_space<hbm>>)
      } else {
      }
      %dma_start3A_54 = arith.constant 0 : i32
      %dma_start3A_55 = arith.constant 0 : i32
      %dma_start3A_56 = tpu.memref_slice %arg17[%dma_start3A_54, %dma_start3A_55] : memref<640x32xf32, #tpu.memory_space<vmem>> -> memref<128x32xf32, #tpu.memory_space<vmem>>
      %dma_start3A_57 = arith.constant 0 : i32
      %dma_start3A_58 = tpu.memref_slice %arg18[%dma_start3A_57] : memref<640xi32, #tpu.memory_space<vmem>> -> memref<128xi32, #tpu.memory_space<vmem>>
      %dma_start3A_59 = arith.constant 0 : i32
      %dma_start3A_60 = arith.constant 0 : i32
      %dma_start3A_61 = tpu.memref_slice %arg13[%dma_start3A_59, %dma_start3A_60] : memref<2016x32xf32, #tpu.memory_space<vmem_shared>> -> memref<2016x32xf32, #tpu.memory_space<vmem_shared>>
      tpu.enqueue_indirect_dma source(%dma_start3A_61 : memref<2016x32xf32, #tpu.memory_space<vmem_shared>>) target(%dma_start3A_56 : memref<128x32xf32, #tpu.memory_space<vmem>>) offsets(%dma_start3A_58 : memref<128xi32, #tpu.memory_space<vmem>>) semaphore(%arg28 : memref<!tpu.dma_semaphore, #tpu.memory_space<semaphore_mem>>)
      %dma_start3A_62 = arith.constant 128 : i32
      %dma_start3A_63 = arith.constant 0 : i32
      %dma_start3A_64 = tpu.memref_slice %arg17[%dma_start3A_62, %dma_start3A_63] : memref<640x32xf32, #tpu.memory_space<vmem>> -> memref<128x32xf32, #tpu.memory_space<vmem>>
      %dma_start3A_65 = arith.constant 128 : i32
      %dma_start3A_66 = tpu.memref_slice %arg18[%dma_start3A_65] : memref<640xi32, #tpu.memory_space<vmem>> -> memref<128xi32, #tpu.memory_space<vmem>>
      %dma_start3A_67 = arith.constant 0 : i32
      %dma_start3A_68 = arith.constant 0 : i32
      %dma_start3A_69 = tpu.memref_slice %arg13[%dma_start3A_67, %dma_start3A_68] : memref<2016x32xf32, #tpu.memory_space<vmem_shared>> -> memref<2016x32xf32, #tpu.memory_space<vmem_shared>>
      tpu.enqueue_indirect_dma source(%dma_start3A_69 : memref<2016x32xf32, #tpu.memory_space<vmem_shared>>) target(%dma_start3A_64 : memref<128x32xf32, #tpu.memory_space<vmem>>) offsets(%dma_start3A_66 : memref<128xi32, #tpu.memory_space<vmem>>) semaphore(%arg28 : memref<!tpu.dma_semaphore, #tpu.memory_space<semaphore_mem>>)
      %dma_start3A_70 = arith.constant 256 : i32
      %dma_start3A_71 = arith.constant 0 : i32
      %dma_start3A_72 = tpu.memref_slice %arg17[%dma_start3A_70, %dma_start3A_71] : memref<640x32xf32, #tpu.memory_space<vmem>> -> memref<128x32xf32, #tpu.memory_space<vmem>>
      %dma_start3A_73 = arith.constant 256 : i32
      %dma_start3A_74 = tpu.memref_slice %arg18[%dma_start3A_73] : memref<640xi32, #tpu.memory_space<vmem>> -> memref<128xi32, #tpu.memory_space<vmem>>
      %dma_start3A_75 = arith.constant 0 : i32
      %dma_start3A_76 = arith.constant 0 : i32
      %dma_start3A_77 = tpu.memref_slice %arg13[%dma_start3A_75, %dma_start3A_76] : memref<2016x32xf32, #tpu.memory_space<vmem_shared>> -> memref<2016x32xf32, #tpu.memory_space<vmem_shared>>
      tpu.enqueue_indirect_dma source(%dma_start3A_77 : memref<2016x32xf32, #tpu.memory_space<vmem_shared>>) target(%dma_start3A_72 : memref<128x32xf32, #tpu.memory_space<vmem>>) offsets(%dma_start3A_74 : memref<128xi32, #tpu.memory_space<vmem>>) semaphore(%arg28 : memref<!tpu.dma_semaphore, #tpu.memory_space<semaphore_mem>>)
      %dma_start3A_78 = arith.constant 384 : i32
      %dma_start3A_79 = arith.constant 0 : i32
      %dma_start3A_80 = tpu.memref_slice %arg17[%dma_start3A_78, %dma_start3A_79] : memref<640x32xf32, #tpu.memory_space<vmem>> -> memref<128x32xf32, #tpu.memory_space<vmem>>
      %dma_start3A_81 = arith.constant 384 : i32
      %dma_start3A_82 = tpu.memref_slice %arg18[%dma_start3A_81] : memref<640xi32, #tpu.memory_space<vmem>> -> memref<128xi32, #tpu.memory_space<vmem>>
      %dma_start3A_83 = arith.constant 0 : i32
      %dma_start3A_84 = arith.constant 0 : i32
      %dma_start3A_85 = tpu.memref_slice %arg13[%dma_start3A_83, %dma_start3A_84] : memref<2016x32xf32, #tpu.memory_space<vmem_shared>> -> memref<2016x32xf32, #tpu.memory_space<vmem_shared>>
      tpu.enqueue_indirect_dma source(%dma_start3A_85 : memref<2016x32xf32, #tpu.memory_space<vmem_shared>>) target(%dma_start3A_80 : memref<128x32xf32, #tpu.memory_space<vmem>>) offsets(%dma_start3A_82 : memref<128xi32, #tpu.memory_space<vmem>>) semaphore(%arg28 : memref<!tpu.dma_semaphore, #tpu.memory_space<semaphore_mem>>)
      %dma_start3A_86 = arith.constant 512 : i32
      %dma_start3A_87 = arith.constant 0 : i32
      %dma_start3A_88 = tpu.memref_slice %arg17[%dma_start3A_86, %dma_start3A_87] : memref<640x32xf32, #tpu.memory_space<vmem>> -> memref<128x32xf32, #tpu.memory_space<vmem>>
      %dma_start3A_89 = arith.constant 512 : i32
      %dma_start3A_90 = tpu.memref_slice %arg18[%dma_start3A_89] : memref<640xi32, #tpu.memory_space<vmem>> -> memref<128xi32, #tpu.memory_space<vmem>>
      %dma_start3A_91 = arith.constant 0 : i32
      %dma_start3A_92 = arith.constant 0 : i32
      %dma_start3A_93 = tpu.memref_slice %arg13[%dma_start3A_91, %dma_start3A_92] : memref<2016x32xf32, #tpu.memory_space<vmem_shared>> -> memref<2016x32xf32, #tpu.memory_space<vmem_shared>>
      tpu.enqueue_indirect_dma source(%dma_start3A_93 : memref<2016x32xf32, #tpu.memory_space<vmem_shared>>) target(%dma_start3A_88 : memref<128x32xf32, #tpu.memory_space<vmem>>) offsets(%dma_start3A_90 : memref<128xi32, #tpu.memory_space<vmem>>) semaphore(%arg28 : memref<!tpu.dma_semaphore, #tpu.memory_space<semaphore_mem>>)
      %dma_wait3A_94 = arith.constant 0 : i32
      %dma_wait3A_95 = arith.constant 0 : i32
      %dma_wait3A_96 = tpu.memref_slice %arg17[%dma_wait3A_94, %dma_wait3A_95] : memref<640x32xf32, #tpu.memory_space<vmem>> -> memref<128x32xf32, #tpu.memory_space<vmem>>
      %dma_wait3A_97 = arith.constant 0 : i32
      %dma_wait3A_98 = tpu.memref_slice %arg18[%dma_wait3A_97] : memref<640xi32, #tpu.memory_space<vmem>> -> memref<128xi32, #tpu.memory_space<vmem>>
      %dma_wait3A_99 = arith.constant 0 : i32
      %dma_wait3A_100 = arith.constant 0 : i32
      %dma_wait3A_101 = tpu.memref_slice %arg13[%dma_wait3A_99, %dma_wait3A_100] : memref<2016x32xf32, #tpu.memory_space<vmem_shared>> -> memref<2016x32xf32, #tpu.memory_space<vmem_shared>>
      tpu.wait_indirect_dma semaphore(%arg28 : memref<!tpu.dma_semaphore, #tpu.memory_space<semaphore_mem>>) src(%dma_wait3A_101 : memref<2016x32xf32, #tpu.memory_space<vmem_shared>>) dst(%dma_wait3A_96 : memref<128x32xf32, #tpu.memory_space<vmem>>)
      %dma_wait3A_102 = arith.constant 128 : i32
      %dma_wait3A_103 = arith.constant 0 : i32
      %dma_wait3A_104 = tpu.memref_slice %arg17[%dma_wait3A_102, %dma_wait3A_103] : memref<640x32xf32, #tpu.memory_space<vmem>> -> memref<128x32xf32, #tpu.memory_space<vmem>>
      %dma_wait3A_105 = arith.constant 128 : i32
      %dma_wait3A_106 = tpu.memref_slice %arg18[%dma_wait3A_105] : memref<640xi32, #tpu.memory_space<vmem>> -> memref<128xi32, #tpu.memory_space<vmem>>
      %dma_wait3A_107 = arith.constant 0 : i32
      %dma_wait3A_108 = arith.constant 0 : i32
      %dma_wait3A_109 = tpu.memref_slice %arg13[%dma_wait3A_107, %dma_wait3A_108] : memref<2016x32xf32, #tpu.memory_space<vmem_shared>> -> memref<2016x32xf32, #tpu.memory_space<vmem_shared>>
      tpu.wait_indirect_dma semaphore(%arg28 : memref<!tpu.dma_semaphore, #tpu.memory_space<semaphore_mem>>) src(%dma_wait3A_109 : memref<2016x32xf32, #tpu.memory_space<vmem_shared>>) dst(%dma_wait3A_104 : memref<128x32xf32, #tpu.memory_space<vmem>>)
      %dma_wait3A_110 = arith.constant 256 : i32
      %dma_wait3A_111 = arith.constant 0 : i32
      %dma_wait3A_112 = tpu.memref_slice %arg17[%dma_wait3A_110, %dma_wait3A_111] : memref<640x32xf32, #tpu.memory_space<vmem>> -> memref<128x32xf32, #tpu.memory_space<vmem>>
      %dma_wait3A_113 = arith.constant 256 : i32
      %dma_wait3A_114 = tpu.memref_slice %arg18[%dma_wait3A_113] : memref<640xi32, #tpu.memory_space<vmem>> -> memref<128xi32, #tpu.memory_space<vmem>>
      %dma_wait3A_115 = arith.constant 0 : i32
      %dma_wait3A_116 = arith.constant 0 : i32
      %dma_wait3A_117 = tpu.memref_slice %arg13[%dma_wait3A_115, %dma_wait3A_116] : memref<2016x32xf32, #tpu.memory_space<vmem_shared>> -> memref<2016x32xf32, #tpu.memory_space<vmem_shared>>
      tpu.wait_indirect_dma semaphore(%arg28 : memref<!tpu.dma_semaphore, #tpu.memory_space<semaphore_mem>>) src(%dma_wait3A_117 : memref<2016x32xf32, #tpu.memory_space<vmem_shared>>) dst(%dma_wait3A_112 : memref<128x32xf32, #tpu.memory_space<vmem>>)
      %dma_wait3A_118 = arith.constant 384 : i32
      %dma_wait3A_119 = arith.constant 0 : i32
      %dma_wait3A_120 = tpu.memref_slice %arg17[%dma_wait3A_118, %dma_wait3A_119] : memref<640x32xf32, #tpu.memory_space<vmem>> -> memref<128x32xf32, #tpu.memory_space<vmem>>
      %dma_wait3A_121 = arith.constant 384 : i32
      %dma_wait3A_122 = tpu.memref_slice %arg18[%dma_wait3A_121] : memref<640xi32, #tpu.memory_space<vmem>> -> memref<128xi32, #tpu.memory_space<vmem>>
      %dma_wait3A_123 = arith.constant 0 : i32
      %dma_wait3A_124 = arith.constant 0 : i32
      %dma_wait3A_125 = tpu.memref_slice %arg13[%dma_wait3A_123, %dma_wait3A_124] : memref<2016x32xf32, #tpu.memory_space<vmem_shared>> -> memref<2016x32xf32, #tpu.memory_space<vmem_shared>>
      tpu.wait_indirect_dma semaphore(%arg28 : memref<!tpu.dma_semaphore, #tpu.memory_space<semaphore_mem>>) src(%dma_wait3A_125 : memref<2016x32xf32, #tpu.memory_space<vmem_shared>>) dst(%dma_wait3A_120 : memref<128x32xf32, #tpu.memory_space<vmem>>)
      %dma_wait3A_126 = arith.constant 512 : i32
      %dma_wait3A_127 = arith.constant 0 : i32
      %dma_wait3A_128 = tpu.memref_slice %arg17[%dma_wait3A_126, %dma_wait3A_127] : memref<640x32xf32, #tpu.memory_space<vmem>> -> memref<128x32xf32, #tpu.memory_space<vmem>>
      %dma_wait3A_129 = arith.constant 512 : i32
      %dma_wait3A_130 = tpu.memref_slice %arg18[%dma_wait3A_129] : memref<640xi32, #tpu.memory_space<vmem>> -> memref<128xi32, #tpu.memory_space<vmem>>
      %dma_wait3A_131 = arith.constant 0 : i32
      %dma_wait3A_132 = arith.constant 0 : i32
      %dma_wait3A_133 = tpu.memref_slice %arg13[%dma_wait3A_131, %dma_wait3A_132] : memref<2016x32xf32, #tpu.memory_space<vmem_shared>> -> memref<2016x32xf32, #tpu.memory_space<vmem_shared>>
      tpu.wait_indirect_dma semaphore(%arg28 : memref<!tpu.dma_semaphore, #tpu.memory_space<semaphore_mem>>) src(%dma_wait3A_133 : memref<2016x32xf32, #tpu.memory_space<vmem_shared>>) dst(%dma_wait3A_128 : memref<128x32xf32, #tpu.memory_space<vmem>>)
      %mul3A_134 = arith.constant 640 : i32
      %mul3A_135 = arith.muli %add3A_32, %mul3A_134 : i32
      %add3A_136 = arith.addi %mul3A_2, %mul3A_135 : i32
      %dma_start3A_137 = arith.constant 0 : i32
      %dma_start3A_138 = tpu.memref_slice %arg8[%add3A_136, %dma_start3A_137] : memref<3276800x32xf32, #tpu.memory_space<hbm>> -> memref<640x32xf32, #tpu.memory_space<hbm>>
      %dma_start3A_139 = arith.constant 0 : i32
      %dma_start3A_140 = tpu.memref_slice %arg8[%add3A_136, %dma_start3A_139] : memref<3276800x32xf32, #tpu.memory_space<hbm>> -> memref<640x32xf32, #tpu.memory_space<hbm>>
      tpu.enqueue_dma source(%arg17 : memref<640x32xf32, #tpu.memory_space<vmem>>) target(%dma_start3A_140 : memref<640x32xf32, #tpu.memory_space<hbm>>) target_semaphore(%arg26 : memref<!tpu.dma_semaphore, #tpu.memory_space<semaphore_mem>>)
      %mul3A_141 = arith.constant 2 : i32
      %mul3A_142 = arith.muli %mul3A_141, %scan3A_28 : i32
      %add3A_143 = arith.constant 1 : i32
      %add3A_144 = arith.addi %mul3A_142, %add3A_143 : i32
      %add3A_145 = arith.constant 1 : i32
      %add3A_146 = arith.addi %add3A_144, %add3A_145 : i32
      %lt3A_147 = arith.constant 160 : i32
      %lt3A_148 = arith.cmpi slt, %add3A_146, %lt3A_147 : i32
      %convert_element_type3A_149 = arith.extui %lt3A_148 : i1 to i32
      %cond3A_150 = arith.constant 0 : i32
      %cond3A_151 = arith.cmpi ne, %convert_element_type3A_149, %cond3A_150 : i32
      scf.if %cond3A_151 {
        %add3A_256 = arith.constant 1 : i32
        %add3A_257 = arith.addi %add3A_144, %add3A_256 : i32
        %mul3A_258 = arith.constant 640 : i32
        %mul3A_259 = arith.muli %add3A_257, %mul3A_258 : i32
        %add3A_260 = arith.addi %mul3A_2, %mul3A_259 : i32
        %dma_start3A_261 = tpu.memref_slice %arg2[%add3A_260] : memref<3276800xi32, #tpu.memory_space<hbm>> -> memref<640xi32, #tpu.memory_space<hbm>>
        %dma_start3A_262 = tpu.memref_slice %arg2[%add3A_260] : memref<3276800xi32, #tpu.memory_space<hbm>> -> memref<640xi32, #tpu.memory_space<hbm>>
        tpu.enqueue_dma source(%dma_start3A_262 : memref<640xi32, #tpu.memory_space<hbm>>) target(%arg14 : memref<640xi32, #tpu.memory_space<vmem>>) target_semaphore(%arg24 : memref<!tpu.dma_semaphore, #tpu.memory_space<semaphore_mem>>)
        %dma_start3A_263 = tpu.memref_slice %arg3[%add3A_260] : memref<3276800xi32, #tpu.memory_space<hbm>> -> memref<640xi32, #tpu.memory_space<hbm>>
        %dma_start3A_264 = tpu.memref_slice %arg3[%add3A_260] : memref<3276800xi32, #tpu.memory_space<hbm>> -> memref<640xi32, #tpu.memory_space<hbm>>
        tpu.enqueue_dma source(%dma_start3A_264 : memref<640xi32, #tpu.memory_space<hbm>>) target(%arg15 : memref<640xi32, #tpu.memory_space<vmem>>) target_semaphore(%arg24 : memref<!tpu.dma_semaphore, #tpu.memory_space<semaphore_mem>>)
        %dma_start3A_265 = tpu.memref_slice %arg4[%add3A_260] : memref<3276800xi32, #tpu.memory_space<hbm>> -> memref<640xi32, #tpu.memory_space<hbm>>
        %dma_start3A_266 = tpu.memref_slice %arg4[%add3A_260] : memref<3276800xi32, #tpu.memory_space<hbm>> -> memref<640xi32, #tpu.memory_space<hbm>>
        tpu.enqueue_dma source(%dma_start3A_266 : memref<640xi32, #tpu.memory_space<hbm>>) target(%arg16 : memref<640xi32, #tpu.memory_space<vmem>>) target_semaphore(%arg24 : memref<!tpu.dma_semaphore, #tpu.memory_space<semaphore_mem>>)
      } else {
      }
      %mul3A_152 = arith.constant 640 : i32
      %mul3A_153 = arith.muli %add3A_144, %mul3A_152 : i32
      %add3A_154 = arith.addi %mul3A_2, %mul3A_153 : i32
      %dma_wait3A_155 = tpu.memref_slice %arg2[%add3A_154] : memref<3276800xi32, #tpu.memory_space<hbm>> -> memref<640xi32, #tpu.memory_space<hbm>>
      %dma_wait3A_156 = tpu.memref_slice %arg2[%add3A_154] : memref<3276800xi32, #tpu.memory_space<hbm>> -> memref<640xi32, #tpu.memory_space<hbm>>
      tpu.wait_dma2 semaphore(%arg25 : memref<!tpu.dma_semaphore, #tpu.memory_space<semaphore_mem>>) src(%dma_wait3A_156 : memref<640xi32, #tpu.memory_space<hbm>>) dst(%arg19 : memref<640xi32, #tpu.memory_space<vmem>>)
      %dma_wait3A_157 = tpu.memref_slice %arg3[%add3A_154] : memref<3276800xi32, #tpu.memory_space<hbm>> -> memref<640xi32, #tpu.memory_space<hbm>>
      %dma_wait3A_158 = tpu.memref_slice %arg3[%add3A_154] : memref<3276800xi32, #tpu.memory_space<hbm>> -> memref<640xi32, #tpu.memory_space<hbm>>
      tpu.wait_dma2 semaphore(%arg25 : memref<!tpu.dma_semaphore, #tpu.memory_space<semaphore_mem>>) src(%dma_wait3A_158 : memref<640xi32, #tpu.memory_space<hbm>>) dst(%arg20 : memref<640xi32, #tpu.memory_space<vmem>>)
      %dma_wait3A_159 = tpu.memref_slice %arg4[%add3A_154] : memref<3276800xi32, #tpu.memory_space<hbm>> -> memref<640xi32, #tpu.memory_space<hbm>>
      %dma_wait3A_160 = tpu.memref_slice %arg4[%add3A_154] : memref<3276800xi32, #tpu.memory_space<hbm>> -> memref<640xi32, #tpu.memory_space<hbm>>
      tpu.wait_dma2 semaphore(%arg25 : memref<!tpu.dma_semaphore, #tpu.memory_space<semaphore_mem>>) src(%dma_wait3A_160 : memref<640xi32, #tpu.memory_space<hbm>>) dst(%arg21 : memref<640xi32, #tpu.memory_space<vmem>>)
      %parallel_loop3A_161 = arith.constant 0 : i32
      %parallel_loop3A_162 = arith.constant 40 : i32
      %parallel_loop3A_163 = arith.constant 1 : i32
      scf.for %parallel_loop3A_256 = %parallel_loop3A_161 to %parallel_loop3A_162 step %parallel_loop3A_163  : i32 {
        %parallel_loop3A_257 = arith.constant 16 : i32
        %parallel_loop3A_258 = arith.muli %parallel_loop3A_256, %parallel_loop3A_257 : i32
        %parallel_loop3A_259 = arith.index_cast %parallel_loop3A_258 : i32 to index
        %parallel_loop3A_260 = tpu.vector_load %arg19[%parallel_loop3A_259] {strides = array<i32>} : memref<640xi32, #tpu.memory_space<vmem>>, vector<16xi32>,
        %parallel_loop3A_261 = arith.constant 16 : i32
        %parallel_loop3A_262 = arith.muli %parallel_loop3A_256, %parallel_loop3A_261 : i32
        %parallel_loop3A_263 = arith.index_cast %parallel_loop3A_262 : i32 to index
        %parallel_loop3A_264 = tpu.vector_load %arg20[%parallel_loop3A_263] {strides = array<i32>} : memref<640xi32, #tpu.memory_space<vmem>>, vector<16xi32>,
        %parallel_loop3A_265 = arith.constant 16 : i32
        %parallel_loop3A_266 = arith.muli %parallel_loop3A_256, %parallel_loop3A_265 : i32
        %parallel_loop3A_267 = arith.index_cast %parallel_loop3A_266 : i32 to index
        %parallel_loop3A_268 = tpu.vector_load %arg21[%parallel_loop3A_267] {strides = array<i32>} : memref<640xi32, #tpu.memory_space<vmem>>, vector<16xi32>,
        %parallel_loop3A_269 = arith.constant 84 : i32
        %parallel_loop3A_270 = vector.broadcast %parallel_loop3A_269 : i32 to vector<16xi32>
        %parallel_loop3A_271 = arith.muli %parallel_loop3A_260, %parallel_loop3A_270 : vector<16xi32>
        %parallel_loop3A_272 = arith.constant 12 : i32
        %parallel_loop3A_273 = vector.broadcast %parallel_loop3A_272 : i32 to vector<16xi32>
        %parallel_loop3A_274 = arith.muli %parallel_loop3A_264, %parallel_loop3A_273 : vector<16xi32>
        %parallel_loop3A_275 = arith.addi %parallel_loop3A_271, %parallel_loop3A_274 : vector<16xi32>
        %parallel_loop3A_276 = arith.addi %parallel_loop3A_275, %parallel_loop3A_268 : vector<16xi32>
        %parallel_loop3A_277 = arith.constant 16 : i32
        %parallel_loop3A_278 = arith.muli %parallel_loop3A_256, %parallel_loop3A_277 : i32
        %parallel_loop3A_279 = arith.index_cast %parallel_loop3A_278 : i32 to index
        %parallel_loop3A_280 = tpu.vector_load %arg23[%parallel_loop3A_279] {strides = array<i32>} : memref<640xi32, #tpu.memory_space<vmem>>, vector<16xi32>,
        tpu.vector_store %arg23[%parallel_loop3A_279], %parallel_loop3A_276 {strides = array<i32>} : memref<640xi32, #tpu.memory_space<vmem>>, vector<16xi32>,
      } {sc.loop_unroll_factor = 4 : i64, sc.parallel_access}
      %ge3A_164 = arith.constant 2 : i32
      %ge3A_165 = arith.cmpi sge, %add3A_144, %ge3A_164 : i32
      %convert_element_type3A_166 = arith.extui %ge3A_165 : i1 to i32
      %cond3A_167 = arith.constant 0 : i32
      %cond3A_168 = arith.cmpi ne, %convert_element_type3A_166, %cond3A_167 : i32
      scf.if %cond3A_168 {
        %sub3A = arith.constant 2 : i32
        %sub3A_256 = arith.subi %add3A_144, %sub3A : i32
        %mul3A_257 = arith.constant 640 : i32
        %mul3A_258 = arith.muli %sub3A_256, %mul3A_257 : i32
        %add3A_259 = arith.addi %mul3A_2, %mul3A_258 : i32
        %dma_wait3A_260 = arith.constant 0 : i32
        %dma_wait3A_261 = tpu.memref_slice %arg8[%add3A_259, %dma_wait3A_260] : memref<3276800x32xf32, #tpu.memory_space<hbm>> -> memref<640x32xf32, #tpu.memory_space<hbm>>
        %dma_wait3A_262 = arith.constant 0 : i32
        %dma_wait3A_263 = tpu.memref_slice %arg8[%add3A_259, %dma_wait3A_262] : memref<3276800x32xf32, #tpu.memory_space<hbm>> -> memref<640x32xf32, #tpu.memory_space<hbm>>
        tpu.wait_dma2 semaphore(%arg27 : memref<!tpu.dma_semaphore, #tpu.memory_space<semaphore_mem>>) src(%arg22 : memref<640x32xf32, #tpu.memory_space<vmem>>) dst(%dma_wait3A_263 : memref<640x32xf32, #tpu.memory_space<hbm>>)
      } else {
      }
      %dma_start3A_169 = arith.constant 0 : i32
      %dma_start3A_170 = arith.constant 0 : i32
      %dma_start3A_171 = tpu.memref_slice %arg22[%dma_start3A_169, %dma_start3A_170] : memref<640x32xf32, #tpu.memory_space<vmem>> -> memref<128x32xf32, #tpu.memory_space<vmem>>
      %dma_start3A_172 = arith.constant 0 : i32
      %dma_start3A_173 = tpu.memref_slice %arg23[%dma_start3A_172] : memref<640xi32, #tpu.memory_space<vmem>> -> memref<128xi32, #tpu.memory_space<vmem>>
      %dma_start3A_174 = arith.constant 0 : i32
      %dma_start3A_175 = arith.constant 0 : i32
      %dma_start3A_176 = tpu.memref_slice %arg13[%dma_start3A_174, %dma_start3A_175] : memref<2016x32xf32, #tpu.memory_space<vmem_shared>> -> memref<2016x32xf32, #tpu.memory_space<vmem_shared>>
      tpu.enqueue_indirect_dma source(%dma_start3A_176 : memref<2016x32xf32, #tpu.memory_space<vmem_shared>>) target(%dma_start3A_171 : memref<128x32xf32, #tpu.memory_space<vmem>>) offsets(%dma_start3A_173 : memref<128xi32, #tpu.memory_space<vmem>>) semaphore(%arg29 : memref<!tpu.dma_semaphore, #tpu.memory_space<semaphore_mem>>)
      %dma_start3A_177 = arith.constant 128 : i32
      %dma_start3A_178 = arith.constant 0 : i32
      %dma_start3A_179 = tpu.memref_slice %arg22[%dma_start3A_177, %dma_start3A_178] : memref<640x32xf32, #tpu.memory_space<vmem>> -> memref<128x32xf32, #tpu.memory_space<vmem>>
      %dma_start3A_180 = arith.constant 128 : i32
      %dma_start3A_181 = tpu.memref_slice %arg23[%dma_start3A_180] : memref<640xi32, #tpu.memory_space<vmem>> -> memref<128xi32, #tpu.memory_space<vmem>>
      %dma_start3A_182 = arith.constant 0 : i32
      %dma_start3A_183 = arith.constant 0 : i32
      %dma_start3A_184 = tpu.memref_slice %arg13[%dma_start3A_182, %dma_start3A_183] : memref<2016x32xf32, #tpu.memory_space<vmem_shared>> -> memref<2016x32xf32, #tpu.memory_space<vmem_shared>>
      tpu.enqueue_indirect_dma source(%dma_start3A_184 : memref<2016x32xf32, #tpu.memory_space<vmem_shared>>) target(%dma_start3A_179 : memref<128x32xf32, #tpu.memory_space<vmem>>) offsets(%dma_start3A_181 : memref<128xi32, #tpu.memory_space<vmem>>) semaphore(%arg29 : memref<!tpu.dma_semaphore, #tpu.memory_space<semaphore_mem>>)
      %dma_start3A_185 = arith.constant 256 : i32
      %dma_start3A_186 = arith.constant 0 : i32
      %dma_start3A_187 = tpu.memref_slice %arg22[%dma_start3A_185, %dma_start3A_186] : memref<640x32xf32, #tpu.memory_space<vmem>> -> memref<128x32xf32, #tpu.memory_space<vmem>>
      %dma_start3A_188 = arith.constant 256 : i32
      %dma_start3A_189 = tpu.memref_slice %arg23[%dma_start3A_188] : memref<640xi32, #tpu.memory_space<vmem>> -> memref<128xi32, #tpu.memory_space<vmem>>
      %dma_start3A_190 = arith.constant 0 : i32
      %dma_start3A_191 = arith.constant 0 : i32
      %dma_start3A_192 = tpu.memref_slice %arg13[%dma_start3A_190, %dma_start3A_191] : memref<2016x32xf32, #tpu.memory_space<vmem_shared>> -> memref<2016x32xf32, #tpu.memory_space<vmem_shared>>
      tpu.enqueue_indirect_dma source(%dma_start3A_192 : memref<2016x32xf32, #tpu.memory_space<vmem_shared>>) target(%dma_start3A_187 : memref<128x32xf32, #tpu.memory_space<vmem>>) offsets(%dma_start3A_189 : memref<128xi32, #tpu.memory_space<vmem>>) semaphore(%arg29 : memref<!tpu.dma_semaphore, #tpu.memory_space<semaphore_mem>>)
      %dma_start3A_193 = arith.constant 384 : i32
      %dma_start3A_194 = arith.constant 0 : i32
      %dma_start3A_195 = tpu.memref_slice %arg22[%dma_start3A_193, %dma_start3A_194] : memref<640x32xf32, #tpu.memory_space<vmem>> -> memref<128x32xf32, #tpu.memory_space<vmem>>
      %dma_start3A_196 = arith.constant 384 : i32
      %dma_start3A_197 = tpu.memref_slice %arg23[%dma_start3A_196] : memref<640xi32, #tpu.memory_space<vmem>> -> memref<128xi32, #tpu.memory_space<vmem>>
      %dma_start3A_198 = arith.constant 0 : i32
      %dma_start3A_199 = arith.constant 0 : i32
      %dma_start3A_200 = tpu.memref_slice %arg13[%dma_start3A_198, %dma_start3A_199] : memref<2016x32xf32, #tpu.memory_space<vmem_shared>> -> memref<2016x32xf32, #tpu.memory_space<vmem_shared>>
      tpu.enqueue_indirect_dma source(%dma_start3A_200 : memref<2016x32xf32, #tpu.memory_space<vmem_shared>>) target(%dma_start3A_195 : memref<128x32xf32, #tpu.memory_space<vmem>>) offsets(%dma_start3A_197 : memref<128xi32, #tpu.memory_space<vmem>>) semaphore(%arg29 : memref<!tpu.dma_semaphore, #tpu.memory_space<semaphore_mem>>)
      %dma_start3A_201 = arith.constant 512 : i32
      %dma_start3A_202 = arith.constant 0 : i32
      %dma_start3A_203 = tpu.memref_slice %arg22[%dma_start3A_201, %dma_start3A_202] : memref<640x32xf32, #tpu.memory_space<vmem>> -> memref<128x32xf32, #tpu.memory_space<vmem>>
      %dma_start3A_204 = arith.constant 512 : i32
      %dma_start3A_205 = tpu.memref_slice %arg23[%dma_start3A_204] : memref<640xi32, #tpu.memory_space<vmem>> -> memref<128xi32, #tpu.memory_space<vmem>>
      %dma_start3A_206 = arith.constant 0 : i32
      %dma_start3A_207 = arith.constant 0 : i32
      %dma_start3A_208 = tpu.memref_slice %arg13[%dma_start3A_206, %dma_start3A_207] : memref<2016x32xf32, #tpu.memory_space<vmem_shared>> -> memref<2016x32xf32, #tpu.memory_space<vmem_shared>>
      tpu.enqueue_indirect_dma source(%dma_start3A_208 : memref<2016x32xf32, #tpu.memory_space<vmem_shared>>) target(%dma_start3A_203 : memref<128x32xf32, #tpu.memory_space<vmem>>) offsets(%dma_start3A_205 : memref<128xi32, #tpu.memory_space<vmem>>) semaphore(%arg29 : memref<!tpu.dma_semaphore, #tpu.memory_space<semaphore_mem>>)
      %dma_wait3A_209 = arith.constant 0 : i32
      %dma_wait3A_210 = arith.constant 0 : i32
      %dma_wait3A_211 = tpu.memref_slice %arg22[%dma_wait3A_209, %dma_wait3A_210] : memref<640x32xf32, #tpu.memory_space<vmem>> -> memref<128x32xf32, #tpu.memory_space<vmem>>
      %dma_wait3A_212 = arith.constant 0 : i32
      %dma_wait3A_213 = tpu.memref_slice %arg23[%dma_wait3A_212] : memref<640xi32, #tpu.memory_space<vmem>> -> memref<128xi32, #tpu.memory_space<vmem>>
      %dma_wait3A_214 = arith.constant 0 : i32
      %dma_wait3A_215 = arith.constant 0 : i32
      %dma_wait3A_216 = tpu.memref_slice %arg13[%dma_wait3A_214, %dma_wait3A_215] : memref<2016x32xf32, #tpu.memory_space<vmem_shared>> -> memref<2016x32xf32, #tpu.memory_space<vmem_shared>>
      tpu.wait_indirect_dma semaphore(%arg29 : memref<!tpu.dma_semaphore, #tpu.memory_space<semaphore_mem>>) src(%dma_wait3A_216 : memref<2016x32xf32, #tpu.memory_space<vmem_shared>>) dst(%dma_wait3A_211 : memref<128x32xf32, #tpu.memory_space<vmem>>)
      %dma_wait3A_217 = arith.constant 128 : i32
      %dma_wait3A_218 = arith.constant 0 : i32
      %dma_wait3A_219 = tpu.memref_slice %arg22[%dma_wait3A_217, %dma_wait3A_218] : memref<640x32xf32, #tpu.memory_space<vmem>> -> memref<128x32xf32, #tpu.memory_space<vmem>>
      %dma_wait3A_220 = arith.constant 128 : i32
      %dma_wait3A_221 = tpu.memref_slice %arg23[%dma_wait3A_220] : memref<640xi32, #tpu.memory_space<vmem>> -> memref<128xi32, #tpu.memory_space<vmem>>
      %dma_wait3A_222 = arith.constant 0 : i32
      %dma_wait3A_223 = arith.constant 0 : i32
      %dma_wait3A_224 = tpu.memref_slice %arg13[%dma_wait3A_222, %dma_wait3A_223] : memref<2016x32xf32, #tpu.memory_space<vmem_shared>> -> memref<2016x32xf32, #tpu.memory_space<vmem_shared>>
      tpu.wait_indirect_dma semaphore(%arg29 : memref<!tpu.dma_semaphore, #tpu.memory_space<semaphore_mem>>) src(%dma_wait3A_224 : memref<2016x32xf32, #tpu.memory_space<vmem_shared>>) dst(%dma_wait3A_219 : memref<128x32xf32, #tpu.memory_space<vmem>>)
      %dma_wait3A_225 = arith.constant 256 : i32
      %dma_wait3A_226 = arith.constant 0 : i32
      %dma_wait3A_227 = tpu.memref_slice %arg22[%dma_wait3A_225, %dma_wait3A_226] : memref<640x32xf32, #tpu.memory_space<vmem>> -> memref<128x32xf32, #tpu.memory_space<vmem>>
      %dma_wait3A_228 = arith.constant 256 : i32
      %dma_wait3A_229 = tpu.memref_slice %arg23[%dma_wait3A_228] : memref<640xi32, #tpu.memory_space<vmem>> -> memref<128xi32, #tpu.memory_space<vmem>>
      %dma_wait3A_230 = arith.constant 0 : i32
      %dma_wait3A_231 = arith.constant 0 : i32
      %dma_wait3A_232 = tpu.memref_slice %arg13[%dma_wait3A_230, %dma_wait3A_231] : memref<2016x32xf32, #tpu.memory_space<vmem_shared>> -> memref<2016x32xf32, #tpu.memory_space<vmem_shared>>
      tpu.wait_indirect_dma semaphore(%arg29 : memref<!tpu.dma_semaphore, #tpu.memory_space<semaphore_mem>>) src(%dma_wait3A_232 : memref<2016x32xf32, #tpu.memory_space<vmem_shared>>) dst(%dma_wait3A_227 : memref<128x32xf32, #tpu.memory_space<vmem>>)
      %dma_wait3A_233 = arith.constant 384 : i32
      %dma_wait3A_234 = arith.constant 0 : i32
      %dma_wait3A_235 = tpu.memref_slice %arg22[%dma_wait3A_233, %dma_wait3A_234] : memref<640x32xf32, #tpu.memory_space<vmem>> -> memref<128x32xf32, #tpu.memory_space<vmem>>
      %dma_wait3A_236 = arith.constant 384 : i32
      %dma_wait3A_237 = tpu.memref_slice %arg23[%dma_wait3A_236] : memref<640xi32, #tpu.memory_space<vmem>> -> memref<128xi32, #tpu.memory_space<vmem>>
      %dma_wait3A_238 = arith.constant 0 : i32
      %dma_wait3A_239 = arith.constant 0 : i32
      %dma_wait3A_240 = tpu.memref_slice %arg13[%dma_wait3A_238, %dma_wait3A_239] : memref<2016x32xf32, #tpu.memory_space<vmem_shared>> -> memref<2016x32xf32, #tpu.memory_space<vmem_shared>>
      tpu.wait_indirect_dma semaphore(%arg29 : memref<!tpu.dma_semaphore, #tpu.memory_space<semaphore_mem>>) src(%dma_wait3A_240 : memref<2016x32xf32, #tpu.memory_space<vmem_shared>>) dst(%dma_wait3A_235 : memref<128x32xf32, #tpu.memory_space<vmem>>)
      %dma_wait3A_241 = arith.constant 512 : i32
      %dma_wait3A_242 = arith.constant 0 : i32
      %dma_wait3A_243 = tpu.memref_slice %arg22[%dma_wait3A_241, %dma_wait3A_242] : memref<640x32xf32, #tpu.memory_space<vmem>> -> memref<128x32xf32, #tpu.memory_space<vmem>>
      %dma_wait3A_244 = arith.constant 512 : i32
      %dma_wait3A_245 = tpu.memref_slice %arg23[%dma_wait3A_244] : memref<640xi32, #tpu.memory_space<vmem>> -> memref<128xi32, #tpu.memory_space<vmem>>
      %dma_wait3A_246 = arith.constant 0 : i32
      %dma_wait3A_247 = arith.constant 0 : i32
      %dma_wait3A_248 = tpu.memref_slice %arg13[%dma_wait3A_246, %dma_wait3A_247] : memref<2016x32xf32, #tpu.memory_space<vmem_shared>> -> memref<2016x32xf32, #tpu.memory_space<vmem_shared>>
      tpu.wait_indirect_dma semaphore(%arg29 : memref<!tpu.dma_semaphore, #tpu.memory_space<semaphore_mem>>) src(%dma_wait3A_248 : memref<2016x32xf32, #tpu.memory_space<vmem_shared>>) dst(%dma_wait3A_243 : memref<128x32xf32, #tpu.memory_space<vmem>>)
      %mul3A_249 = arith.constant 640 : i32
      %mul3A_250 = arith.muli %add3A_144, %mul3A_249 : i32
      %add3A_251 = arith.addi %mul3A_2, %mul3A_250 : i32
      %dma_start3A_252 = arith.constant 0 : i32
      %dma_start3A_253 = tpu.memref_slice %arg8[%add3A_251, %dma_start3A_252] : memref<3276800x32xf32, #tpu.memory_space<hbm>> -> memref<640x32xf32, #tpu.memory_space<hbm>>
      %dma_start3A_254 = arith.constant 0 : i32
      %dma_start3A_255 = tpu.memref_slice %arg8[%add3A_251, %dma_start3A_254] : memref<3276800x32xf32, #tpu.memory_space<hbm>> -> memref<640x32xf32, #tpu.memory_space<hbm>>
      tpu.enqueue_dma source(%arg22 : memref<640x32xf32, #tpu.memory_space<vmem>>) target(%dma_start3A_255 : memref<640x32xf32, #tpu.memory_space<hbm>>) target_semaphore(%arg27 : memref<!tpu.dma_semaphore, #tpu.memory_space<semaphore_mem>>)
    }
    %scan3A_16 = arith.constant 80 : i32
    %add3A_17 = arith.constant 101120 : i32
    %add3A_18 = arith.addi %mul3A_2, %add3A_17 : i32
    %dma_wait3A = arith.constant 0 : i32
    %dma_wait3A_19 = tpu.memref_slice %arg8[%add3A_18, %dma_wait3A] : memref<3276800x32xf32, #tpu.memory_space<hbm>> -> memref<640x32xf32, #tpu.memory_space<hbm>>
    %dma_wait3A_20 = arith.constant 0 : i32
    %dma_wait3A_21 = tpu.memref_slice %arg8[%add3A_18, %dma_wait3A_20] : memref<3276800x32xf32, #tpu.memory_space<hbm>> -> memref<640x32xf32, #tpu.memory_space<hbm>>
    tpu.wait_dma2 semaphore(%arg26 : memref<!tpu.dma_semaphore, #tpu.memory_space<semaphore_mem>>) src(%arg17 : memref<640x32xf32, #tpu.memory_space<vmem>>) dst(%dma_wait3A_21 : memref<640x32xf32, #tpu.memory_space<hbm>>)
    %add3A_22 = arith.constant 101760 : i32
    %add3A_23 = arith.addi %mul3A_2, %add3A_22 : i32
    %dma_wait3A_24 = arith.constant 0 : i32
    %dma_wait3A_25 = tpu.memref_slice %arg8[%add3A_23, %dma_wait3A_24] : memref<3276800x32xf32, #tpu.memory_space<hbm>> -> memref<640x32xf32, #tpu.memory_space<hbm>>
    %dma_wait3A_26 = arith.constant 0 : i32
    %dma_wait3A_27 = tpu.memref_slice %arg8[%add3A_23, %dma_wait3A_26] : memref<3276800x32xf32, #tpu.memory_space<hbm>> -> memref<640x32xf32, #tpu.memory_space<hbm>>
    tpu.wait_dma2 semaphore(%arg27 : memref<!tpu.dma_semaphore, #tpu.memory_space<semaphore_mem>>) src(%arg22 : memref<640x32xf32, #tpu.memory_space<vmem>>) dst(%dma_wait3A_27 : memref<640x32xf32, #tpu.memory_space<hbm>>)
    return
  }
}

</mosaic_0001>

<sc_bundles>
// kernel: _run.3.cloned.1.call-start
scs
__scs_entry_jumppad:
0x0: {  	(pc) =	sbr.rel $0x88, $3  }
0x1: {  	(tag) =	ssettag $0x0;
	lr =	simm.s32 $0x1  }
0x2: {  	[smem:$0x3F9B] =	sst lr;
	_ =	strace $0xD0000000  }
0x3: {  	_ = 	snop  }
0x4: {  	_ = 	snop  }
0x5: {  	_ = 	snop  }
0x6: {  	_ = 	snop  }
0x7: {  	_ = 	snop  }
__scs_overlays_trampoline_lowered:
0x8: {  	[smem:$0x3FAA] =	sst s0  }
0x9: {  	[smem:$0x3FAB] =	sst s1  }
0xa: {  	[smem:$0x3FAC] =	sst s2  }
0xb: {  	[smem:$0x3FAD] =	sst s3  }
0xc: {  	[smem:$0x3FAE] =	sst s4  }
0xd: {  	[smem:$0x3FAF] =	sst s5  }
0xe: {  	[smem:$0x3FB0] =	sst s6  }
0xf: {  	[smem:$0x3FB1] =	sst s7  }
0x10: {  	[smem:$0x3FB2] =	sst s8  }
0x11: {  	[smem:$0x3FB3] =	sst s9;
	s0 =	simm.s32 @!p0 $0x0  }
0x12: {  	s1 =	sld [smem:$0x3F99];
	s0 =	simm.s32 @p0 $0x1  }
0x13: {  	[smem:$0x3FB4] =	sst s0;
	s0 =	simm.s32 @!p1 $0x0  }
0x14: {  	s2 =	sld [smem:$0x3F98];
	s0 =	simm.s32 @p1 $0x1  }
0x15: {  	[smem:$0x3FB5] =	sst s0;
	s0 =	simm.s32 @!p2 $0x0  }
0x16: {  	s3 =	sld [smem:$0x3FDB];
	s0 =	simm.s32 @p2 $0x1  }
0x17: {  	s4 =	simm.s32 $0x1BF5;
	[smem:$0x3FB7] =	sst s0  }
0x18: {  	s0 =	sld [smem:$0x3F9A];
	_ =	swait.ge [sflag:s4], $0x0  }
0x19: {  	s7 =	sld [smem:$0x3F9B]  }
0x1a: {  	s8 =	sadd.s32 $0xFFFFE003, lr  }
0x1b: {  	s9 =	sadd.s32 $0xFFFFFEF7, lr;
	s5 =	simm.s32 $0xFFFFFFFF;
	p2 =	slt.u32 s8, $0xFFFFF086  }
0x1c: {  	p1 =	slt.u32 s9, $0xF7A;
	s5 =	simm.s32 @!p2 $0x0  }
0x1d: {  	s5 =	simm.s32 @p1 $0x1;
	p0 =	seq.s32 s7, s2  }
0x1e: {  	s7 =	smul.u32 @!p0 $0xF7A, s2;
	p2 =	seq.s32 @!p0 s5, $0x0  }
0x1f: {  	s9 =	smul.u32 $0xF7A, s1;
	s8 =	simm.s32 @!p0 $0x1BF5;
	p2 =	por !p2, p0  }
0x20: {  	[sflag:s8] =	ssyncset.s32 @!p0 $0xFFFFF086;
	s6 =	sadd.s32 @!p0 s3, s7;
	s7 =	simm.s32 @!p0 $0x108  }
0x21: {  	s3 =	sadd.s32 s3, s9;
	s6 =	sadd.s32 @!p0 $0x88, s6;
	s7 =	simm.s32 @p2 $0x1082  }
0x22: {  	[simem:s7], [sflag:s8] =	dma.local @!p0 [hbm:s6], $0xF7A  }
0x23: {  	s9 =	sor.u32 $0xD0000000, s2;
	s6 =	simm.s32 $0x108;
	_ =	swait.ge @!p0 [sflag:s8], $0x0  }
0x24: {  	s3 =	sadd.s32 $0x88, s3;
	s6 =	simm.s32 @!p1 $0x1082;
	[sflag:s4] =	ssyncset.s32 $0xFFFFF086  }
0x25: {  	[simem:s6], [sflag:s4] =	dma.local [hbm:s3], $0xF7A  }
0x26: {  	[smem:$0x3F9B] =	sst s1;
	(tag) =	ssettag s2;
	_ =	strace s9  }
0x27: {  	s1 =	sld [smem:$0x3FAB]  }
0x28: {  	s2 =	sld [smem:$0x3FAC]  }
0x29: {  	s4 =	sld [smem:$0x3FAE]  }
0x2a: {  	p0 =	seq.s32 s5, $0x0;
	s5 =	sld [smem:$0x3FAF]  }
0x2b: {  	s6 =	sld [smem:$0x3FB0]  }
0x2c: {  	s7 =	sld [smem:$0x3FB1]  }
0x2d: {  	s3 =	simm.s32 $0x108;
	s8 =	sld [smem:$0x3FB2]  }
0x2e: {  	s3 =	simm.s32 @!p0 $0x1082;
	s9 =	sld [smem:$0x3FB3]  }
0x2f: {  	lr =	sadd.s32 s0, s3;
	s0 =	sld [smem:$0x3FAA]  }
0x30: {  	s3 =	sld [smem:$0x3FAD]  }
0x31: {  	[smem:$0x3FB6] =	sst s10  }
0x32: {  	s10 =	sld [smem:$0x3FB4];
	_ =	sdelay $0x3  }
0x33: {  	p0 =	seq.s32 s10, $0x1;
	s10 =	sld [smem:$0x3FB6];
	_ =	sdelay $0x3  }
0x34: {  	[smem:$0x3FB6] =	sst s10  }
0x35: {  	s10 =	sld [smem:$0x3FB5];
	_ =	sdelay $0x3  }
0x36: {  	p1 =	seq.s32 s10, $0x1;
	s10 =	sld [smem:$0x3FB6];
	_ =	sdelay $0x3  }
0x37: {  	[smem:$0x3FB6] =	sst s10  }
0x38: {  	s10 =	sld [smem:$0x3FB7]  }
0x39: {  	_ = 	snop;
	(pc) =	sbr.ind lr, $3  }
0x3a: {  	_ = 	snop  }
0x3b: {  	_ = 	snop  }
0x3c: {  	p2 =	seq.s32 s10, $0x1;
	s10 =	sld [smem:$0x3FB6]  }
0x3d: {  	_ =	shalt  }
0x3e: {  	_ =	shalt  }
0x3f: {  	_ =	shalt  }
0x40: {  	_ =	shalt  }
0x41: {  	_ =	shalt  }
0x42: {  	_ =	shalt  }
0x43: {  	_ =	shalt  }
0x44: {  	_ =	shalt  }
0x45: {  	_ =	shalt  }
0x46: {  	_ =	shalt  }
0x47: {  	_ =	shalt  }
0x48: {  	_ =	shalt  }
0x49: {  	_ =	shalt  }
0x4a: {  	_ =	shalt  }
0x4b: {  	_ =	shalt  }
0x4c: {  	_ =	shalt  }
0x4d: {  	_ =	shalt  }
0x4e: {  	_ =	shalt  }
0x4f: {  	_ =	shalt  }
0x50: {  	_ =	shalt  }
0x51: {  	_ =	shalt  }
0x52: {  	_ =	shalt  }
0x53: {  	_ =	shalt  }
0x54: {  	_ =	shalt  }
0x55: {  	_ =	shalt  }
0x56: {  	_ =	shalt  }
0x57: {  	_ =	shalt  }
0x58: {  	_ =	shalt  }
0x59: {  	_ =	shalt  }
0x5a: {  	_ =	shalt  }
0x5b: {  	_ =	shalt  }
0x5c: {  	_ =	shalt  }
0x5d: {  	_ =	shalt  }
0x5e: {  	_ =	shalt  }
0x5f: {  	_ =	shalt  }
0x60: {  	_ =	shalt  }
0x61: {  	_ =	shalt  }
0x62: {  	_ =	shalt  }
0x63: {  	_ =	shalt  }
0x64: {  	_ =	shalt  }
0x65: {  	_ =	shalt  }
0x66: {  	_ =	shalt  }
0x67: {  	_ =	shalt  }
0x68: {  	_ =	shalt  }
0x69: {  	_ =	shalt  }
0x6a: {  	_ =	shalt  }
0x6b: {  	_ =	shalt  }
0x6c: {  	_ =	shalt  }
0x6d: {  	_ =	shalt  }
0x6e: {  	_ =	shalt  }
0x6f: {  	_ =	shalt  }
0x70: {  	_ =	shalt  }
0x71: {  	_ =	shalt  }
0x72: {  	_ =	shalt  }
0x73: {  	_ =	shalt  }
0x74: {  	_ =	shalt  }
0x75: {  	_ =	shalt  }
0x76: {  	_ =	shalt  }
0x77: {  	_ =	shalt  }
0x78: {  	_ =	shalt  }
0x79: {  	_ =	shalt  }
0x7a: {  	_ =	shalt  }
0x7b: {  	_ =	shalt  }
0x7c: {  	_ =	shalt  }
0x7d: {  	_ =	shalt  }
0x7e: {  	_ =	shalt  }
0x7f: {  	_ =	shalt  }
0x80: {  	_ =	shalt  }
0x81: {  	_ =	shalt  }
0x82: {  	_ =	shalt  }
0x83: {  	_ =	shalt  }
0x84: {  	_ =	shalt  }
0x85: {  	_ =	shalt  }
0x86: {  	_ =	shalt  }
0x87: {  	_ =	shalt  }
.Lfunc_end0:
.L_simem_size_0:
called_computation.1_lowered:
.L_overlay_start_0:
0x88: {  	s2 =	sld [smem:$0x3FD9]  }
0x89: {  	s3 =	sld [smem:$0x3FFE];
	_ =	sdelay $0x1  }
0x8a: {  	s1 =	srdreg.scid  }
0x8b: {  	s0 =	sand.u32 $0x1, s1  }
0x8c: {  	s18 =	sshll.u32 s0, $0xA;
	s2 =	sadd.s32 s3, s2  }
0x8d: {  	s2 =	sadd.s32 s2, s18  }
0x8e: {  	[smem:$0x3FC2] =	sst s2  }
0x8f: {  	_ = 	snop  }
0x90: {  	s2 =	sld [smem:$0x3FC9]  }
0x91: {  	s19 =	sld [smem:$0x3FC8]  }
0x92: {  	s4 =	sld [smem:$0x3FC7]  }
0x93: {  	s5 =	sld [smem:$0x3FC6]  }
0x94: {  	s6 =	sld [smem:$0x3FC5]  }
0x95: {  	s7 =	sld [smem:$0x3FC4]  }
0x96: {  	s8 =	sld [smem:$0x3FD0];
	(tm) =	ssettm $0x1  }
0x97: {  	s9 =	sld [smem:$0x3FFB];
	_ =	sdelay $0x3  }
0x98: {  	_ =	strace s9  }
0x99: {  	s9 =	sld [smem:$0x3FFC];
	_ =	sdelay $0x3  }
0x9a: {  	_ =	strace s9  }
0x9b: {  	s9 =	sld [smem:$0x3FFD];
	_ =	sdelay $0x3  }
0x9c: {  	_ =	strace s9  }
0x9d: {  	_ =	strace $0x8FFFFFFF  }
0x9e: {  	s20 =	sld [smem:$0x3FDB];
	_ =	sdelay $0x1  }
0x9f: {  	s10 =	simm.s32 $_scs_section_size  }
0xa0: {  	s11 =	simm.s32 $_size__tile_overlayer_lowered;
	s12 =	simm.s32 $_tile_overlayer_lowered  }
0xa1: {  	s23 =	simm.s32 $0x1BFF;
	s22 =	sshll.u32 s12, $0x1;
	s9 =	sadd.s32 s10, s20  }
0xa2: {  	s13 =	simm.s32 $0x0;
	s21 =	sshll.u32 s11, $0x1;
	s11 =	sadd.s32 s22, s9  }
0xa3: {  	[timem:s13], [sflag:s23] =	dma.local [hbm:s11], s21  }
0xa4: {  	_ =	swait.ge [sflag:s23], s21  }
0xa5: {  	s10 =	ssub.s32 $0x0, s21;
	[sflag:s23] =	ssyncset.done $0x0  }
0xa6: {  	[sflag:s23] =	ssyncadd.s32 s10;
	_ =	sdelay $0x1  }
0xa7: {  	s24 =	simm.s32 $0x1B8B  }
0xa8: {  	_ =	swait.ge [sflag:s24], $0x1  }
0xa9: {  	[sflag:s24] =	ssyncset.done $0x0  }
0xaa: {  	s25 =	simm.s32 $0x1B8E;
	[sflag:s24] =	ssyncadd.s32 $0xFFFFFFFF  }
0xab: {  	s26 =	simm.s32 $execute0_lowered;
	[smem:$0x3FD2] =	sst s25  }
0xac: {  	s10 =	sshll.u32 s26, $0x1;
	_ =	strace $0x80000046;
	[dreg:$0x1] =	wrdreg $0xFFFFFFFF  }
0xad: {  	s28 =	simm.s32 $_size_execute0_lowered;
	s9 =	sadd.s32 s9, s10;
	[dreg:$0x0] =	wrdreg $0x0  }
0xae: {  	s10 =	sshll.u32 s28, $0x1;
	[dreg:$0x2] =	wrdreg s9  }
0xaf: {  	[dreg:$0x3] =	wrdreg s10  }
0xb0: {  	[dreg:$0x4] =	wrdreg $0xC0  }
0xb1: {  	_ =	task [dreg:s13], $0x5FFFF  }
0xb2: {  	[dreg:$0x1] =	wrdreg $0xFFFFFFFF  }
0xb3: {  	[dreg:$0x0] =	wrdreg $0x60  }
0xb4: {  	[dreg:$0x2] =	wrdreg s2  }
0xb5: {  	[dreg:$0x3] =	wrdreg s19  }
0xb6: {  	[dreg:$0x4] =	wrdreg s4  }
0xb7: {  	[dreg:$0x5] =	wrdreg s5  }
0xb8: {  	[dreg:$0x6] =	wrdreg s6  }
0xb9: {  	[dreg:$0x7] =	wrdreg s7  }
0xba: {  	[dreg:$0x8] =	wrdreg s8  }
0xbb: {  	[dreg:$0x9] =	wrdreg $0x101600  }
0xbc: {  	[dreg:$0xa] =	wrdreg $0x9  }
0xbd: {  	_ =	task.clear_ibuf [dreg:s13], $0xBFFFF;
	_ =	strace $0x90000046  }
0xbe: {  	s29 =	simm.s32 $0x9;
	_ =	strace $0x80000048  }
0xbf: {  	_ =	swait.ge [sflag:s29], $0x1  }
0xc0: {  	[sflag:s29] =	ssyncadd.s32 $0xFFFFFFFF  }
0xc1: {  	_ =	strace $0x90000048  }
0xc2: {  	_ =	sfence  }
0xc3: {  	s30 =	sld [smem:$0x0];
	_ =	sdelay $0x2  }
0xc4: {  	s31 =	sshll.u32 s1, $0xD;
	s1 =	sshrl.u32 s1, $0x2  }
0xc5: {  	s3 =	sand.u32 $0x4000, s31;
	s1 =	sadd.s32 s1, s30  }
0xc6: {  	s0 =	sor.u32 s3, s0;
	s1 =	sshll.u32 s1, $0x11  }
0xc7: {  	s0 =	sor.u32 s1, s0  }
0xc8: {  	s0 =	sadd.s32 $0x8F2B, s0  }
0xc9: {  	[sflag:s0] =	ssyncadd.remote.s32 $0x1  }
0xca: {  	_ =	sfence.sel $0xFFFF  }
0xcb: {  	[dreg:$0x0] =	wrdreg $0xFFFFFFFF;
	(pc) =	sbr.abs _section_cstart, $3  }
0xcc: {  	[dreg:$0x1] =	wrdreg $0xFFFFFFFF  }
0xcd: {  	_ =	task.clear_ibuf [dreg:s13], $0x2FFFF;
	_ =	strace $0x9FFFFFFF  }
0xce: {  	(tm) =	ssettm $0x7FFFFFFF  }
0xcf: {  	_ =	shalt  }
tec
execute0_lowered:
.L_overlay_start_1:
0x0: {  	(tag) =	ssettag $0x1  }
0x1: {  	s0 =	rddreg [dreg:$0x0]  }
0x2: {  	s1 =	rddreg [dreg:$0x1]  }
0x3: {  	s2 =	rddreg [dreg:$0x2]  }
0x4: {  	s6 =	rddreg [dreg:$0x6];
	s3 =	srdreg.scid  }
0x5: {  	s4 =	stileid.u32;
	s8 =	rddreg [dreg:$0x7];
	s9 =	simm.s32 $0x0  }
0x6: {  	s28 =	simm.s32 $0x1;
	s29 =	simm.s32 $0x80;
	s31 =	simm.s32 $0x118A0  }
0x7: {  	s22 =	simm.s32 $0x5;
	s23 =	simm.s32 $0x2;
	s12 =	simm.s32 $0x172A0  }
0x8: {  	s16 =	simm.s32 $0x182A0;
	s17 =	simm.s32 $0x1C3A0;
	s30 =	simm.s32 $0x1C4A0  }
0x9: {  	s11 =	simm.s32 $0x0;
	s3 =	sand.u32 $0x1, s3;
	s5 =	sshll.u32 s4, $0x1  }
0xa: {  	[smem:$0x7FF] =	sst s9;
	s5 =	sor.u32 s3, s5;
	s3 =	ssub.s32 $0x2, s3  }
0xb: {  	p0 =	sne.s32 s4, $0x0;
	s10 =	smul.u32 $0x19000, s5;
	s24 =	sshrl.u32 s3, $0x1  }
0xc: {  	_ =	strace $0x80000047;
	s3 =	ssub.s32 s3, s24;
	s24 =	simm.s32 $0x192A0  }
0xd: {  	s25 =	sshrl.u32 s10, $0x3;
	s14 =	sor.u32 $0x280, s10;
	s3 =	smax.u32 s3, $0x1  }
0xe: {  	s15 =	sor.u32 $0x500, s10;
	s7 =	sadd.s32 s0, s25;
	[dreg:$0xc] =	wrdreg s3  }
0xf: {  	s26 =	sadd.s32 s1, s25;
	s5 =	sadd.s32 s2, s25;
	[dreg:$0x9] =	wrdreg s7  }
0x10: {  	s25 =	simm.s32 $0x1C420;
	s3 =	simm.s32 $0x6;
	[dreg:$0xa] =	wrdreg s26  }
0x11: {  	[dreg:$0xb] =	wrdreg s5;
	s26 =	simm.s32 $0x1A2A0;
	s7 =	simm.s32 $0x1B2A0  }
.LBB2_1:
.Ltmp0:
0x12: {  	(pc) =	sbr.rel @p0 .LBB2_5-.Ltmp0, $2  }
0x13: {  	_ =	sdelay $0x2  }
0x14: {  	[dreg:$0xd] =	wrdreg s11  }
0x15: {  	s4 =	simm.s32 $0x0;
	s5 =	rddreg [dreg:$0x3];
	s11 =	simm.s32 $0x7  }
0x16: {  	[tilespmem:s4], [sflag:$0x7] =	stream.linear.gather [hbm4b:s5+s4], $0x300, $0x38;
	[tilespmem:$0x1C520] =	vst v63  }
0x17: {  	_ =	swait.ge [sflag:s11], $0x300  }
0x18: {  	[sflag:s11] =	ssyncset.done $0x0  }
0x19: {  	[sflag:s11] =	ssyncadd.s32 $0xFFFFFD00  }
0x1a: {  	s13 =	simm.s32 $0x300;
	s19 =	rddreg [dreg:$0x4]  }
0x1b: {  	[tilespmem:s13], [sflag:$0x7] =	stream.linear.gather [hbm4b:s19+s4], $0xE0, $0x38;
	[tilespmem:$0x1C520] =	vst v63  }
0x1c: {  	_ =	swait.ge [sflag:s11], $0xE0  }
0x1d: {  	[sflag:s11] =	ssyncset.done $0x0  }
0x1e: {  	[sflag:s11] =	ssyncadd.s32 $0xFFFFFF20  }
0x1f: {  	s21 =	simm.s32 $0x3E0;
	s20 =	rddreg [dreg:$0x5]  }
0x20: {  	[tilespmem:s21], [sflag:$0x7] =	stream.linear.gather [hbm4b:s20+s4], $0x180, $0x38;
	[tilespmem:$0x1C520] =	vst v63  }
0x21: {  	_ =	swait.ge [sflag:s11], $0x180  }
0x22: {  	[sflag:s11] =	ssyncset.done $0x0  }
0x23: {  	s5 =	simm.s32 $0xAA0;
	[sflag:s11] =	ssyncadd.s32 $0xFFFFFE80  }
.LBB2_3:
0x24: {  	s11 =	sshra.s32 s4, $0x2;
	v0 =	vld [tilespmem:$0x300]  }
0x25: {  	v1 =	vld [tilespmem:s11+$0x0];
	_ =	sdelay $0x1  }
0x26: {  	v2 =	vld [tilespmem:$0x3E0];
	_ =	sdelay $0x2  }
0x27: {  	v3 =	vadd.f32 v0, v1;
	_ =	sdelay $0x1  }
0x28: {  	v4 =	vld [tilespmem:$0x310];
	v2 =	vadd.f32 v2, v3  }
0x29: {  	v51 =	vld [tilespmem:s11+$0x10]  }
0x2a: {  	[tilespmem:s5+$0xFFFFFAC0] =	vst v2  }
0x2b: {  	v2 =	vld [tilespmem:$0x3F0];
	_ =	sdelay $0x2  }
0x2c: {  	v4 =	vadd.f32 v4, v51;
	_ =	sdelay $0x1  }
0x2d: {  	v2 =	vadd.f32 v2, v4;
	_ =	sdelay $0x1  }
0x2e: {  	[tilespmem:s5+$0xFFFFFAD0] =	vst v2  }
0x2f: {  	v2 =	vld [tilespmem:$0x400];
	_ =	sdelay $0x4  }
0x30: {  	v2 =	vadd.f32 v2, v3;
	_ =	sdelay $0x1  }
0x31: {  	[tilespmem:s5+$0xFFFFFAE0] =	vst v2  }
0x32: {  	v2 =	vld [tilespmem:$0x410];
	_ =	sdelay $0x4  }
0x33: {  	v2 =	vadd.f32 v2, v4;
	_ =	sdelay $0x1  }
0x34: {  	[tilespmem:s5+$0xFFFFFAF0] =	vst v2  }
0x35: {  	v2 =	vld [tilespmem:$0x420];
	_ =	sdelay $0x4  }
0x36: {  	v2 =	vadd.f32 v2, v3;
	_ =	sdelay $0x1  }
0x37: {  	[tilespmem:s5+$0xFFFFFB00] =	vst v2  }
0x38: {  	v2 =	vld [tilespmem:$0x430];
	_ =	sdelay $0x4  }
0x39: {  	v2 =	vadd.f32 v2, v4;
	_ =	sdelay $0x1  }
0x3a: {  	[tilespmem:s5+$0xFFFFFB10] =	vst v2  }
0x3b: {  	v2 =	vld [tilespmem:$0x440];
	_ =	sdelay $0x4  }
0x3c: {  	v2 =	vadd.f32 v2, v3;
	_ =	sdelay $0x1  }
0x3d: {  	[tilespmem:s5+$0xFFFFFB20] =	vst v2  }
0x3e: {  	v2 =	vld [tilespmem:$0x450];
	_ =	sdelay $0x4  }
0x3f: {  	v2 =	vadd.f32 v2, v4;
	_ =	sdelay $0x1  }
0x40: {  	[tilespmem:s5+$0xFFFFFB30] =	vst v2  }
0x41: {  	v2 =	vld [tilespmem:$0x460];
	_ =	sdelay $0x4  }
0x42: {  	v2 =	vadd.f32 v2, v3;
	_ =	sdelay $0x1  }
0x43: {  	[tilespmem:s5+$0xFFFFFB40] =	vst v2  }
0x44: {  	v2 =	vld [tilespmem:$0x470];
	_ =	sdelay $0x4  }
0x45: {  	v2 =	vadd.f32 v2, v4;
	_ =	sdelay $0x1  }
0x46: {  	[tilespmem:s5+$0xFFFFFB50] =	vst v2  }
0x47: {  	v2 =	vld [tilespmem:$0x480];
	_ =	sdelay $0x4  }
0x48: {  	v2 =	vadd.f32 v2, v3;
	_ =	sdelay $0x1  }
0x49: {  	[tilespmem:s5+$0xFFFFFB60] =	vst v2  }
0x4a: {  	v2 =	vld [tilespmem:$0x490];
	_ =	sdelay $0x4  }
0x4b: {  	v2 =	vadd.f32 v2, v4;
	_ =	sdelay $0x1  }
0x4c: {  	[tilespmem:s5+$0xFFFFFB70] =	vst v2  }
0x4d: {  	v2 =	vld [tilespmem:$0x4A0];
	_ =	sdelay $0x4  }
0x4e: {  	v2 =	vadd.f32 v2, v3;
	_ =	sdelay $0x1  }
0x4f: {  	[tilespmem:s5+$0xFFFFFB80] =	vst v2  }
0x50: {  	v2 =	vld [tilespmem:$0x4B0];
	_ =	sdelay $0x4  }
0x51: {  	v2 =	vadd.f32 v2, v4;
	_ =	sdelay $0x1  }
0x52: {  	[tilespmem:s5+$0xFFFFFB90] =	vst v2  }
0x53: {  	v2 =	vld [tilespmem:$0x4C0];
	_ =	sdelay $0x4  }
0x54: {  	v2 =	vadd.f32 v2, v3;
	_ =	sdelay $0x1  }
0x55: {  	[tilespmem:s5+$0xFFFFFBA0] =	vst v2  }
0x56: {  	v2 =	vld [tilespmem:$0x4D0];
	_ =	sdelay $0x4  }
0x57: {  	v2 =	vadd.f32 v2, v4;
	_ =	sdelay $0x1  }
0x58: {  	[tilespmem:s5+$0xFFFFFBB0] =	vst v2  }
0x59: {  	v2 =	vld [tilespmem:$0x4E0];
	_ =	sdelay $0x4  }
0x5a: {  	v2 =	vadd.f32 v2, v3;
	_ =	sdelay $0x1  }
0x5b: {  	[tilespmem:s5+$0xFFFFFBC0] =	vst v2  }
0x5c: {  	v2 =	vld [tilespmem:$0x4F0];
	_ =	sdelay $0x4  }
0x5d: {  	v2 =	vadd.f32 v2, v4;
	_ =	sdelay $0x1  }
0x5e: {  	[tilespmem:s5+$0xFFFFFBD0] =	vst v2  }
0x5f: {  	v2 =	vld [tilespmem:$0x500];
	_ =	sdelay $0x4  }
0x60: {  	v2 =	vadd.f32 v2, v3;
	_ =	sdelay $0x1  }
0x61: {  	[tilespmem:s5+$0xFFFFFBE0] =	vst v2  }
0x62: {  	v2 =	vld [tilespmem:$0x510];
	_ =	sdelay $0x4  }
0x63: {  	v2 =	vadd.f32 v2, v4;
	_ =	sdelay $0x1  }
0x64: {  	[tilespmem:s5+$0xFFFFFBF0] =	vst v2  }
0x65: {  	v2 =	vld [tilespmem:$0x520];
	_ =	sdelay $0x4  }
0x66: {  	v2 =	vadd.f32 v2, v3;
	_ =	sdelay $0x1  }
0x67: {  	[tilespmem:s5+$0xFFFFFC00] =	vst v2  }
0x68: {  	v2 =	vld [tilespmem:$0x530];
	_ =	sdelay $0x4  }
0x69: {  	v2 =	vadd.f32 v2, v4;
	_ =	sdelay $0x1  }
0x6a: {  	[tilespmem:s5+$0xFFFFFC10] =	vst v2  }
0x6b: {  	v2 =	vld [tilespmem:$0x540];
	_ =	sdelay $0x4  }
0x6c: {  	v2 =	vadd.f32 v2, v3;
	_ =	sdelay $0x1  }
0x6d: {  	[tilespmem:s5+$0xFFFFFC20] =	vst v2  }
0x6e: {  	v2 =	vld [tilespmem:$0x550];
	_ =	sdelay $0x4  }
0x6f: {  	v2 =	vadd.f32 v2, v4;
	_ =	sdelay $0x1  }
0x70: {  	[tilespmem:s5+$0xFFFFFC30] =	vst v2  }
0x71: {  	v2 =	vld [tilespmem:$0x320];
	_ =	sdelay $0x1  }
0x72: {  	v52 =	vld [tilespmem:$0x3E0];
	_ =	sdelay $0x2  }
0x73: {  	v2 =	vadd.f32 v2, v1;
	_ =	sdelay $0x1  }
0x74: {  	v3 =	vadd.f32 v52, v2  }
0x75: {  	v53 =	vld [tilespmem:$0x330]  }
0x76: {  	[tilespmem:s5+$0xFFFFFC40] =	vst v3  }
0x77: {  	v3 =	vld [tilespmem:$0x3F0];
	_ =	sdelay $0x2  }
0x78: {  	v4 =	vadd.f32 v53, v51;
	_ =	sdelay $0x1  }
0x79: {  	v3 =	vadd.f32 v3, v4;
	_ =	sdelay $0x1  }
0x7a: {  	[tilespmem:s5+$0xFFFFFC50] =	vst v3  }
0x7b: {  	v3 =	vld [tilespmem:$0x400];
	_ =	sdelay $0x4  }
0x7c: {  	v3 =	vadd.f32 v3, v2;
	_ =	sdelay $0x1  }
0x7d: {  	[tilespmem:s5+$0xFFFFFC60] =	vst v3  }
0x7e: {  	v3 =	vld [tilespmem:$0x410];
	_ =	sdelay $0x4  }
0x7f: {  	v3 =	vadd.f32 v3, v4;
	_ =	sdelay $0x1  }
0x80: {  	[tilespmem:s5+$0xFFFFFC70] =	vst v3  }
0x81: {  	v3 =	vld [tilespmem:$0x420];
	_ =	sdelay $0x4  }
0x82: {  	v3 =	vadd.f32 v3, v2;
	_ =	sdelay $0x1  }
0x83: {  	[tilespmem:s5+$0xFFFFFC80] =	vst v3  }
0x84: {  	v3 =	vld [tilespmem:$0x430];
	_ =	sdelay $0x4  }
0x85: {  	v3 =	vadd.f32 v3, v4;
	_ =	sdelay $0x1  }
0x86: {  	[tilespmem:s5+$0xFFFFFC90] =	vst v3  }
0x87: {  	v3 =	vld [tilespmem:$0x440];
	_ =	sdelay $0x4  }
0x88: {  	v3 =	vadd.f32 v3, v2;
	_ =	sdelay $0x1  }
0x89: {  	[tilespmem:s5+$0xFFFFFCA0] =	vst v3  }
0x8a: {  	v3 =	vld [tilespmem:$0x450];
	_ =	sdelay $0x4  }
0x8b: {  	v3 =	vadd.f32 v3, v4;
	_ =	sdelay $0x1  }
0x8c: {  	[tilespmem:s5+$0xFFFFFCB0] =	vst v3  }
0x8d: {  	v3 =	vld [tilespmem:$0x460];
	_ =	sdelay $0x4  }
0x8e: {  	v3 =	vadd.f32 v3, v2;
	_ =	sdelay $0x1  }
0x8f: {  	[tilespmem:s5+$0xFFFFFCC0] =	vst v3  }
0x90: {  	v3 =	vld [tilespmem:$0x470];
	_ =	sdelay $0x4  }
0x91: {  	v3 =	vadd.f32 v3, v4;
	_ =	sdelay $0x1  }
0x92: {  	[tilespmem:s5+$0xFFFFFCD0] =	vst v3  }
0x93: {  	v3 =	vld [tilespmem:$0x480];
	_ =	sdelay $0x4  }
0x94: {  	v3 =	vadd.f32 v3, v2;
	_ =	sdelay $0x1  }
0x95: {  	[tilespmem:s5+$0xFFFFFCE0] =	vst v3  }
0x96: {  	v3 =	vld [tilespmem:$0x490];
	_ =	sdelay $0x4  }
0x97: {  	v3 =	vadd.f32 v3, v4;
	_ =	sdelay $0x1  }
0x98: {  	[tilespmem:s5+$0xFFFFFCF0] =	vst v3  }
0x99: {  	v3 =	vld [tilespmem:$0x4A0];
	_ =	sdelay $0x4  }
0x9a: {  	v3 =	vadd.f32 v3, v2;
	_ =	sdelay $0x1  }
0x9b: {  	[tilespmem:s5+$0xFFFFFD00] =	vst v3  }
0x9c: {  	v3 =	vld [tilespmem:$0x4B0];
	_ =	sdelay $0x4  }
0x9d: {  	v3 =	vadd.f32 v3, v4;
	_ =	sdelay $0x1  }
0x9e: {  	[tilespmem:s5+$0xFFFFFD10] =	vst v3  }
0x9f: {  	v3 =	vld [tilespmem:$0x4C0];
	_ =	sdelay $0x4  }
0xa0: {  	v3 =	vadd.f32 v3, v2;
	_ =	sdelay $0x1  }
0xa1: {  	[tilespmem:s5+$0xFFFFFD20] =	vst v3  }
0xa2: {  	v3 =	vld [tilespmem:$0x4D0];
	_ =	sdelay $0x4  }
0xa3: {  	v3 =	vadd.f32 v3, v4;
	_ =	sdelay $0x1  }
0xa4: {  	[tilespmem:s5+$0xFFFFFD30] =	vst v3  }
0xa5: {  	v3 =	vld [tilespmem:$0x4E0];
	_ =	sdelay $0x4  }
0xa6: {  	v3 =	vadd.f32 v3, v2;
	_ =	sdelay $0x1  }
0xa7: {  	[tilespmem:s5+$0xFFFFFD40] =	vst v3  }
0xa8: {  	v3 =	vld [tilespmem:$0x4F0];
	_ =	sdelay $0x4  }
0xa9: {  	v3 =	vadd.f32 v3, v4;
	_ =	sdelay $0x1  }
0xaa: {  	[tilespmem:s5+$0xFFFFFD50] =	vst v3  }
0xab: {  	v3 =	vld [tilespmem:$0x500];
	_ =	sdelay $0x4  }
0xac: {  	v3 =	vadd.f32 v3, v2;
	_ =	sdelay $0x1  }
0xad: {  	[tilespmem:s5+$0xFFFFFD60] =	vst v3  }
0xae: {  	v3 =	vld [tilespmem:$0x510];
	_ =	sdelay $0x4  }
0xaf: {  	v3 =	vadd.f32 v3, v4;
	_ =	sdelay $0x1  }
0xb0: {  	[tilespmem:s5+$0xFFFFFD70] =	vst v3  }
0xb1: {  	v3 =	vld [tilespmem:$0x520];
	_ =	sdelay $0x4  }
0xb2: {  	v3 =	vadd.f32 v3, v2;
	_ =	sdelay $0x1  }
0xb3: {  	[tilespmem:s5+$0xFFFFFD80] =	vst v3  }
0xb4: {  	v3 =	vld [tilespmem:$0x530];
	_ =	sdelay $0x4  }
0xb5: {  	v3 =	vadd.f32 v3, v4;
	_ =	sdelay $0x1  }
0xb6: {  	[tilespmem:s5+$0xFFFFFD90] =	vst v3  }
0xb7: {  	v3 =	vld [tilespmem:$0x540];
	_ =	sdelay $0x4  }
0xb8: {  	v2 =	vadd.f32 v3, v2;
	_ =	sdelay $0x1  }
0xb9: {  	[tilespmem:s5+$0xFFFFFDA0] =	vst v2  }
0xba: {  	v2 =	vld [tilespmem:$0x550];
	_ =	sdelay $0x4  }
0xbb: {  	v2 =	vadd.f32 v2, v4;
	_ =	sdelay $0x1  }
0xbc: {  	[tilespmem:s5+$0xFFFFFDB0] =	vst v2  }
0xbd: {  	v2 =	vld [tilespmem:$0x340];
	_ =	sdelay $0x1  }
0xbe: {  	v54 =	vld [tilespmem:$0x3E0];
	_ =	sdelay $0x2  }
0xbf: {  	v2 =	vadd.f32 v2, v1;
	_ =	sdelay $0x1  }
0xc0: {  	v3 =	vadd.f32 v54, v2  }
0xc1: {  	v55 =	vld [tilespmem:$0x350]  }
0xc2: {  	[tilespmem:s5+$0xFFFFFDC0] =	vst v3  }
0xc3: {  	v3 =	vld [tilespmem:$0x3F0];
	_ =	sdelay $0x2  }
0xc4: {  	v4 =	vadd.f32 v55, v51;
	_ =	sdelay $0x1  }
0xc5: {  	v3 =	vadd.f32 v3, v4;
	_ =	sdelay $0x1  }
0xc6: {  	[tilespmem:s5+$0xFFFFFDD0] =	vst v3  }
0xc7: {  	v3 =	vld [tilespmem:$0x400];
	_ =	sdelay $0x4  }
0xc8: {  	v3 =	vadd.f32 v3, v2;
	_ =	sdelay $0x1  }
0xc9: {  	[tilespmem:s5+$0xFFFFFDE0] =	vst v3  }
0xca: {  	v3 =	vld [tilespmem:$0x410];
	_ =	sdelay $0x4  }
0xcb: {  	v3 =	vadd.f32 v3, v4;
	_ =	sdelay $0x1  }
0xcc: {  	[tilespmem:s5+$0xFFFFFDF0] =	vst v3  }
0xcd: {  	v3 =	vld [tilespmem:$0x420];
	_ =	sdelay $0x4  }
0xce: {  	v3 =	vadd.f32 v3, v2;
	_ =	sdelay $0x1  }
0xcf: {  	[tilespmem:s5+$0xFFFFFE00] =	vst v3  }
0xd0: {  	v3 =	vld [tilespmem:$0x430];
	_ =	sdelay $0x4  }
0xd1: {  	v3 =	vadd.f32 v3, v4;
	_ =	sdelay $0x1  }
0xd2: {  	[tilespmem:s5+$0xFFFFFE10] =	vst v3  }
0xd3: {  	v3 =	vld [tilespmem:$0x440];
	_ =	sdelay $0x4  }
0xd4: {  	v3 =	vadd.f32 v3, v2;
	_ =	sdelay $0x1  }
0xd5: {  	[tilespmem:s5+$0xFFFFFE20] =	vst v3  }
0xd6: {  	v3 =	vld [tilespmem:$0x450];
	_ =	sdelay $0x4  }
0xd7: {  	v3 =	vadd.f32 v3, v4;
	_ =	sdelay $0x1  }
0xd8: {  	[tilespmem:s5+$0xFFFFFE30] =	vst v3  }
0xd9: {  	v3 =	vld [tilespmem:$0x460];
	_ =	sdelay $0x4  }
0xda: {  	v3 =	vadd.f32 v3, v2;
	_ =	sdelay $0x1  }
0xdb: {  	[tilespmem:s5+$0xFFFFFE40] =	vst v3  }
0xdc: {  	v3 =	vld [tilespmem:$0x470];
	_ =	sdelay $0x4  }
0xdd: {  	v3 =	vadd.f32 v3, v4;
	_ =	sdelay $0x1  }
0xde: {  	[tilespmem:s5+$0xFFFFFE50] =	vst v3  }
0xdf: {  	v3 =	vld [tilespmem:$0x480];
	_ =	sdelay $0x4  }
0xe0: {  	v3 =	vadd.f32 v3, v2;
	_ =	sdelay $0x1  }
0xe1: {  	[tilespmem:s5+$0xFFFFFE60] =	vst v3  }
0xe2: {  	v3 =	vld [tilespmem:$0x490];
	_ =	sdelay $0x4  }
0xe3: {  	v3 =	vadd.f32 v3, v4;
	_ =	sdelay $0x1  }
0xe4: {  	[tilespmem:s5+$0xFFFFFE70] =	vst v3  }
0xe5: {  	v3 =	vld [tilespmem:$0x4A0];
	_ =	sdelay $0x4  }
0xe6: {  	v3 =	vadd.f32 v3, v2;
	_ =	sdelay $0x1  }
0xe7: {  	[tilespmem:s5+$0xFFFFFE80] =	vst v3  }
0xe8: {  	v3 =	vld [tilespmem:$0x4B0];
	_ =	sdelay $0x4  }
0xe9: {  	v3 =	vadd.f32 v3, v4;
	_ =	sdelay $0x1  }
0xea: {  	[tilespmem:s5+$0xFFFFFE90] =	vst v3  }
0xeb: {  	v3 =	vld [tilespmem:$0x4C0];
	_ =	sdelay $0x4  }
0xec: {  	v3 =	vadd.f32 v3, v2;
	_ =	sdelay $0x1  }
0xed: {  	[tilespmem:s5+$0xFFFFFEA0] =	vst v3  }
0xee: {  	v3 =	vld [tilespmem:$0x4D0];
	_ =	sdelay $0x4  }
0xef: {  	v3 =	vadd.f32 v3, v4;
	_ =	sdelay $0x1  }
0xf0: {  	[tilespmem:s5+$0xFFFFFEB0] =	vst v3  }
0xf1: {  	v3 =	vld [tilespmem:$0x4E0];
	_ =	sdelay $0x4  }
0xf2: {  	v3 =	vadd.f32 v3, v2;
	_ =	sdelay $0x1  }
0xf3: {  	[tilespmem:s5+$0xFFFFFEC0] =	vst v3  }
0xf4: {  	v3 =	vld [tilespmem:$0x4F0];
	_ =	sdelay $0x4  }
0xf5: {  	v3 =	vadd.f32 v3, v4;
	_ =	sdelay $0x1  }
0xf6: {  	[tilespmem:s5+$0xFFFFFED0] =	vst v3  }
0xf7: {  	v3 =	vld [tilespmem:$0x500];
	_ =	sdelay $0x4  }
0xf8: {  	v3 =	vadd.f32 v3, v2;
	_ =	sdelay $0x1  }
0xf9: {  	[tilespmem:s5+$0xFFFFFEE0] =	vst v3  }
0xfa: {  	v3 =	vld [tilespmem:$0x510];
	_ =	sdelay $0x4  }
0xfb: {  	v3 =	vadd.f32 v3, v4;
	_ =	sdelay $0x1  }
0xfc: {  	[tilespmem:s5+$0xFFFFFEF0] =	vst v3  }
0xfd: {  	v3 =	vld [tilespmem:$0x520];
	_ =	sdelay $0x4  }
0xfe: {  	v3 =	vadd.f32 v3, v2;
	_ =	sdelay $0x1  }
0xff: {  	[tilespmem:s5+$0xFFFFFF00] =	vst v3  }
0x100: {  	v3 =	vld [tilespmem:$0x530];
	_ =	sdelay $0x4  }
0x101: {  	v3 =	vadd.f32 v3, v4;
	_ =	sdelay $0x1  }
0x102: {  	[tilespmem:s5+$0xFFFFFF10] =	vst v3  }
0x103: {  	v3 =	vld [tilespmem:$0x540];
	_ =	sdelay $0x4  }
0x104: {  	v2 =	vadd.f32 v3, v2;
	_ =	sdelay $0x1  }
0x105: {  	[tilespmem:s5+$0xFFFFFF20] =	vst v2  }
0x106: {  	v2 =	vld [tilespmem:$0x550];
	_ =	sdelay $0x4  }
0x107: {  	v2 =	vadd.f32 v2, v4;
	_ =	sdelay $0x1  }
0x108: {  	[tilespmem:s5+$0xFFFFFF30] =	vst v2  }
0x109: {  	v2 =	vld [tilespmem:$0x360];
	_ =	sdelay $0x1  }
0x10a: {  	v56 =	vld [tilespmem:$0x3E0];
	_ =	sdelay $0x2  }
0x10b: {  	v2 =	vadd.f32 v2, v1;
	_ =	sdelay $0x1  }
0x10c: {  	v3 =	vadd.f32 v56, v2  }
0x10d: {  	v57 =	vld [tilespmem:$0x370]  }
0x10e: {  	[tilespmem:s5+$0xFFFFFF40] =	vst v3  }
0x10f: {  	v3 =	vld [tilespmem:$0x3F0];
	_ =	sdelay $0x2  }
0x110: {  	v4 =	vadd.f32 v57, v51;
	_ =	sdelay $0x1  }
0x111: {  	v3 =	vadd.f32 v3, v4;
	_ =	sdelay $0x1  }
0x112: {  	[tilespmem:s5+$0xFFFFFF50] =	vst v3  }
0x113: {  	v3 =	vld [tilespmem:$0x400];
	_ =	sdelay $0x4  }
0x114: {  	v3 =	vadd.f32 v3, v2;
	_ =	sdelay $0x1  }
0x115: {  	[tilespmem:s5+$0xFFFFFF60] =	vst v3  }
0x116: {  	v3 =	vld [tilespmem:$0x410];
	_ =	sdelay $0x4  }
0x117: {  	v3 =	vadd.f32 v3, v4;
	_ =	sdelay $0x1  }
0x118: {  	[tilespmem:s5+$0xFFFFFF70] =	vst v3  }
0x119: {  	v3 =	vld [tilespmem:$0x420];
	_ =	sdelay $0x4  }
0x11a: {  	v3 =	vadd.f32 v3, v2;
	_ =	sdelay $0x1  }
0x11b: {  	[tilespmem:s5+$0xFFFFFF80] =	vst v3  }
0x11c: {  	v3 =	vld [tilespmem:$0x430];
	_ =	sdelay $0x4  }
0x11d: {  	v3 =	vadd.f32 v3, v4;
	_ =	sdelay $0x1  }
0x11e: {  	[tilespmem:s5+$0xFFFFFF90] =	vst v3  }
0x11f: {  	v3 =	vld [tilespmem:$0x440];
	_ =	sdelay $0x4  }
0x120: {  	v3 =	vadd.f32 v3, v2;
	_ =	sdelay $0x1  }
0x121: {  	[tilespmem:s5+$0xFFFFFFA0] =	vst v3  }
0x122: {  	v3 =	vld [tilespmem:$0x450];
	_ =	sdelay $0x4  }
0x123: {  	v3 =	vadd.f32 v3, v4;
	_ =	sdelay $0x1  }
0x124: {  	[tilespmem:s5+$0xFFFFFFB0] =	vst v3  }
0x125: {  	v3 =	vld [tilespmem:$0x460];
	_ =	sdelay $0x4  }
0x126: {  	v3 =	vadd.f32 v3, v2;
	_ =	sdelay $0x1  }
0x127: {  	[tilespmem:s5+$0xFFFFFFC0] =	vst v3  }
0x128: {  	v3 =	vld [tilespmem:$0x470];
	_ =	sdelay $0x4  }
0x129: {  	v3 =	vadd.f32 v3, v4;
	_ =	sdelay $0x1  }
0x12a: {  	[tilespmem:s5+$0xFFFFFFD0] =	vst v3  }
0x12b: {  	v3 =	vld [tilespmem:$0x480];
	_ =	sdelay $0x4  }
0x12c: {  	v3 =	vadd.f32 v3, v2;
	_ =	sdelay $0x1  }
0x12d: {  	[tilespmem:s5+$0xFFFFFFE0] =	vst v3  }
0x12e: {  	v3 =	vld [tilespmem:$0x490];
	_ =	sdelay $0x4  }
0x12f: {  	v3 =	vadd.f32 v3, v4;
	_ =	sdelay $0x1  }
0x130: {  	[tilespmem:s5+$0xFFFFFFF0] =	vst v3  }
0x131: {  	v3 =	vld [tilespmem:$0x4A0];
	_ =	sdelay $0x4  }
0x132: {  	v3 =	vadd.f32 v3, v2;
	_ =	sdelay $0x1  }
0x133: {  	[tilespmem:s5+$0x0] =	vst v3  }
0x134: {  	v3 =	vld [tilespmem:$0x4B0];
	_ =	sdelay $0x4  }
0x135: {  	v3 =	vadd.f32 v3, v4;
	_ =	sdelay $0x1  }
0x136: {  	[tilespmem:s5+$0x10] =	vst v3  }
0x137: {  	v3 =	vld [tilespmem:$0x4C0];
	_ =	sdelay $0x4  }
0x138: {  	v3 =	vadd.f32 v3, v2;
	_ =	sdelay $0x1  }
0x139: {  	[tilespmem:s5+$0x20] =	vst v3  }
0x13a: {  	v3 =	vld [tilespmem:$0x4D0];
	_ =	sdelay $0x4  }
0x13b: {  	v3 =	vadd.f32 v3, v4;
	_ =	sdelay $0x1  }
0x13c: {  	[tilespmem:s5+$0x30] =	vst v3  }
0x13d: {  	v3 =	vld [tilespmem:$0x4E0];
	_ =	sdelay $0x4  }
0x13e: {  	v3 =	vadd.f32 v3, v2;
	_ =	sdelay $0x1  }
0x13f: {  	[tilespmem:s5+$0x40] =	vst v3  }
0x140: {  	v3 =	vld [tilespmem:$0x4F0];
	_ =	sdelay $0x4  }
0x141: {  	v3 =	vadd.f32 v3, v4;
	_ =	sdelay $0x1  }
0x142: {  	[tilespmem:s5+$0x50] =	vst v3  }
0x143: {  	v3 =	vld [tilespmem:$0x500];
	_ =	sdelay $0x4  }
0x144: {  	v3 =	vadd.f32 v3, v2;
	_ =	sdelay $0x1  }
0x145: {  	[tilespmem:s5+$0x60] =	vst v3  }
0x146: {  	v3 =	vld [tilespmem:$0x510];
	_ =	sdelay $0x4  }
0x147: {  	v3 =	vadd.f32 v3, v4;
	_ =	sdelay $0x1  }
0x148: {  	[tilespmem:s5+$0x70] =	vst v3  }
0x149: {  	v3 =	vld [tilespmem:$0x520];
	_ =	sdelay $0x4  }
0x14a: {  	v3 =	vadd.f32 v3, v2;
	_ =	sdelay $0x1  }
0x14b: {  	[tilespmem:s5+$0x80] =	vst v3  }
0x14c: {  	v3 =	vld [tilespmem:$0x530];
	_ =	sdelay $0x4  }
0x14d: {  	v3 =	vadd.f32 v3, v4;
	_ =	sdelay $0x1  }
0x14e: {  	[tilespmem:s5+$0x90] =	vst v3  }
0x14f: {  	v3 =	vld [tilespmem:$0x540];
	_ =	sdelay $0x4  }
0x150: {  	v2 =	vadd.f32 v3, v2;
	_ =	sdelay $0x1  }
0x151: {  	[tilespmem:s5+$0xA0] =	vst v2  }
0x152: {  	v2 =	vld [tilespmem:$0x550];
	_ =	sdelay $0x4  }
0x153: {  	v2 =	vadd.f32 v2, v4;
	_ =	sdelay $0x1  }
0x154: {  	[tilespmem:s5+$0xB0] =	vst v2  }
0x155: {  	v2 =	vld [tilespmem:$0x380];
	_ =	sdelay $0x1  }
0x156: {  	v58 =	vld [tilespmem:$0x3E0];
	_ =	sdelay $0x2  }
0x157: {  	v2 =	vadd.f32 v2, v1;
	_ =	sdelay $0x1  }
0x158: {  	v3 =	vadd.f32 v58, v2  }
0x159: {  	v59 =	vld [tilespmem:$0x390]  }
0x15a: {  	[tilespmem:s5+$0xC0] =	vst v3  }
0x15b: {  	v3 =	vld [tilespmem:$0x3F0];
	_ =	sdelay $0x2  }
0x15c: {  	v4 =	vadd.f32 v59, v51;
	_ =	sdelay $0x1  }
0x15d: {  	v3 =	vadd.f32 v3, v4;
	_ =	sdelay $0x1  }
0x15e: {  	[tilespmem:s5+$0xD0] =	vst v3  }
0x15f: {  	v3 =	vld [tilespmem:$0x400];
	_ =	sdelay $0x4  }
0x160: {  	v3 =	vadd.f32 v3, v2;
	_ =	sdelay $0x1  }
0x161: {  	[tilespmem:s5+$0xE0] =	vst v3  }
0x162: {  	v3 =	vld [tilespmem:$0x410];
	_ =	sdelay $0x4  }
0x163: {  	v3 =	vadd.f32 v3, v4;
	_ =	sdelay $0x1  }
0x164: {  	[tilespmem:s5+$0xF0] =	vst v3  }
0x165: {  	v3 =	vld [tilespmem:$0x420];
	_ =	sdelay $0x4  }
0x166: {  	v3 =	vadd.f32 v3, v2;
	_ =	sdelay $0x1  }
0x167: {  	[tilespmem:s5+$0x100] =	vst v3  }
0x168: {  	v3 =	vld [tilespmem:$0x430];
	_ =	sdelay $0x4  }
0x169: {  	v3 =	vadd.f32 v3, v4;
	_ =	sdelay $0x1  }
0x16a: {  	[tilespmem:s5+$0x110] =	vst v3  }
0x16b: {  	v3 =	vld [tilespmem:$0x440];
	_ =	sdelay $0x4  }
0x16c: {  	v3 =	vadd.f32 v3, v2;
	_ =	sdelay $0x1  }
0x16d: {  	[tilespmem:s5+$0x120] =	vst v3  }
0x16e: {  	v3 =	vld [tilespmem:$0x450];
	_ =	sdelay $0x4  }
0x16f: {  	v3 =	vadd.f32 v3, v4;
	_ =	sdelay $0x1  }
0x170: {  	[tilespmem:s5+$0x130] =	vst v3  }
0x171: {  	v3 =	vld [tilespmem:$0x460];
	_ =	sdelay $0x4  }
0x172: {  	v3 =	vadd.f32 v3, v2;
	_ =	sdelay $0x1  }
0x173: {  	[tilespmem:s5+$0x140] =	vst v3  }
0x174: {  	v3 =	vld [tilespmem:$0x470];
	_ =	sdelay $0x4  }
0x175: {  	v3 =	vadd.f32 v3, v4;
	_ =	sdelay $0x1  }
0x176: {  	[tilespmem:s5+$0x150] =	vst v3  }
0x177: {  	v3 =	vld [tilespmem:$0x480];
	_ =	sdelay $0x4  }
0x178: {  	v3 =	vadd.f32 v3, v2;
	_ =	sdelay $0x1  }
0x179: {  	[tilespmem:s5+$0x160] =	vst v3  }
0x17a: {  	v3 =	vld [tilespmem:$0x490];
	_ =	sdelay $0x4  }
0x17b: {  	v3 =	vadd.f32 v3, v4;
	_ =	sdelay $0x1  }
0x17c: {  	[tilespmem:s5+$0x170] =	vst v3  }
0x17d: {  	v3 =	vld [tilespmem:$0x4A0];
	_ =	sdelay $0x4  }
0x17e: {  	v3 =	vadd.f32 v3, v2;
	_ =	sdelay $0x1  }
0x17f: {  	[tilespmem:s5+$0x180] =	vst v3  }
0x180: {  	v3 =	vld [tilespmem:$0x4B0];
	_ =	sdelay $0x4  }
0x181: {  	v3 =	vadd.f32 v3, v4;
	_ =	sdelay $0x1  }
0x182: {  	[tilespmem:s5+$0x190] =	vst v3  }
0x183: {  	v3 =	vld [tilespmem:$0x4C0];
	_ =	sdelay $0x4  }
0x184: {  	v3 =	vadd.f32 v3, v2;
	_ =	sdelay $0x1  }
0x185: {  	[tilespmem:s5+$0x1A0] =	vst v3  }
0x186: {  	v3 =	vld [tilespmem:$0x4D0];
	_ =	sdelay $0x4  }
0x187: {  	v3 =	vadd.f32 v3, v4;
	_ =	sdelay $0x1  }
0x188: {  	[tilespmem:s5+$0x1B0] =	vst v3  }
0x189: {  	v3 =	vld [tilespmem:$0x4E0];
	_ =	sdelay $0x4  }
0x18a: {  	v3 =	vadd.f32 v3, v2;
	_ =	sdelay $0x1  }
0x18b: {  	[tilespmem:s5+$0x1C0] =	vst v3  }
0x18c: {  	v3 =	vld [tilespmem:$0x4F0];
	_ =	sdelay $0x4  }
0x18d: {  	v3 =	vadd.f32 v3, v4;
	_ =	sdelay $0x1  }
0x18e: {  	[tilespmem:s5+$0x1D0] =	vst v3  }
0x18f: {  	v3 =	vld [tilespmem:$0x500];
	_ =	sdelay $0x4  }
0x190: {  	v3 =	vadd.f32 v3, v2;
	_ =	sdelay $0x1  }
0x191: {  	[tilespmem:s5+$0x1E0] =	vst v3  }
0x192: {  	v3 =	vld [tilespmem:$0x510];
	_ =	sdelay $0x4  }
0x193: {  	v3 =	vadd.f32 v3, v4;
	_ =	sdelay $0x1  }
0x194: {  	[tilespmem:s5+$0x1F0] =	vst v3  }
0x195: {  	v3 =	vld [tilespmem:$0x520];
	_ =	sdelay $0x4  }
0x196: {  	v3 =	vadd.f32 v3, v2;
	_ =	sdelay $0x1  }
0x197: {  	[tilespmem:s5+$0x200] =	vst v3  }
0x198: {  	v3 =	vld [tilespmem:$0x530];
	_ =	sdelay $0x4  }
0x199: {  	v3 =	vadd.f32 v3, v4;
	_ =	sdelay $0x1  }
0x19a: {  	[tilespmem:s5+$0x210] =	vst v3  }
0x19b: {  	v3 =	vld [tilespmem:$0x540];
	_ =	sdelay $0x4  }
0x19c: {  	v2 =	vadd.f32 v3, v2;
	_ =	sdelay $0x1  }
0x19d: {  	[tilespmem:s5+$0x220] =	vst v2  }
0x19e: {  	v2 =	vld [tilespmem:$0x550];
	_ =	sdelay $0x4  }
0x19f: {  	v2 =	vadd.f32 v2, v4;
	_ =	sdelay $0x1  }
0x1a0: {  	[tilespmem:s5+$0x230] =	vst v2  }
0x1a1: {  	v2 =	vld [tilespmem:$0x3A0];
	_ =	sdelay $0x1  }
0x1a2: {  	v60 =	vld [tilespmem:$0x3E0];
	_ =	sdelay $0x2  }
0x1a3: {  	v2 =	vadd.f32 v2, v1;
	_ =	sdelay $0x1  }
0x1a4: {  	v3 =	vadd.f32 v60, v2  }
0x1a5: {  	v61 =	vld [tilespmem:$0x3B0]  }
0x1a6: {  	[tilespmem:s5+$0x240] =	vst v3  }
0x1a7: {  	v3 =	vld [tilespmem:$0x3F0];
	_ =	sdelay $0x2  }
0x1a8: {  	v4 =	vadd.f32 v61, v51;
	_ =	sdelay $0x1  }
0x1a9: {  	v3 =	vadd.f32 v3, v4;
	_ =	sdelay $0x1  }
0x1aa: {  	[tilespmem:s5+$0x250] =	vst v3  }
0x1ab: {  	v3 =	vld [tilespmem:$0x400];
	_ =	sdelay $0x4  }
0x1ac: {  	v3 =	vadd.f32 v3, v2;
	_ =	sdelay $0x1  }
0x1ad: {  	[tilespmem:s5+$0x260] =	vst v3  }
0x1ae: {  	v3 =	vld [tilespmem:$0x410];
	_ =	sdelay $0x4  }
0x1af: {  	v3 =	vadd.f32 v3, v4;
	_ =	sdelay $0x1  }
0x1b0: {  	[tilespmem:s5+$0x270] =	vst v3  }
0x1b1: {  	v3 =	vld [tilespmem:$0x420];
	_ =	sdelay $0x4  }
0x1b2: {  	v3 =	vadd.f32 v3, v2;
	_ =	sdelay $0x1  }
0x1b3: {  	[tilespmem:s5+$0x280] =	vst v3  }
0x1b4: {  	v3 =	vld [tilespmem:$0x430];
	_ =	sdelay $0x4  }
0x1b5: {  	v3 =	vadd.f32 v3, v4;
	_ =	sdelay $0x1  }
0x1b6: {  	[tilespmem:s5+$0x290] =	vst v3  }
0x1b7: {  	v3 =	vld [tilespmem:$0x440];
	_ =	sdelay $0x4  }
0x1b8: {  	v3 =	vadd.f32 v3, v2;
	_ =	sdelay $0x1  }
0x1b9: {  	[tilespmem:s5+$0x2A0] =	vst v3  }
0x1ba: {  	v3 =	vld [tilespmem:$0x450];
	_ =	sdelay $0x4  }
0x1bb: {  	v3 =	vadd.f32 v3, v4;
	_ =	sdelay $0x1  }
0x1bc: {  	[tilespmem:s5+$0x2B0] =	vst v3  }
0x1bd: {  	v3 =	vld [tilespmem:$0x460];
	_ =	sdelay $0x4  }
0x1be: {  	v3 =	vadd.f32 v3, v2;
	_ =	sdelay $0x1  }
0x1bf: {  	[tilespmem:s5+$0x2C0] =	vst v3  }
0x1c0: {  	v3 =	vld [tilespmem:$0x470];
	_ =	sdelay $0x4  }
0x1c1: {  	v3 =	vadd.f32 v3, v4;
	_ =	sdelay $0x1  }
0x1c2: {  	[tilespmem:s5+$0x2D0] =	vst v3  }
0x1c3: {  	v3 =	vld [tilespmem:$0x480];
	_ =	sdelay $0x4  }
0x1c4: {  	v3 =	vadd.f32 v3, v2;
	_ =	sdelay $0x1  }
0x1c5: {  	[tilespmem:s5+$0x2E0] =	vst v3  }
0x1c6: {  	v3 =	vld [tilespmem:$0x490];
	_ =	sdelay $0x4  }
0x1c7: {  	v3 =	vadd.f32 v3, v4;
	_ =	sdelay $0x1  }
0x1c8: {  	[tilespmem:s5+$0x2F0] =	vst v3  }
0x1c9: {  	v3 =	vld [tilespmem:$0x4A0];
	_ =	sdelay $0x4  }
0x1ca: {  	v3 =	vadd.f32 v3, v2;
	_ =	sdelay $0x1  }
0x1cb: {  	[tilespmem:s5+$0x300] =	vst v3  }
0x1cc: {  	v3 =	vld [tilespmem:$0x4B0];
	_ =	sdelay $0x4  }
0x1cd: {  	v3 =	vadd.f32 v3, v4;
	_ =	sdelay $0x1  }
0x1ce: {  	[tilespmem:s5+$0x310] =	vst v3  }
0x1cf: {  	v3 =	vld [tilespmem:$0x4C0];
	_ =	sdelay $0x4  }
0x1d0: {  	v3 =	vadd.f32 v3, v2;
	_ =	sdelay $0x1  }
0x1d1: {  	[tilespmem:s5+$0x320] =	vst v3  }
0x1d2: {  	v3 =	vld [tilespmem:$0x4D0];
	_ =	sdelay $0x4  }
0x1d3: {  	v3 =	vadd.f32 v3, v4;
	_ =	sdelay $0x1  }
0x1d4: {  	[tilespmem:s5+$0x330] =	vst v3  }
0x1d5: {  	v3 =	vld [tilespmem:$0x4E0];
	_ =	sdelay $0x4  }
0x1d6: {  	v3 =	vadd.f32 v3, v2;
	_ =	sdelay $0x1  }
0x1d7: {  	[tilespmem:s5+$0x340] =	vst v3  }
0x1d8: {  	v3 =	vld [tilespmem:$0x4F0];
	_ =	sdelay $0x4  }
0x1d9: {  	v3 =	vadd.f32 v3, v4;
	_ =	sdelay $0x1  }
0x1da: {  	[tilespmem:s5+$0x350] =	vst v3  }
0x1db: {  	v3 =	vld [tilespmem:$0x500];
	_ =	sdelay $0x4  }
0x1dc: {  	v3 =	vadd.f32 v3, v2;
	_ =	sdelay $0x1  }
0x1dd: {  	[tilespmem:s5+$0x360] =	vst v3  }
0x1de: {  	v3 =	vld [tilespmem:$0x510];
	_ =	sdelay $0x4  }
0x1df: {  	v3 =	vadd.f32 v3, v4;
	_ =	sdelay $0x1  }
0x1e0: {  	[tilespmem:s5+$0x370] =	vst v3  }
0x1e1: {  	v3 =	vld [tilespmem:$0x520];
	_ =	sdelay $0x4  }
0x1e2: {  	v3 =	vadd.f32 v3, v2;
	_ =	sdelay $0x1  }
0x1e3: {  	[tilespmem:s5+$0x380] =	vst v3  }
0x1e4: {  	v3 =	vld [tilespmem:$0x530];
	_ =	sdelay $0x4  }
0x1e5: {  	v3 =	vadd.f32 v3, v4;
	_ =	sdelay $0x1  }
0x1e6: {  	[tilespmem:s5+$0x390] =	vst v3  }
0x1e7: {  	v3 =	vld [tilespmem:$0x540];
	_ =	sdelay $0x4  }
0x1e8: {  	v2 =	vadd.f32 v3, v2;
	_ =	sdelay $0x1  }
0x1e9: {  	[tilespmem:s5+$0x3A0] =	vst v2  }
0x1ea: {  	v2 =	vld [tilespmem:$0x550];
	_ =	sdelay $0x4  }
0x1eb: {  	v2 =	vadd.f32 v2, v4;
	_ =	sdelay $0x1  }
0x1ec: {  	[tilespmem:s5+$0x3B0] =	vst v2  }
0x1ed: {  	v2 =	vld [tilespmem:$0x3C0];
	_ =	sdelay $0x1  }
0x1ee: {  	v62 =	vld [tilespmem:$0x3E0];
	_ =	sdelay $0x2  }
0x1ef: {  	v1 =	vadd.f32 v2, v1;
	_ =	sdelay $0x1  }
0x1f0: {  	v2 =	vadd.f32 v62, v1  }
0x1f1: {  	v63 =	vld [tilespmem:$0x3D0]  }
0x1f2: {  	[tilespmem:s5+$0x3C0] =	vst v2  }
0x1f3: {  	v2 =	vld [tilespmem:$0x3F0];
	_ =	sdelay $0x2  }
0x1f4: {  	v0 =	vadd.f32 v63, v51;
	_ =	sdelay $0x1  }
0x1f5: {  	v2 =	vadd.f32 v2, v0;
	_ =	sdelay $0x1  }
0x1f6: {  	[tilespmem:s5+$0x3D0] =	vst v2  }
0x1f7: {  	v2 =	vld [tilespmem:$0x400];
	_ =	sdelay $0x4  }
0x1f8: {  	v2 =	vadd.f32 v2, v1;
	_ =	sdelay $0x1  }
0x1f9: {  	[tilespmem:s5+$0x3E0] =	vst v2  }
0x1fa: {  	v2 =	vld [tilespmem:$0x410];
	_ =	sdelay $0x4  }
0x1fb: {  	v2 =	vadd.f32 v2, v0;
	_ =	sdelay $0x1  }
0x1fc: {  	[tilespmem:s5+$0x3F0] =	vst v2  }
0x1fd: {  	v2 =	vld [tilespmem:$0x420];
	_ =	sdelay $0x4  }
0x1fe: {  	v2 =	vadd.f32 v2, v1;
	_ =	sdelay $0x1  }
0x1ff: {  	[tilespmem:s5+$0x400] =	vst v2  }
0x200: {  	v2 =	vld [tilespmem:$0x430];
	_ =	sdelay $0x4  }
0x201: {  	v2 =	vadd.f32 v2, v0;
	_ =	sdelay $0x1  }
0x202: {  	[tilespmem:s5+$0x410] =	vst v2  }
0x203: {  	v2 =	vld [tilespmem:$0x440];
	_ =	sdelay $0x4  }
0x204: {  	v2 =	vadd.f32 v2, v1;
	_ =	sdelay $0x1  }
0x205: {  	[tilespmem:s5+$0x420] =	vst v2  }
0x206: {  	v2 =	vld [tilespmem:$0x450];
	_ =	sdelay $0x4  }
0x207: {  	v2 =	vadd.f32 v2, v0;
	_ =	sdelay $0x1  }
0x208: {  	[tilespmem:s5+$0x430] =	vst v2  }
0x209: {  	v2 =	vld [tilespmem:$0x460];
	_ =	sdelay $0x4  }
0x20a: {  	v2 =	vadd.f32 v2, v1;
	_ =	sdelay $0x1  }
0x20b: {  	[tilespmem:s5+$0x440] =	vst v2  }
0x20c: {  	v2 =	vld [tilespmem:$0x470];
	_ =	sdelay $0x4  }
0x20d: {  	v2 =	vadd.f32 v2, v0;
	_ =	sdelay $0x1  }
0x20e: {  	[tilespmem:s5+$0x450] =	vst v2  }
0x20f: {  	v2 =	vld [tilespmem:$0x480];
	_ =	sdelay $0x4  }
0x210: {  	v2 =	vadd.f32 v2, v1;
	_ =	sdelay $0x1  }
0x211: {  	[tilespmem:s5+$0x460] =	vst v2  }
0x212: {  	v2 =	vld [tilespmem:$0x490];
	_ =	sdelay $0x4  }
0x213: {  	v2 =	vadd.f32 v2, v0;
	_ =	sdelay $0x1  }
0x214: {  	[tilespmem:s5+$0x470] =	vst v2  }
0x215: {  	v2 =	vld [tilespmem:$0x4A0];
	_ =	sdelay $0x4  }
0x216: {  	v2 =	vadd.f32 v2, v1;
	_ =	sdelay $0x1  }
0x217: {  	[tilespmem:s5+$0x480] =	vst v2  }
0x218: {  	v2 =	vld [tilespmem:$0x4B0];
	_ =	sdelay $0x4  }
0x219: {  	v2 =	vadd.f32 v2, v0;
	_ =	sdelay $0x1  }
0x21a: {  	[tilespmem:s5+$0x490] =	vst v2  }
0x21b: {  	v2 =	vld [tilespmem:$0x4C0];
	_ =	sdelay $0x4  }
0x21c: {  	v2 =	vadd.f32 v2, v1;
	_ =	sdelay $0x1  }
0x21d: {  	[tilespmem:s5+$0x4A0] =	vst v2  }
0x21e: {  	v2 =	vld [tilespmem:$0x4D0];
	_ =	sdelay $0x4  }
0x21f: {  	v2 =	vadd.f32 v2, v0;
	_ =	sdelay $0x1  }
0x220: {  	[tilespmem:s5+$0x4B0] =	vst v2  }
0x221: {  	v2 =	vld [tilespmem:$0x4E0];
	_ =	sdelay $0x4  }
0x222: {  	v2 =	vadd.f32 v2, v1;
	_ =	sdelay $0x1  }
0x223: {  	[tilespmem:s5+$0x4C0] =	vst v2  }
0x224: {  	v2 =	vld [tilespmem:$0x4F0];
	_ =	sdelay $0x4  }
0x225: {  	v2 =	vadd.f32 v2, v0;
	_ =	sdelay $0x1  }
0x226: {  	[tilespmem:s5+$0x4D0] =	vst v2  }
0x227: {  	v2 =	vld [tilespmem:$0x500];
	_ =	sdelay $0x4  }
0x228: {  	v2 =	vadd.f32 v2, v1;
	_ =	sdelay $0x1  }
0x229: {  	[tilespmem:s5+$0x4E0] =	vst v2  }
0x22a: {  	v2 =	vld [tilespmem:$0x510];
	_ =	sdelay $0x4  }
0x22b: {  	v2 =	vadd.f32 v2, v0;
	_ =	sdelay $0x1  }
0x22c: {  	[tilespmem:s5+$0x4F0] =	vst v2  }
0x22d: {  	v2 =	vld [tilespmem:$0x520];
	_ =	sdelay $0x4  }
0x22e: {  	v2 =	vadd.f32 v2, v1;
	_ =	sdelay $0x1  }
0x22f: {  	[tilespmem:s5+$0x500] =	vst v2  }
0x230: {  	v2 =	vld [tilespmem:$0x530];
	_ =	sdelay $0x4  }
0x231: {  	v2 =	vadd.f32 v2, v0;
	_ =	sdelay $0x1  }
0x232: {  	[tilespmem:s5+$0x510] =	vst v2  }
0x233: {  	v2 =	vld [tilespmem:$0x540];
	_ =	sdelay $0x4  }
0x234: {  	v1 =	vadd.f32 v2, v1;
	_ =	sdelay $0x1  }
0x235: {  	[tilespmem:s5+$0x520] =	vst v1  }
0x236: {  	v1 =	vld [tilespmem:$0x550];
	_ =	sdelay $0x1  }
0x237: {  	p1 =	sne.s32 s4, $0xB80  }
.Ltmp1:
0x238: {  	_ = 	snop;
	(pc) =	sbr.rel @p1 .LBB2_3-.Ltmp1, $3  }
0x239: {  	_ = 	snop  }
0x23a: {  	v0 =	vadd.f32 v1, v0;
	_ =	sdelay $0x1  }
0x23b: {  	s4 =	sadd.s32 $0x80, s4;
	[tilespmem:s5+$0x530] =	vst v0;
	s5 =	sadd.s32 $0xA80, s5  }
0x23c: {  	s4 =	simm.s32 $0x560;
	s21 =	simm.s32 $0x7  }
0x23d: {  	[spmem:s8] =	stream.linear.scatter [tilespmem:s4], [sflag:$0x7], $0xFC00, $0x38;
	[tilespmem:$0x1C520] =	vst v63  }
0x23e: {  	_ =	swait.ge [sflag:s21], $0xFC00  }
0x23f: {  	[sflag:s21] =	ssyncset.done $0x0  }
0x240: {  	[sflag:s21] =	ssyncadd.s32 $0xFFFF0400  }
.LBB2_5:
0x241: {  	[bflag:$0x0] =	sbarrier.arrive $0xFFFF  }
0x242: {  	s4 =	simm.s32 $0x0;
	s11 =	simm.s32 $0x11120;
	s5 =	rddreg [dreg:$0x9]  }
0x243: {  	[tilespmem:s11], [sflag:$0x1] =	stream.linear.gather [hbm4b:s5+s4], $0x280, $0x38;
	[tilespmem:$0x1C520] =	vst v63  }
0x244: {  	s19 =	simm.s32 $0x113A0;
	s18 =	rddreg [dreg:$0xa]  }
0x245: {  	[tilespmem:s19], [sflag:$0x1] =	stream.linear.gather [hbm4b:s18+s4], $0x280, $0x38;
	[tilespmem:$0x1C520] =	vst v63  }
0x246: {  	s21 =	simm.s32 $0x11620;
	s20 =	rddreg [dreg:$0xb]  }
0x247: {  	[tilespmem:s21], [sflag:$0x1] =	stream.linear.gather [hbm4b:s20+s4], $0x280, $0x38;
	[tilespmem:$0x1C520] =	vst v63  }
.LBB2_6:
0x248: {  	s18 =	smul.u32 $0x500, s4;
	_ =	sdelay $0x1  }
0x249: {  	s5 =	sadd.s32 s18, s14  }
0x24a: {  	s11 =	sshrl.u32 s5, $0x3  }
0x24b: {  	s19 =	simm.s32 $0x16B20;
	s13 =	sadd.s32 s0, s11  }
0x24c: {  	[tilespmem:s19], [sflag:$0x2] =	stream.linear.gather [hbm4b:s13+s9], $0x280, $0x38;
	[tilespmem:$0x1C520] =	vst v63  }
0x24d: {  	s21 =	simm.s32 $0x16DA0;
	s20 =	sadd.s32 s1, s11  }
0x24e: {  	[tilespmem:s21], [sflag:$0x2] =	stream.linear.gather [hbm4b:s20+s9], $0x280, $0x38;
	[tilespmem:$0x1C520] =	vst v63  }
0x24f: {  	s11 =	sadd.s32 s2, s11;
	s19 =	simm.s32 $0x17020  }
0x250: {  	[tilespmem:s19], [sflag:$0x2] =	stream.linear.gather [hbm4b:s11+s9], $0x280, $0x38;
	[tilespmem:$0x1C520] =	vst v63  }
0x251: {  	_ =	swait.ge [sflag:s28], $0x280  }
0x252: {  	[sflag:s28] =	ssyncset.done $0x0  }
0x253: {  	[sflag:s28] =	ssyncadd.s32 $0xFFFFFD80  }
0x254: {  	_ =	swait.ge [sflag:s28], $0x280  }
0x255: {  	[sflag:s28] =	ssyncset.done $0x0  }
0x256: {  	[sflag:s28] =	ssyncadd.s32 $0xFFFFFD80  }
0x257: {  	_ =	swait.ge [sflag:s28], $0x280  }
0x258: {  	[sflag:s28] =	ssyncset.done $0x0  }
0x259: {  	s20 =	simm.s32 $0x11140;
	[sflag:s28] =	ssyncadd.s32 $0xFFFFFD80  }
0x25a: {  	s19 =	simm.s32 $0x113C0;
	v0 =	vld [tilespmem:s20+$0x10]  }
0x25b: {  	v1 =	vld [tilespmem:s19+$0x10]  }
0x25c: {  	v4 =	vld [tilespmem:s19+$0xFFFFFFE0]  }
0x25d: {  	s21 =	simm.s32 $0x11640;
	v6 =	vld [tilespmem:s20+$0xFFFFFFF0]  }
0x25e: {  	v5 =	vld [tilespmem:s21+$0x10]  }
0x25f: {  	v7 =	vld [tilespmem:s19+$0xFFFFFFF0]  }
0x260: {  	v9 =	vld [tilespmem:s20+$0x0]  }
0x261: {  	v2 =	vld [tilespmem:s19+$0x0];
	v0 =	vmul.u32 $0x54, v0;
	v1 =	vmul.u32 $0xC, v1  }
0x262: {  	v3 =	vld [tilespmem:s20+$0xFFFFFFE0]  }
0x263: {  	v6 =	vmul.u32 $0x54, v6;
	v8 =	vadd.s32 v0, v1;
	v0 =	vld [tilespmem:s21+$0xFFFFFFE0]  }
0x264: {  	s20 =	simm.s32 $0x168C0;
	v1 =	vmul.u32 $0xC, v4;
	v4 =	vadd.s32 v5, v8;
	v5 =	vld [tilespmem:s21+$0xFFFFFFF0];
	v8 =	vmul.u32 $0xC, v7  }
0x265: {  	s13 =	simm.s32 $0x11180;
	s11 =	simm.s32 $0x0;
	v7 =	vmul.u32 $0x54, v9;
	[tilespmem:s20+$0x10] =	vst v4;
	v4 =	vld [tilespmem:s21+$0x0]  }
.LBB2_7:
0x266: {  	v9 =	vld [tilespmem:s13+$0x10];
	v6 =	vadd.s32 v6, v8;
	v2 =	vmul.u32 $0xC, v2;
	s19 =	sadd.s32 $0x40, s19  }
0x267: {  	s11 =	sadd.s32 $0x4, s11;
	v8 =	vld [tilespmem:s19+$0x10];
	v3 =	vmul.u32 $0x54, v3  }
0x268: {  	p1 =	slt.u32 s11, $0x24;
	v10 =	vld [tilespmem:s19+$0xFFFFFFE0];
	v2 =	vadd.s32 v7, v2  }
0x269: {  	s21 =	sadd.s32 $0x40, s21;
	v7 =	vld [tilespmem:s13+$0xFFFFFFF0];
	v1 =	vadd.s32 v3, v1;
	v3 =	vadd.s32 v5, v6  }
0x26a: {  	v5 =	vld [tilespmem:s21+$0x10];
	v0 =	vadd.s32 v0, v1;
	[tilespmem:s20+$0xFFFFFFF0] =	vst v3;
	v1 =	vadd.s32 v4, v2  }
0x26b: {  	v4 =	vld [tilespmem:s19+$0xFFFFFFF0];
	[tilespmem:s20+$0xFFFFFFE0] =	vst v0  }
0x26c: {  	v0 =	vmul.u32 $0x54, v9;
	v11 =	vld [tilespmem:s13+$0x0];
	v8 =	vmul.u32 $0xC, v8;
	[tilespmem:s20+$0x0] =	vst v1  }
.Ltmp2:
0x26d: {  	v1 =	vmul.u32 $0xC, v10;
	v2 =	vld [tilespmem:s19+$0x0];
	(pc) =	sbr.rel @p1 .LBB2_7-.Ltmp2, $4  }
0x26e: {  	v3 =	vld [tilespmem:s13+$0xFFFFFFE0];
	v6 =	vmul.u32 $0x54, v7;
	v7 =	vadd.s32 v0, v8  }
0x26f: {  	s20 =	sadd.s32 $0x40, s20;
	v0 =	vld [tilespmem:s21+$0xFFFFFFE0];
	v7 =	vadd.s32 v5, v7  }
0x270: {  	v5 =	vld [tilespmem:s21+$0xFFFFFFF0];
	v8 =	vmul.u32 $0xC, v4;
	[tilespmem:s20+$0x10] =	vst v7  }
0x271: {  	s13 =	sadd.s32 $0x40, s13;
	v4 =	vld [tilespmem:s21+$0x0];
	v7 =	vmul.u32 $0x54, v11  }
0x272: {  	_ = 	snop  }
0x273: {  	v3 =	vmul.u32 $0x54, v3  }
0x274: {  	v6 =	vadd.s32 v6, v8;
	v2 =	vmul.u32 $0xC, v2  }
0x275: {  	v1 =	vadd.s32 v3, v1;
	v3 =	vadd.s32 v5, v6  }
0x276: {  	v2 =	vadd.s32 v7, v2;
	v0 =	vadd.s32 v0, v1;
	[tilespmem:s20+$0xFFFFFFF0] =	vst v3  }
0x277: {  	p1 =	seq.s32 s4, $0x0;
	v1 =	vadd.s32 v4, v2;
	[tilespmem:s20+$0xFFFFFFE0] =	vst v0  }
0x278: {  	s11 =	simm.s32 @!p1 $0x3;
	[tilespmem:s20+$0x0] =	vst v1  }
0x279: {  	_ =	swait.ge @!p1 [sflag:s11], $0x5000  }
0x27a: {  	[sflag:s11] =	ssyncset.done @!p1 $0x0  }
0x27b: {  	s20 =	simm.s32 $0x168A0;
	[sflag:s11] =	ssyncadd.s32 @!p1 $0xFFFFB000  }
0x27c: {  	[tilespmem:s31], [sflag:$0x5] =	stream.indirect.gather [spmem:s8], $0x20, s20, s29, $0xb8;
	[tilespmem:$0x1C520] =	vst v63  }
0x27d: {  	s21 =	simm.s32 $0x16920;
	s13 =	simm.s32 $0x128A0  }
0x27e: {  	[tilespmem:s13], [sflag:$0x5] =	stream.indirect.gather [spmem:s8], $0x20, s21, s29, $0xb8;
	[tilespmem:$0x1C520] =	vst v63  }
0x27f: {  	s19 =	simm.s32 $0x138A0;
	s13 =	simm.s32 $0x169A0  }
0x280: {  	[tilespmem:s19], [sflag:$0x5] =	stream.indirect.gather [spmem:s8], $0x20, s13, s29, $0xb8;
	[tilespmem:$0x1C520] =	vst v63  }
0x281: {  	s20 =	simm.s32 $0x16A20;
	s21 =	simm.s32 $0x148A0  }
0x282: {  	[tilespmem:s21], [sflag:$0x5] =	stream.indirect.gather [spmem:s8], $0x20, s20, s29, $0xb8;
	[tilespmem:$0x1C520] =	vst v63  }
0x283: {  	s13 =	simm.s32 $0x16AA0;
	s19 =	simm.s32 $0x158A0  }
0x284: {  	[tilespmem:s19], [sflag:$0x5] =	stream.indirect.gather [spmem:s8], $0x20, s13, s29, $0xb8;
	[tilespmem:$0x1C520] =	vst v63  }
0x285: {  	_ =	swait.ge [sflag:s22], $0x1000  }
0x286: {  	[sflag:s22] =	ssyncset.done $0x0  }
0x287: {  	[sflag:s22] =	ssyncadd.s32 $0xFFFFF000  }
0x288: {  	_ =	swait.ge [sflag:s22], $0x1000  }
0x289: {  	[sflag:s22] =	ssyncset.done $0x0  }
0x28a: {  	[sflag:s22] =	ssyncadd.s32 $0xFFFFF000  }
0x28b: {  	_ =	swait.ge [sflag:s22], $0x1000  }
0x28c: {  	[sflag:s22] =	ssyncset.done $0x0  }
0x28d: {  	[sflag:s22] =	ssyncadd.s32 $0xFFFFF000  }
0x28e: {  	_ =	swait.ge [sflag:s22], $0x1000  }
0x28f: {  	[sflag:s22] =	ssyncset.done $0x0  }
0x290: {  	[sflag:s22] =	ssyncadd.s32 $0xFFFFF000  }
0x291: {  	s20 =	sadd.s32 s10, s18;
	_ =	swait.ge [sflag:s22], $0x1000  }
0x292: {  	s11 =	sshll.u32 s20, $0x2;
	[sflag:s22] =	ssyncset.done $0x0  }
0x293: {  	p2 =	seq.s32 s4, $0x4F;
	s11 =	sadd.s32 s6, s11;
	[sflag:s22] =	ssyncadd.s32 $0xFFFFF000  }
0x294: {  	[hbm4b:s11+s9] =	stream.linear.scatter [tilespmem:s31], [sflag:$0x3], $0x5000, $0x38;
	[tilespmem:$0x1C520] =	vst v63  }
0x295: {  	s11 =	sadd.s32 @!p2 s18, s15  }
0x296: {  	s11 =	sshrl.u32 @!p2 s11, $0x3  }
0x297: {  	s19 =	simm.s32 @!p2 $0x11120;
	s18 =	simm.s32 @!p2 $0x0;
	s13 =	sadd.s32 @!p2 s0, s11  }
0x298: {  	[tilespmem:s19], [sflag:$0x1] =	stream.linear.gather @!p2 [hbm4b:s13+s18], $0x280, $0x38;
	[tilespmem:$0x1C520] =	vst v63  }
0x299: {  	s13 =	sadd.s32 @!p2 s1, s11;
	s19 =	simm.s32 @!p2 $0x113A0  }
0x29a: {  	[tilespmem:s19], [sflag:$0x1] =	stream.linear.gather @!p2 [hbm4b:s13+s18], $0x280, $0x38;
	[tilespmem:$0x1C520] =	vst v63  }
0x29b: {  	s11 =	sadd.s32 @!p2 s2, s11;
	s13 =	simm.s32 @!p2 $0x11620  }
0x29c: {  	[tilespmem:s13], [sflag:$0x1] =	stream.linear.gather @!p2 [hbm4b:s11+s18], $0x280, $0x38;
	[tilespmem:$0x1C520] =	vst v63  }
0x29d: {  	_ =	swait.ge [sflag:s23], $0x280  }
0x29e: {  	[sflag:s23] =	ssyncset.done $0x0  }
0x29f: {  	[sflag:s23] =	ssyncadd.s32 $0xFFFFFD80  }
0x2a0: {  	_ =	swait.ge [sflag:s23], $0x280  }
0x2a1: {  	[sflag:s23] =	ssyncset.done $0x0  }
0x2a2: {  	[sflag:s23] =	ssyncadd.s32 $0xFFFFFD80  }
0x2a3: {  	_ =	swait.ge [sflag:s23], $0x280  }
0x2a4: {  	[sflag:s23] =	ssyncset.done $0x0  }
0x2a5: {  	s21 =	simm.s32 $0x16B40;
	[sflag:s23] =	ssyncadd.s32 $0xFFFFFD80  }
0x2a6: {  	s18 =	simm.s32 $0x16DC0;
	v0 =	vld [tilespmem:s21+$0x10]  }
0x2a7: {  	v1 =	vld [tilespmem:s18+$0x10]  }
0x2a8: {  	v4 =	vld [tilespmem:s18+$0xFFFFFFE0]  }
0x2a9: {  	s20 =	simm.s32 $0x17040;
	v6 =	vld [tilespmem:s21+$0xFFFFFFF0]  }
0x2aa: {  	v5 =	vld [tilespmem:s20+$0x10]  }
0x2ab: {  	v7 =	vld [tilespmem:s18+$0xFFFFFFF0]  }
0x2ac: {  	v9 =	vld [tilespmem:s21+$0x0]  }
0x2ad: {  	v2 =	vld [tilespmem:s18+$0x0];
	v0 =	vmul.u32 $0x54, v0;
	v1 =	vmul.u32 $0xC, v1  }
0x2ae: {  	v3 =	vld [tilespmem:s21+$0xFFFFFFE0]  }
0x2af: {  	v6 =	vmul.u32 $0x54, v6;
	v8 =	vadd.s32 v0, v1;
	v0 =	vld [tilespmem:s20+$0xFFFFFFE0]  }
0x2b0: {  	s19 =	simm.s32 $0x1C2C0;
	v1 =	vmul.u32 $0xC, v4;
	v4 =	vadd.s32 v5, v8;
	v5 =	vld [tilespmem:s20+$0xFFFFFFF0];
	v8 =	vmul.u32 $0xC, v7  }
0x2b1: {  	s11 =	simm.s32 $0x0;
	s13 =	simm.s32 $0x16B80;
	v7 =	vmul.u32 $0x54, v9;
	[tilespmem:s19+$0x10] =	vst v4;
	v4 =	vld [tilespmem:s20+$0x0]  }
.LBB2_9:
0x2b2: {  	v9 =	vld [tilespmem:s13+$0x10];
	v6 =	vadd.s32 v6, v8;
	v2 =	vmul.u32 $0xC, v2;
	s18 =	sadd.s32 $0x40, s18  }
0x2b3: {  	s11 =	sadd.s32 $0x4, s11;
	v8 =	vld [tilespmem:s18+$0x10];
	v3 =	vmul.u32 $0x54, v3  }
0x2b4: {  	p2 =	slt.u32 s11, $0x24;
	v10 =	vld [tilespmem:s18+$0xFFFFFFE0];
	v2 =	vadd.s32 v7, v2  }
0x2b5: {  	s20 =	sadd.s32 $0x40, s20;
	v7 =	vld [tilespmem:s13+$0xFFFFFFF0];
	v1 =	vadd.s32 v3, v1;
	v3 =	vadd.s32 v5, v6  }
0x2b6: {  	v5 =	vld [tilespmem:s20+$0x10];
	v0 =	vadd.s32 v0, v1;
	[tilespmem:s19+$0xFFFFFFF0] =	vst v3;
	v1 =	vadd.s32 v4, v2  }
0x2b7: {  	v4 =	vld [tilespmem:s18+$0xFFFFFFF0];
	[tilespmem:s19+$0xFFFFFFE0] =	vst v0  }
0x2b8: {  	v0 =	vmul.u32 $0x54, v9;
	v11 =	vld [tilespmem:s13+$0x0];
	v8 =	vmul.u32 $0xC, v8;
	[tilespmem:s19+$0x0] =	vst v1  }
.Ltmp3:
0x2b9: {  	v1 =	vmul.u32 $0xC, v10;
	v2 =	vld [tilespmem:s18+$0x0];
	(pc) =	sbr.rel @p2 .LBB2_9-.Ltmp3, $4  }
0x2ba: {  	v3 =	vld [tilespmem:s13+$0xFFFFFFE0];
	v6 =	vmul.u32 $0x54, v7;
	v7 =	vadd.s32 v0, v8  }
0x2bb: {  	s19 =	sadd.s32 $0x40, s19;
	v0 =	vld [tilespmem:s20+$0xFFFFFFE0];
	v7 =	vadd.s32 v5, v7  }
0x2bc: {  	v5 =	vld [tilespmem:s20+$0xFFFFFFF0];
	v8 =	vmul.u32 $0xC, v4;
	[tilespmem:s19+$0x10] =	vst v7  }
0x2bd: {  	s13 =	sadd.s32 $0x40, s13;
	v4 =	vld [tilespmem:s20+$0x0];
	v7 =	vmul.u32 $0x54, v11  }
0x2be: {  	_ = 	snop  }
0x2bf: {  	v3 =	vmul.u32 $0x54, v3  }
0x2c0: {  	v6 =	vadd.s32 v6, v8;
	v2 =	vmul.u32 $0xC, v2  }
0x2c1: {  	v1 =	vadd.s32 v3, v1;
	v62 =	vadd.s32 v5, v6  }
0x2c2: {  	v2 =	vadd.s32 v7, v2;
	v0 =	vadd.s32 v0, v1;
	[tilespmem:s19+$0xFFFFFFF0] =	vst v62  }
0x2c3: {  	v63 =	vadd.s32 v4, v2;
	[tilespmem:s19+$0xFFFFFFE0] =	vst v0  }
0x2c4: {  	s11 =	simm.s32 @!p1 $0x4;
	[tilespmem:s19+$0x0] =	vst v63  }
0x2c5: {  	_ =	swait.ge @!p1 [sflag:s11], $0x5000  }
0x2c6: {  	[sflag:s11] =	ssyncset.done @!p1 $0x0  }
0x2c7: {  	s20 =	simm.s32 $0x1C2A0;
	[sflag:s11] =	ssyncadd.s32 @!p1 $0xFFFFB000  }
0x2c8: {  	[tilespmem:s12], [sflag:$0x6] =	stream.indirect.gather [spmem:s8], $0x20, s20, s29, $0xb8;
	[tilespmem:$0x1C520] =	vst v63  }
0x2c9: {  	s21 =	simm.s32 $0x1C320  }
0x2ca: {  	[tilespmem:s16], [sflag:$0x6] =	stream.indirect.gather [spmem:s8], $0x20, s21, s29, $0xb8;
	[tilespmem:$0x1C520] =	vst v63  }
0x2cb: {  	_ = 	snop  }
0x2cc: {  	[tilespmem:s24], [sflag:$0x6] =	stream.indirect.gather [spmem:s8], $0x20, s17, s29, $0xb8;
	[tilespmem:$0x1C520] =	vst v63  }
0x2cd: {  	_ = 	snop  }
0x2ce: {  	[tilespmem:s26], [sflag:$0x6] =	stream.indirect.gather [spmem:s8], $0x20, s25, s29, $0xb8;
	[tilespmem:$0x1C520] =	vst v63  }
0x2cf: {  	_ = 	snop  }
0x2d0: {  	[tilespmem:s7], [sflag:$0x6] =	stream.indirect.gather [spmem:s8], $0x20, s30, s29, $0xb8;
	[tilespmem:$0x1C520] =	vst v63  }
0x2d1: {  	_ =	swait.ge [sflag:s3], $0x1000  }
0x2d2: {  	[sflag:s3] =	ssyncset.done $0x0  }
0x2d3: {  	[sflag:s3] =	ssyncadd.s32 $0xFFFFF000  }
0x2d4: {  	_ =	swait.ge [sflag:s3], $0x1000  }
0x2d5: {  	[sflag:s3] =	ssyncset.done $0x0  }
0x2d6: {  	[sflag:s3] =	ssyncadd.s32 $0xFFFFF000  }
0x2d7: {  	_ =	swait.ge [sflag:s3], $0x1000  }
0x2d8: {  	[sflag:s3] =	ssyncset.done $0x0  }
0x2d9: {  	[sflag:s3] =	ssyncadd.s32 $0xFFFFF000  }
0x2da: {  	s4 =	sadd.s32 $0x1, s4;
	_ =	swait.ge [sflag:s3], $0x1000  }
0x2db: {  	p1 =	sne.s32 s4, $0x50;
	[sflag:s3] =	ssyncset.done $0x0  }
.Ltmp4:
0x2dc: {  	[sflag:s3] =	ssyncadd.s32 $0xFFFFF000;
	(pc) =	sbr.rel @p1 .LBB2_6-.Ltmp4, $4  }
0x2dd: {  	s5 =	sshll.u32 s5, $0x2;
	_ =	swait.ge [sflag:s3], $0x1000  }
0x2de: {  	s5 =	sand.u32 $0x1FFFFE00, s5;
	[sflag:s3] =	ssyncset.done $0x0  }
0x2df: {  	s5 =	sadd.s32 s6, s5;
	[sflag:s3] =	ssyncadd.s32 $0xFFFFF000  }
0x2e0: {  	[hbm4b:s5+s9] =	stream.linear.scatter [tilespmem:s12], [sflag:$0x4], $0x5000, $0x38;
	[tilespmem:$0x1C520] =	vst v63  }
0x2e1: {  	s4 =	simm.s32 $0x3  }
0x2e2: {  	_ =	swait.ge [sflag:s4], $0x5000  }
0x2e3: {  	[sflag:s4] =	ssyncset.done $0x0  }
0x2e4: {  	s5 =	simm.s32 $0x4;
	[sflag:s4] =	ssyncadd.s32 $0xFFFFB000  }
0x2e5: {  	_ =	swait.ge [sflag:s5], $0x5000  }
0x2e6: {  	s11 =	rddreg [dreg:$0xd]  }
0x2e7: {  	s21 =	rddreg [dreg:$0xc];
	s11 =	sadd.s32 $0x1, s11  }
0x2e8: {  	p1 =	sne.s32 s11, s21  }
.Ltmp5:
0x2e9: {  	_ = 	snop;
	(pc) =	sbr.rel @p1 .LBB2_1-.Ltmp5, $3  }
0x2ea: {  	_ =	sdelay $0x1  }
0x2eb: {  	[sflag:s5] =	ssyncset.done $0x0  }
0x2ec: {  	[sflag:s5] =	ssyncadd.s32 $0xFFFFB000  }
0x2ed: {  	_ =	sfence.sel $0x180000  }
0x2ee: {  	[bflag:$0x0] =	sbarrier.arrive $0xFFFF  }
0x2ef: {  	_ =	strace $0x90000047  }
0x2f0: {  	[bflag:$0x2] =	sbarrier.arrive $0xFFFF  }
0x2f1: {  	s0 =	rddreg [dreg:$0x8]  }
0x2f2: {  	s0 =	sadd.s32 @!p0 $0x100000, s0  }
0x2f3: {  	[sflag:s0] =	ssyncadd.tile.s32 @!p0 $0x1;
	_ =	shalt  }
.Lfunc_end2:
_tile_overlayer_lowered:
.L_overlay_start_2:
0x2f4: {  	(tag) =	ssettag $0x2  }
0x2f5: {  	s0 =	rddreg [dreg:$0x0];
	s2 =	stileid.u32  }
0x2f6: {  	s1 =	rddreg [dreg:$0x1];
	p0 =	sne.s32 s2, $0x0  }
0x2f7: {  	s3 =	rddreg [dreg:$0x2];
	[bflag:$0x3] =	sbarrier.arrive $0xFFFF;
	s2 =	simm.s32 @!p0 $0x1C07  }
0x2f8: {  	[timem:s3], [sflag:s2] =	dma.local @!p0 [hbm:s0], s1  }
0x2f9: {  	s0 =	simm.s32 @!p0 $0x7  }
0x2fa: {  	_ =	swait.ge @!p0 [sflag:s0], s1  }
0x2fb: {  	s1 =	ssub.s32 @!p0 $0x0, s1;
	[sflag:s0] =	ssyncset.done @!p0 $0x0  }
0x2fc: {  	[sflag:s0] =	ssyncadd.s32 @!p0 s1  }
0x2fd: {  	[bflag:$0x3] =	sbarrier.arrive $0xFFFF  }
0x2fe: {  	_ =	shalt  }

// kernel: sparse-core-data-format-call.cloned.1.call-start
scs
called_computation_lowered:
.L_overlay_start_0:
0x0: {  	s2 =	sld [smem:$0x3FD9]  }
0x1: {  	s3 =	sld [smem:$0x3FFE];
	_ =	sdelay $0x1  }
0x2: {  	s1 =	srdreg.scid  }
0x3: {  	s0 =	sand.u32 $0x1, s1  }
0x4: {  	s18 =	sshll.u32 s0, $0xA;
	s2 =	sadd.s32 s3, s2  }
0x5: {  	s2 =	sadd.s32 s2, s18  }
0x6: {  	[smem:$0x3FC2] =	sst s2  }
0x7: {  	_ = 	snop  }
0x8: {  	s2 =	sld [smem:$0x3FD0];
	(tm) =	ssettm $0x1  }
0x9: {  	s19 =	sld [smem:$0x3FFB];
	_ =	sdelay $0x3  }
0xa: {  	_ =	strace s19  }
0xb: {  	s3 =	sld [smem:$0x3FFC];
	_ =	sdelay $0x3  }
0xc: {  	_ =	strace s3  }
0xd: {  	s3 =	sld [smem:$0x3FFD];
	_ =	sdelay $0x3  }
0xe: {  	_ =	strace s3  }
0xf: {  	_ =	strace $0x8FFFFFFF  }
0x10: {  	s20 =	sld [smem:$0x3FDB];
	_ =	sdelay $0x1  }
0x11: {  	s4 =	simm.s32 $_scs_section_size  }
0x12: {  	s5 =	simm.s32 $_size__tile_overlayer_lowered;
	s6 =	simm.s32 $_tile_overlayer_lowered  }
0x13: {  	s23 =	simm.s32 $0x1BFF;
	s22 =	sshll.u32 s6, $0x1;
	s3 =	sadd.s32 s4, s20  }
0x14: {  	s7 =	simm.s32 $0x0;
	s21 =	sshll.u32 s5, $0x1;
	s5 =	sadd.s32 s22, s3  }
0x15: {  	[timem:s7], [sflag:s23] =	dma.local [hbm:s5], s21  }
0x16: {  	_ =	swait.ge [sflag:s23], s21  }
0x17: {  	s4 =	ssub.s32 $0x0, s21;
	[sflag:s23] =	ssyncset.done $0x0  }
0x18: {  	[sflag:s23] =	ssyncadd.s32 s4;
	_ =	sdelay $0x1  }
0x19: {  	s24 =	simm.s32 $0x1B8B  }
0x1a: {  	_ =	swait.ge [sflag:s24], $0x1  }
0x1b: {  	[sflag:s24] =	ssyncset.done $0x0  }
0x1c: {  	s26 =	simm.s32 $0x1B8E;
	s25 =	sld [smem:$0x3FFE];
	[sflag:s24] =	ssyncadd.s32 $0xFFFFFFFF  }
0x1d: {  	s27 =	simm.s32 $execute0_lowered;
	[smem:$0x3FD2] =	sst s26  }
0x1e: {  	s5 =	sshll.u32 s27, $0x1;
	_ =	strace $0x80000049;
	[dreg:$0x1] =	wrdreg $0xFFFFFFFF  }
0x1f: {  	s28 =	simm.s32 $_size_execute0_lowered;
	s3 =	sadd.s32 s3, s5;
	[dreg:$0x0] =	wrdreg $0x0  }
0x20: {  	s5 =	sshll.u32 s28, $0x1;
	[dreg:$0x2] =	wrdreg s3  }
0x21: {  	[dreg:$0x3] =	wrdreg s5  }
0x22: {  	[dreg:$0x4] =	wrdreg $0xC0  }
0x23: {  	_ =	task [dreg:s7], $0x5FFFF  }
0x24: {  	[dreg:$0x1] =	wrdreg $0xFFFFFFFF  }
0x25: {  	[dreg:$0x0] =	wrdreg $0x60  }
0x26: {  	[dreg:$0x2] =	wrdreg s25  }
0x27: {  	[dreg:$0x3] =	wrdreg s2  }
0x28: {  	[dreg:$0x4] =	wrdreg $0x9  }
0x29: {  	_ =	task.clear_ibuf [dreg:s7], $0x5FFFF;
	_ =	strace $0x90000049  }
0x2a: {  	s29 =	simm.s32 $0x9;
	_ =	strace $0x8000004B  }
0x2b: {  	_ =	swait.ge [sflag:s29], $0x1  }
0x2c: {  	[sflag:s29] =	ssyncadd.s32 $0xFFFFFFFF  }
0x2d: {  	_ =	strace $0x9000004B  }
0x2e: {  	_ =	sfence  }
0x2f: {  	s30 =	sld [smem:$0x0];
	_ =	sdelay $0x2  }
0x30: {  	s31 =	sshll.u32 s1, $0xD;
	s1 =	sshrl.u32 s1, $0x2  }
0x31: {  	s3 =	sand.u32 $0x4000, s31;
	s1 =	sadd.s32 s1, s30  }
0x32: {  	s0 =	sor.u32 s3, s0;
	s1 =	sshll.u32 s1, $0x11  }
0x33: {  	s0 =	sor.u32 s1, s0  }
0x34: {  	s0 =	sadd.s32 $0x8F2B, s0  }
0x35: {  	[sflag:s0] =	ssyncadd.remote.s32 $0x1  }
0x36: {  	_ =	sfence.sel $0xFFFF  }
0x37: {  	[dreg:$0x0] =	wrdreg $0xFFFFFFFF;
	(pc) =	sbr.abs _section_cstart, $3  }
0x38: {  	[dreg:$0x1] =	wrdreg $0xFFFFFFFF  }
0x39: {  	_ =	task.clear_ibuf [dreg:s7], $0x2FFFF;
	_ =	strace $0x9FFFFFFF  }
0x3a: {  	(tm) =	ssettm $0x7FFFFFFF  }
0x3b: {  	_ =	shalt  }
tec
execute0_lowered:
.L_overlay_start_1:
0x0: {  	(tag) =	ssettag $0x1  }
0x1: {  	s0 =	srdreg.scid  }
0x2: {  	s1 =	sshll.u32 s0, $0x4  }
0x3: {  	s4 =	rddreg [dreg:$0x0];
	s0 =	stileid.u32;
	s1 =	sand.u32 $0x10, s1  }
0x4: {  	s2 =	rddreg [dreg:$0x1];
	s7 =	simm.s32 $0x1;
	s1 =	sor.u32 s0, s1  }
0x5: {  	s8 =	simm.s32 $0x2;
	s11 =	simm.s32 $0x0;
	s3 =	sshll.u32 s1, $0x7  }
0x6: {  	s10 =	simm.s32 $0x0;
	s4 =	sadd.s32 $0x800, s4;
	s6 =	ssub.s32 $0x320000, s3  }
.Ltmp0:
0x7: {  	s1 =	rddreg [dreg:$0x2];
	s5 =	sand.u32 $0xF80, s6;
	(pc) =	sbr.rel .LBB1_1-.Ltmp0, $4  }
0x8: {  	_ =	strace $0x8000004A;
	s9 =	smov.u32 s3;
	p0 =	sne.s32 s5, $0x0  }
0x9: {  	s6 =	sshrl.u32 s6, $0xC;
	s5 =	simm.s32 $0x1;
	s7 =	simm.s32 @!p0 $0x0  }
0xa: {  	[sflag:s5] =	ssyncpa.u1 $0x0;
	p0 =	por $0x0, $0x0;
	s6 =	sadd.s32 s7, s6  }
0xb: {  	[sflag:s8] =	ssyncpa.u1 $0x0;
	s8 =	simm.s32 $0x1900000;
	s7 =	sadd.s32 $0x1, s6  }
.LBB1_4:
0xc: {  	s14 =	sshll.u32 s11, $0x3  }
0xd: {  	s30 =	sand.u32 $0x7F, s11;
	s15 =	sand.u32 $0xFFFFFC00, s14  }
0xe: {  	s11 =	sor.u32 s30, s15  }
0xf: {  	s15 =	smulhi.u32 $0x51EB851F, s11  }
0x10: {  	s14 =	smulhi.u32 $0x51EB851F, s14  }
0x11: {  	s15 =	sshrl.u32 s15, $0x14  }
0x12: {  	s14 =	sshrl.u32 s14, $0x14;
	s15 =	smul.u32 $0x320000, s15  }
0x13: {  	s14 =	sand.u32 $0x1F, s14  }
0x14: {  	s14 =	smul.u32 $0x64000, s14;
	s11 =	ssub.s32 s11, s15  }
0x15: {  	s15 =	sand.u32 $0x7, s11  }
0x16: {  	s14 =	sadd.s32 s2, s14;
	s11 =	sshrl.u32 s11, $0x3;
	s15 =	sshll.u32 s15, $0x12  }
0x17: {  	[tilespmem:s13+$0x0 ss:$0x81] =	vst.msk $0xffff, v0;
	s11 =	sadd.s32 s11, s14;
	s31 =	sor.u32 $0x400, s15  }
0x18: {  	[hbm4b:s11+s31] =	stream.strided.scatter [tilespmem:s12], [sflag:$0x2], $0x1000, s8, s31, $0x20;
	[tilespmem:$0x4040] =	vst v63  }
.LBB1_5:
0x19: {  	s13 =	sadd.s32 $0x1000, s9  }
0x1a: {  	p2 =	sgt.s32 s13, $0x31FFFF  }
0x1b: {  	s13 =	smov.u32 @p2 s3;
	p2 =	sne.s32 s10, s7  }
.Ltmp1:
0x1c: {  	p1 =	slt.u32 s10, $0x2;
	(pc) =	sbr.rel @!p2 .LBB1_6-.Ltmp1, $4  }
0x1d: {  	s12 =	simm.s32 @!p1 $0x2  }
0x1e: {  	s14 =	sadd.s32 $0x1, s10;
	_ =	swait.ge @!p1 [sflag:s12], $0x1000  }
0x1f: {  	s11 =	smov.u32 s9;
	p0 =	por !p0, !p0;
	[sflag:s12] =	ssyncset.done @!p1 $0x0  }
0x20: {  	s10 =	smov.u32 s14;
	s9 =	smov.u32 s13;
	[sflag:s12] =	ssyncadd.s32 @!p1 $0xFFFFF000  }
.LBB1_1:
0x21: {  	p1 =	sge.u32 s10, s6  }
0x22: {  	s12 =	sand.u32 @!p1 $0x1FFFFFF, s9  }
0x23: {  	s13 =	smulhi.u32 @!p1 $0x147AE15, s12;
	_ =	sdelay $0x1  }
0x24: {  	s13 =	sshrl.u32 @!p1 s13, $0xE  }
0x25: {  	s13 =	smul.u32 @!p1 $0x320000, s13;
	_ =	sdelay $0x1  }
0x26: {  	s31 =	sadd.s32 $0xFFFFFFFF, s10;
	s14 =	sxor.u32 @!p1 $0xFFFFFFFF, s10;
	s12 =	ssub.s32 @!p1 s12, s13  }
0x27: {  	s15 =	simm.s32 @!p1 $0x80;
	s14 =	sshll.u32 @!p1 s14, $0xC;
	s12 =	sshll.u32 @!p1 s12, $0x4  }
0x28: {  	s13 =	sand.u32 @!p1 $0x1000, s14;
	s14 =	simm.s32 @!p1 $0x20;
	s12 =	sadd.s32 @!p1 s4, s12  }
0x29: {  	[tilespmem:s13], [sflag:$0x1] =	stream.strided.gather @!p1 [hbm4b:s12+s14], $0x1000, s15, s14, $0x38;
	[tilespmem:$0x4040] =	vst v63  }
0x2a: {  	p1 =	sge.u32 s31, s6  }
.Ltmp2:
0x2b: {  	_ = 	snop;
	(pc) =	sbr.rel @p1 .LBB1_5-.Ltmp2, $1  }
0x2c: {  	_ =	sdelay $0x3  }
0x2d: {  	s12 =	simm.s32 $0x1  }
0x2e: {  	_ =	swait.ge [sflag:s5], $0x1000;
	s12 =	simm.s32 @!p0 $0x0  }
0x2f: {  	[sflag:s5] =	ssyncset.done $0x0;
	s13 =	sshll.u32 s12, $0xC  }
0x30: {  	[sflag:s5] =	ssyncadd.s32 $0xFFFFF000;
	s16 =	sor.u32 $0x10, s13  }
0x31: {  	s12 =	smul.u32 $0x4080, s12;
	v1 =	vld [tilespmem:s16+$0x0]  }
0x32: {  	s30 =	sand.u32 $0x1, s10;
	v0 =	vld [tilespmem:s16+$0xFFFFFFF0]  }
0x33: {  	s13 =	smul.u32 $0x4080, s30;
	s12 =	sshrl.u32 s12, $0x2  }
0x34: {  	s14 =	sor.u32 $0x2000, s12  }
0x35: {  	s31 =	sshrl.u32 s13, $0x2;
	s13 =	sadd.s32 $0x0, s14  }
0x36: {  	s15 =	simm.s32 $0x4;
	s16 =	sadd.s32 $0x20, s16;
	s12 =	sor.u32 $0x2000, s31;
	[tilespmem:s13+$0x810 ss:$0x81] =	vst.msk $0xffff, v1  }
.LBB1_3:
0x37: {  	v1 =	vld [tilespmem:s16+$0x0];
	p1 =	sne.s32 s15, $0x1FC;
	[tilespmem:s13+$0x0 ss:$0x81] =	vst.msk $0xffff, v0;
	s13 =	smov.u32 s15;
	s15 =	sadd.s32 $0x4, s15  }
.Ltmp3:
0x38: {  	v0 =	vld [tilespmem:s16+$0xFFFFFFF0];
	(pc) =	sbr.rel @p1 .LBB1_3-.Ltmp3, $4  }
0x39: {  	_ = 	snop  }
0x3a: {  	s13 =	sshra.s32 s13, $0x2  }
0x3b: {  	s13 =	sadd.s32 s13, s14  }
0x3c: {  	s16 =	sadd.s32 $0x20, s16;
	[tilespmem:s13+$0x810 ss:$0x81] =	vst.msk $0xffff, v1  }
.Ltmp4:
0x3d: {  	_ = 	snop;
	(pc) =	sbr.rel .LBB1_4-.Ltmp4, $1  }
0x3e: {  	_ =	sdelay $0x3  }
.LBB1_6:
0x3f: {  	_ =	sfence.sel $0x180000  }
0x40: {  	s2 =	simm.s32 $0x1;
	[bflag:$0x0] =	sbarrier.arrive $0xFFFF  }
0x41: {  	s31 =	simm.s32 $0x2;
	[sflag:s2] =	ssyncpa.u1 $0x1  }
0x42: {  	[sflag:s31] =	ssyncpa.u1 $0x1  }
0x43: {  	p0 =	sne.s32 s0, $0x0;
	_ =	strace $0x9000004A  }
0x44: {  	s0 =	sadd.s32 @!p0 $0x100000, s1;
	[bflag:$0x2] =	sbarrier.arrive $0xFFFF  }
0x45: {  	[sflag:s0] =	ssyncadd.tile.s32 @!p0 $0x1;
	_ =	shalt  }
.Lfunc_end1:
_tile_overlayer_lowered:
.L_overlay_start_2:
0x46: {  	(tag) =	ssettag $0x2  }
0x47: {  	s0 =	rddreg [dreg:$0x0];
	s2 =	stileid.u32  }
0x48: {  	s1 =	rddreg [dreg:$0x1];
	p0 =	sne.s32 s2, $0x0  }
0x49: {  	s3 =	rddreg [dreg:$0x2];
	[bflag:$0x3] =	sbarrier.arrive $0xFFFF;
	s2 =	simm.s32 @!p0 $0x1C01  }
0x4a: {  	[timem:s3], [sflag:s2] =	dma.local @!p0 [hbm:s0], s1  }
0x4b: {  	s0 =	simm.s32 @!p0 $0x1  }
0x4c: {  	_ =	swait.ge @!p0 [sflag:s0], s1  }
0x4d: {  	s1 =	ssub.s32 @!p0 $0x0, s1;
	[sflag:s0] =	ssyncset.done @!p0 $0x0  }
0x4e: {  	[sflag:s0] =	ssyncadd.s32 @!p0 s1  }
0x4f: {  	[bflag:$0x3] =	sbarrier.arrive $0xFFFF  }
0x50: {  	_ =	shalt  }

</sc_bundles>
